<compile_context>
chip_gen: v7x
topology: tpu7x:2x2x1
jax: 0.10.2.dev20260603
libtpu: 0.0.44.dev20260713+nightly
codegen_flags: <defaults>
</compile_context>

<pallas_src>
import functools

import jax
import jax.numpy as jnp
from jax import lax
from jax.experimental import pallas as pl
from jax.experimental.pallas import tpu as pltpu
from jax.experimental.pallas import tpu_sc as plsc

_NC = 2
_NS = 16


def _pick_div(n, cands):
    for c in cands:
        if n % c == 0:
            return c
    raise ValueError(f"no block size for {n} in {cands}")


def _make_init(n, d, na, nchi, ncode, bn):
    nb = n // bn

    def body(x_ref, e1_ref, e2_ref, ec_ref, h_ref, r_ref):
        x0 = jnp.clip(x_ref[:, 0:1], 0, na - 1)
        x1 = jnp.clip(x_ref[:, 1:2], 0, nchi - 1)
        oh0 = (x0 == lax.broadcasted_iota(jnp.int32, (1, na), 1)).astype(jnp.float32)
        oh1 = (x1 == lax.broadcasted_iota(jnp.int32, (1, nchi), 1)).astype(jnp.float32)
        h = (jnp.dot(oh0, e1_ref[...], preferred_element_type=jnp.float32,
                     precision=lax.Precision.HIGHEST)
             + jnp.dot(oh1, e2_ref[...], preferred_element_type=jnp.float32,
                       precision=lax.Precision.HIGHEST))
        h_ref[...] = h
        for c in range(ncode):
            r_ref[:, c, :] = jnp.maximum(h + ec_ref[c:c + 1, :], 0.0)

    return pl.pallas_call(
        body,
        grid=(nb,),
        in_specs=[
            pl.BlockSpec((bn, 2), lambda j: (j, 0)),
            pl.BlockSpec((na, d), lambda j: (0, 0)),
            pl.BlockSpec((nchi, d), lambda j: (0, 0)),
            pl.BlockSpec((ncode, d), lambda j: (0, 0)),
        ],
        out_specs=[
            pl.BlockSpec((bn, d), lambda j: (j, 0)),
            pl.BlockSpec((bn, ncode, d), lambda j: (j, 0, 0)),
        ],
        out_shape=[
            jax.ShapeDtypeStruct((n, d), jnp.float32),
            jax.ShapeDtypeStruct((n, ncode, d), jnp.float32),
        ],
    )


def _make_edge(n, d, e, chunk):
    nw = _NC * _NS
    epw = e // nw
    iters = epw // chunk
    rows_step = (n // _NS) // 8 * 8
    rows_span = n - (_NS - 1) * rows_step

    mesh = plsc.VectorSubcoreMesh(core_axis_name="c", subcore_axis_name="s",
                                  num_cores=_NC, num_subcores=_NS)

    @functools.partial(
        pl.kernel,
        mesh=mesh,
        out_type=jax.ShapeDtypeStruct((_NC, n, d), jnp.float32),
        scratch_types=[
            pltpu.VMEM((chunk,), jnp.int32),
            pltpu.VMEM((chunk,), jnp.int32),
            pltpu.VMEM((chunk, d), jnp.float32),
            pltpu.VMEM_SHARED((n, d), jnp.float32),
            pltpu.SemaphoreType.DMA,
        ],
    )
    def edge_k(r_hbm, gidx_hbm, dst_hbm, zero_hbm, out_hbm,
               gi_v, di_v, rows_v, agg_sh, sem):
        cid = lax.axis_index("c")
        sid = lax.axis_index("s")
        w = cid * _NS + sid

        pltpu.sync_copy(zero_hbm, agg_sh.at[pl.ds(sid * rows_step, rows_span)])
        plsc.subcore_barrier()

        def body(k, carry):
            base = w * epw + k * chunk
            pltpu.sync_copy(gidx_hbm.at[pl.ds(base, chunk)], gi_v)
            pltpu.sync_copy(dst_hbm.at[pl.ds(base, chunk)], di_v)
            pltpu.async_copy(r_hbm.at[gi_v], rows_v, sem).wait()
            pltpu.sync_copy(rows_v, agg_sh.at[di_v], add=True)
            return carry

        lax.fori_loop(0, iters, body, 0)
        plsc.subcore_barrier()

        pltpu.sync_copy(
            agg_sh.at[pl.ds(sid * rows_step, rows_span)],
            out_hbm.at[cid, pl.ds(sid * rows_step, rows_span)])

    return edge_k


def _make_dense(n, d, ncode, bn, has_next, relu_out):
    nb = n // bn

    def body(*refs):
        if has_next:
            (h_ref, a0_ref, a1_ref, sl_ref, w1_ref, b1_ref, w2_ref, b2_ref,
             g_ref, be_ref, ep_ref, ec_ref, hn_ref, rn_ref,
             h2buf, ssum, ssq) = refs
        else:
            (h_ref, a0_ref, a1_ref, sl_ref, w1_ref, b1_ref, w2_ref, b2_ref,
             g_ref, be_ref, ep_ref, hn_ref, h2buf, ssum, ssq) = refs
        p = pl.program_id(0)
        j = pl.program_id(1)

        @pl.when(p == 0)
        def _phase0():
            @pl.when(j == 0)
            def _init():
                ssum[...] = jnp.zeros_like(ssum)
                ssq[...] = jnp.zeros_like(ssq)

            out = ep_ref[...] * h_ref[...] + (a0_ref[...] + a1_ref[...] + sl_ref[...])
            hmid = jnp.maximum(
                jnp.dot(out.astype(jnp.bfloat16),
                        w1_ref[...].astype(jnp.bfloat16),
                        preferred_element_type=jnp.float32)
                + b1_ref[...], 0.0)
            h2 = (jnp.dot(hmid.astype(jnp.bfloat16),
                          w2_ref[...].astype(jnp.bfloat16),
                          preferred_element_type=jnp.float32)
                  + b2_ref[...])
            h2buf[pl.ds(j * bn, bn), :] = h2
            ssum[...] += jnp.sum(h2, axis=0, keepdims=True)
            ssq[...] += jnp.sum(h2 * h2, axis=0, keepdims=True)

        @pl.when(p == 1)
        def _phase1():
            mean = ssum[...] * (1.0 / n)
            var = ssq[...] * (1.0 / n) - mean * mean
            v = var + 1e-5
            y = lax.rsqrt(v)
            y = y * (1.5 - 0.5 * v * y * y)
            y = y * (1.5 - 0.5 * v * y * y)
            scale = y * g_ref[...]
            shift = be_ref[...] - mean * scale
            h2 = h2buf[pl.ds(j * bn, bn), :]
            hn = h2 * scale + shift
            if relu_out:
                hn = jnp.maximum(hn, 0.0)
            hn_ref[...] = hn
            if has_next:
                for c in range(ncode):
                    rn_ref[:, c, :] = jnp.maximum(hn + ec_ref[c:c + 1, :], 0.0)

    node_in = pl.BlockSpec((bn, d), lambda p, j: ((1 - p) * j, 0))

    def whole(shape):
        zero = tuple(0 for _ in shape)
        return pl.BlockSpec(shape, lambda p, j, _z=zero: _z)

    in_specs = [
        node_in, node_in, node_in, node_in,
        whole((d, 2 * d)), whole((1, 2 * d)), whole((2 * d, d)), whole((1, d)),
        whole((1, d)), whole((1, d)), whole((1, d)),
    ]
    out_specs = [pl.BlockSpec((bn, d), lambda p, j: (p * j, 0))]
    out_shape = [jax.ShapeDtypeStruct((n, d), jnp.float32)]
    if has_next:
        in_specs.append(whole((ncode, d)))
        out_specs.append(pl.BlockSpec((bn, ncode, d), lambda p, j: (p * j, 0, 0)))
        out_shape.append(jax.ShapeDtypeStruct((n, ncode, d), jnp.float32))

    return pl.pallas_call(
        body,
        grid=(2, nb),
        in_specs=in_specs,
        out_specs=out_specs,
        out_shape=out_shape,
        scratch_shapes=[
            pltpu.VMEM((n, d), jnp.float32),
            pltpu.VMEM((1, d), jnp.float32),
            pltpu.VMEM((1, d), jnp.float32),
        ],
    )


def kernel(x, edge_index, edge_attr, x_emb1, x_emb2, edge_emb1, edge_emb2,
           W1, b1, W2, b2, eps, bn_gamma, bn_beta):
    n = x.shape[0]
    d = x_emb1.shape[1]
    num_layers = W1.shape[0]
    na = x_emb1.shape[0]
    nchi = x_emb2.shape[0]
    nbond = edge_emb1.shape[1]
    ndir = edge_emb2.shape[1]
    ncode = nbond * ndir
    e = edge_index.shape[1]
    nw = _NC * _NS
    assert e % nw == 0 and n % _NS == 0

    bn = _pick_div(n, (400, 320, 256, 200, 128, 80, 64, 40, 16, 8))
    chunk = _pick_div(e // nw, (80, 64, 48, 32, 16, 8))

    ecomb = (edge_emb1[:, :, None, :] + edge_emb2[:, None, :, :]).reshape(
        num_layers, ncode, d)

    src = edge_index[0].astype(jnp.int32)
    dst = edge_index[1].astype(jnp.int32)
    e0 = jnp.clip(edge_attr[:, 0], 0, nbond - 1).astype(jnp.int32)
    e1 = jnp.clip(edge_attr[:, 1], 0, ndir - 1).astype(jnp.int32)
    gidx = src * ncode + e0 * ndir + e1
    rows_step = (n // _NS) // 8 * 8
    rows_span = n - (_NS - 1) * rows_step
    zeros_tile = jnp.zeros((rows_span, d), jnp.float32)

    init_call = _make_init(n, d, na, nchi, ncode, bn)
    edge_call = _make_edge(n, d, e, chunk)

    h, r = init_call(x.astype(jnp.int32), x_emb1, x_emb2, ecomb[0])
    for i in range(num_layers):
        aggs = edge_call(r.reshape(n * ncode, d), gidx, dst, zeros_tile)
        sl = r[:, 0, :]
        epsb = jnp.full((1, d), 1.0, jnp.float32) + eps[i]
        last = i == num_layers - 1
        dense_call = _make_dense(n, d, ncode, bn, has_next=not last,
                                 relu_out=not last)
        args = [h, aggs[0], aggs[1], sl, W1[i], b1[i][None, :], W2[i],
                b2[i][None, :], bn_gamma[i][None, :], bn_beta[i][None, :], epsb]
        if not last:
            args.append(ecomb[i + 1])
            h, r = dense_call(*args)
        else:
            out = dense_call(*args)
            h = out[0] if isinstance(out, (list, tuple)) else out
    return h

# --- scband reference (transcript-rebuilt; emitter-appended) ---
"""Pipeline reference for scband-mol-clrginper-layer-edge-67353677136444 (READ-ONLY COPY).

The authoritative reference and input builder live on the scoring server;
editing this copy changes nothing except your own understanding.
"""

import jax, jax.numpy as jnp
import numpy as np

N = 10000
E = 320000
D = 128
L = 5
NUM_ATOM = 120
NUM_CHI = 3
NUM_BOND = 6
NUM_DIR = 3


def setup_inputs(seed: int = 0) -> dict:
    key = jax.random.key(seed)
    ks = jax.random.split(key, 16)
    x = jax.random.randint(ks[0], (N, 2), 0, 120)
    edge_index = jax.random.randint(ks[1], (2, E), 0, N)
    edge_attr = jax.random.randint(ks[2], (E, 2), 0, 3)
    s = 0.02
    x_emb1 = jax.random.normal(ks[3], (NUM_ATOM, D), jnp.float32) * s
    x_emb2 = jax.random.normal(ks[4], (NUM_CHI, D), jnp.float32) * s
    edge_emb1 = jax.random.normal(ks[5], (L, NUM_BOND, D), jnp.float32) * s
    edge_emb2 = jax.random.normal(ks[6], (L, NUM_DIR, D), jnp.float32) * s
    W1 = jax.random.normal(ks[7], (L, D, 2 * D), jnp.float32) * (1.0 / np.sqrt(D))
    b1 = jnp.zeros((L, 2 * D), jnp.float32)
    W2 = jax.random.normal(ks[8], (L, 2 * D, D), jnp.float32) * (1.0 / np.sqrt(2 * D))
    b2 = jnp.zeros((L, D), jnp.float32)
    eps = jnp.zeros((L,), jnp.float32)
    bn_gamma = jnp.ones((L, D), jnp.float32)
    bn_beta = jnp.zeros((L, D), jnp.float32)
    return {"x": x, "edge_index": edge_index, "edge_attr": edge_attr,
            "x_emb1": x_emb1, "x_emb2": x_emb2,
            "edge_emb1": edge_emb1, "edge_emb2": edge_emb2,
            "W1": W1, "b1": b1, "W2": W2, "b2": b2,
            "eps": eps, "bn_gamma": bn_gamma, "bn_beta": bn_beta}


def reference(x, edge_index, edge_attr, x_emb1, x_emb2, edge_emb1, edge_emb2,
              W1, b1, W2, b2, eps, bn_gamma, bn_beta):
    n = x.shape[0]
    x0 = jnp.clip(x[:, 0], 0, x_emb1.shape[0] - 1)
    x1 = jnp.clip(x[:, 1], 0, x_emb2.shape[0] - 1)
    h = x_emb1[x0] + x_emb2[x1]
    # add_self_loops
    loop = jnp.arange(n, dtype=edge_index.dtype)
    ei = jnp.concatenate([edge_index, jnp.stack([loop, loop], axis=0)], axis=1)
    ea = jnp.concatenate([edge_attr, jnp.zeros((n, 2), dtype=edge_attr.dtype)], axis=0)
    src = ei[0]
    dst = ei[1]
    e0 = jnp.clip(ea[:, 0], 0, edge_emb1.shape[1] - 1)
    e1 = jnp.clip(ea[:, 1], 0, edge_emb2.shape[1] - 1)
    num_layers = W1.shape[0]
    for i in range(num_layers):
        e = edge_emb1[i][e0] + edge_emb2[i][e1]
        m = jax.nn.relu(h[src] + e)
        agg = jnp.zeros_like(h).at[dst].add(m)
        out = (1.0 + eps[i]) * h + agg
        hmid = jax.nn.relu(out @ W1[i] + b1[i])
        h = hmid @ W2[i] + b2[i]
        # BatchNorm1d in training mode (batch statistics over nodes)
        mean = jnp.mean(h, axis=0)
        var = jnp.var(h, axis=0)
        h = (h - mean) / jnp.sqrt(var + 1e-5) * bn_gamma[i] + bn_beta[i]
        if i < num_layers - 1:
            h = jax.nn.relu(h)
        # dropout p=0.0 -> no-op
    return h

if __name__ == "__main__":
    import jax
    _d = setup_inputs()
    print(jax.jit(kernel)(*tuple(_d.values())))

</pallas_src>

<mosaic_0001>
#map = affine_map<(d0, d1) -> (0, 0)>
#map1 = affine_map<(d0, d1) -> (0)>
#map2 = affine_map<(d0, d1) -> (0, 0, 0)>
module attributes {stable_mosaic.version = 14 : i64} {
  func.func @edge_k(%arg0: i32, %arg1: i32, %arg2: memref<180000x128xf32, #tpu.memory_space<hbm>>, %arg3: memref<320000xi32, #tpu.memory_space<hbm>>, %arg4: memref<320000xi32, #tpu.memory_space<hbm>>, %arg5: memref<640x128xf32, #tpu.memory_space<hbm>>, %arg6: memref<2x10000x128xf32, #tpu.memory_space<hbm>>, %arg7: memref<80xi32, #tpu.memory_space<vmem>>, %arg8: memref<80xi32, #tpu.memory_space<vmem>>, %arg9: memref<80x128xf32, #tpu.memory_space<vmem>>, %arg10: memref<10000x128xf32, #tpu.memory_space<vmem_shared>>, %arg11: memref<!tpu.dma_semaphore, #tpu.memory_space<semaphore_mem>>) attributes {dimension_semantics = [#tpu.dimension_semantics<core_parallel>, #tpu.dimension_semantics<subcore_parallel>], iteration_bounds = array<i64: 2, 16>, scalar_prefetch = 0 : i64, scratch_operands = 5 : i64, tpu.core_type = #tpu.core_type<sc_vector_subcore>, window_params = [{transform_indices = #map}, {transform_indices = #map1}, {transform_indices = #map1}, {transform_indices = #map}, {transform_indices = #map2}]} {
    %mul3A = arith.constant 16 : i32
    %mul3A_0 = arith.muli %arg0, %mul3A : i32
    %add3A = arith.addi %mul3A_0, %arg1 : i32
    %mul3A_1 = arith.constant 624 : i32
    %mul3A_2 = arith.muli %arg1, %mul3A_1 : i32
    "tpu.region"() ({
      %run_scoped3A = tpu.sem_alloc : memref<!tpu.dma_semaphore, #tpu.memory_space<semaphore_mem>>
      %dma_start3A = arith.constant 0 : i32
      %dma_start3A_13 = tpu.memref_slice %arg10[%mul3A_2, %dma_start3A] : memref<10000x128xf32, #tpu.memory_space<vmem_shared>> -> memref<640x128xf32, #tpu.memory_space<vmem_shared>>
      tpu.enqueue_dma source(%arg5 : memref<640x128xf32, #tpu.memory_space<hbm>>) target(%dma_start3A_13 : memref<640x128xf32, #tpu.memory_space<vmem_shared>>) target_semaphore(%run_scoped3A : memref<!tpu.dma_semaphore, #tpu.memory_space<semaphore_mem>>)
      %dma_wait3A = arith.constant 0 : i32
      %dma_wait3A_14 = tpu.memref_slice %arg10[%mul3A_2, %dma_wait3A] : memref<10000x128xf32, #tpu.memory_space<vmem_shared>> -> memref<640x128xf32, #tpu.memory_space<vmem_shared>>
      tpu.wait_dma2 semaphore(%run_scoped3A : memref<!tpu.dma_semaphore, #tpu.memory_space<semaphore_mem>>) src(%arg5 : memref<640x128xf32, #tpu.memory_space<hbm>>) dst(%dma_wait3A_14 : memref<640x128xf32, #tpu.memory_space<vmem_shared>>)
      tpu.yield
    }) : () -> ()
    %barrier3A = arith.constant 0 : index
    tpu.barrier barrier_id(%barrier3A)
    %scan3A = arith.constant 0 : i32
    %scan3A_3 = arith.constant 0 : i32
    %scan3A_4 = arith.constant 125 : i32
    %scan3A_5 = arith.addi %scan3A_3, %scan3A_4 : i32
    %scan3A_6 = arith.constant 1 : i32
    scf.for %scan3A_13 = %scan3A_3 to %scan3A_5 step %scan3A_6  : i32 {
      %mul3A_14 = arith.constant 10000 : i32
      %mul3A_15 = arith.muli %add3A, %mul3A_14 : i32
      %mul3A_16 = arith.constant 80 : i32
      %mul3A_17 = arith.muli %scan3A_13, %mul3A_16 : i32
      %add3A_18 = arith.addi %mul3A_15, %mul3A_17 : i32
      "tpu.region"() ({
        %run_scoped3A = tpu.sem_alloc : memref<!tpu.dma_semaphore, #tpu.memory_space<semaphore_mem>>
        %dma_start3A_23 = tpu.memref_slice %arg3[%add3A_18] : memref<320000xi32, #tpu.memory_space<hbm>> -> memref<80xi32, #tpu.memory_space<hbm>>
        %dma_start3A_24 = tpu.memref_slice %arg3[%add3A_18] : memref<320000xi32, #tpu.memory_space<hbm>> -> memref<80xi32, #tpu.memory_space<hbm>>
        tpu.enqueue_dma source(%dma_start3A_24 : memref<80xi32, #tpu.memory_space<hbm>>) target(%arg7 : memref<80xi32, #tpu.memory_space<vmem>>) target_semaphore(%run_scoped3A : memref<!tpu.dma_semaphore, #tpu.memory_space<semaphore_mem>>)
        %dma_wait3A_25 = tpu.memref_slice %arg3[%add3A_18] : memref<320000xi32, #tpu.memory_space<hbm>> -> memref<80xi32, #tpu.memory_space<hbm>>
        %dma_wait3A_26 = tpu.memref_slice %arg3[%add3A_18] : memref<320000xi32, #tpu.memory_space<hbm>> -> memref<80xi32, #tpu.memory_space<hbm>>
        tpu.wait_dma2 semaphore(%run_scoped3A : memref<!tpu.dma_semaphore, #tpu.memory_space<semaphore_mem>>) src(%dma_wait3A_26 : memref<80xi32, #tpu.memory_space<hbm>>) dst(%arg7 : memref<80xi32, #tpu.memory_space<vmem>>)
        tpu.yield
      }) : () -> ()
      "tpu.region"() ({
        %run_scoped3A = tpu.sem_alloc : memref<!tpu.dma_semaphore, #tpu.memory_space<semaphore_mem>>
        %dma_start3A_23 = tpu.memref_slice %arg4[%add3A_18] : memref<320000xi32, #tpu.memory_space<hbm>> -> memref<80xi32, #tpu.memory_space<hbm>>
        %dma_start3A_24 = tpu.memref_slice %arg4[%add3A_18] : memref<320000xi32, #tpu.memory_space<hbm>> -> memref<80xi32, #tpu.memory_space<hbm>>
        tpu.enqueue_dma source(%dma_start3A_24 : memref<80xi32, #tpu.memory_space<hbm>>) target(%arg8 : memref<80xi32, #tpu.memory_space<vmem>>) target_semaphore(%run_scoped3A : memref<!tpu.dma_semaphore, #tpu.memory_space<semaphore_mem>>)
        %dma_wait3A_25 = tpu.memref_slice %arg4[%add3A_18] : memref<320000xi32, #tpu.memory_space<hbm>> -> memref<80xi32, #tpu.memory_space<hbm>>
        %dma_wait3A_26 = tpu.memref_slice %arg4[%add3A_18] : memref<320000xi32, #tpu.memory_space<hbm>> -> memref<80xi32, #tpu.memory_space<hbm>>
        tpu.wait_dma2 semaphore(%run_scoped3A : memref<!tpu.dma_semaphore, #tpu.memory_space<semaphore_mem>>) src(%dma_wait3A_26 : memref<80xi32, #tpu.memory_space<hbm>>) dst(%arg8 : memref<80xi32, #tpu.memory_space<vmem>>)
        tpu.yield
      }) : () -> ()
      %dma_start3A = arith.constant 0 : i32
      %dma_start3A_19 = arith.constant 0 : i32
      %dma_start3A_20 = tpu.memref_slice %arg2[%dma_start3A, %dma_start3A_19] : memref<180000x128xf32, #tpu.memory_space<hbm>> -> memref<180000x128xf32, #tpu.memory_space<hbm>>
      tpu.enqueue_indirect_dma source(%dma_start3A_20 : memref<180000x128xf32, #tpu.memory_space<hbm>>) target(%arg9 : memref<80x128xf32, #tpu.memory_space<vmem>>) offsets(%arg7 : memref<80xi32, #tpu.memory_space<vmem>>) semaphore(%arg11 : memref<!tpu.dma_semaphore, #tpu.memory_space<semaphore_mem>>)
      %dma_wait3A = arith.constant 0 : i32
      %dma_wait3A_21 = arith.constant 0 : i32
      %dma_wait3A_22 = tpu.memref_slice %arg2[%dma_wait3A, %dma_wait3A_21] : memref<180000x128xf32, #tpu.memory_space<hbm>> -> memref<180000x128xf32, #tpu.memory_space<hbm>>
      tpu.wait_indirect_dma semaphore(%arg11 : memref<!tpu.dma_semaphore, #tpu.memory_space<semaphore_mem>>) src(%dma_wait3A_22 : memref<180000x128xf32, #tpu.memory_space<hbm>>) dst(%arg9 : memref<80x128xf32, #tpu.memory_space<vmem>>)
      "tpu.region"() ({
        %run_scoped3A = tpu.sem_alloc : memref<!tpu.dma_semaphore, #tpu.memory_space<semaphore_mem>>
        %dma_start3A_23 = arith.constant 0 : i32
        %dma_start3A_24 = arith.constant 0 : i32
        %dma_start3A_25 = tpu.memref_slice %arg10[%dma_start3A_23, %dma_start3A_24] : memref<10000x128xf32, #tpu.memory_space<vmem_shared>> -> memref<10000x128xf32, #tpu.memory_space<vmem_shared>>
        tpu.enqueue_indirect_dma source(%arg9 : memref<80x128xf32, #tpu.memory_space<vmem>>) target(%dma_start3A_25 : memref<10000x128xf32, #tpu.memory_space<vmem_shared>>) offsets(%arg8 : memref<80xi32, #tpu.memory_space<vmem>>) semaphore(%run_scoped3A : memref<!tpu.dma_semaphore, #tpu.memory_space<semaphore_mem>>) {add = true}
        %dma_wait3A_26 = arith.constant 0 : i32
        %dma_wait3A_27 = arith.constant 0 : i32
        %dma_wait3A_28 = tpu.memref_slice %arg10[%dma_wait3A_26, %dma_wait3A_27] : memref<10000x128xf32, #tpu.memory_space<vmem_shared>> -> memref<10000x128xf32, #tpu.memory_space<vmem_shared>>
        tpu.wait_indirect_dma semaphore(%run_scoped3A : memref<!tpu.dma_semaphore, #tpu.memory_space<semaphore_mem>>) src(%arg9 : memref<80x128xf32, #tpu.memory_space<vmem>>) dst(%dma_wait3A_28 : memref<10000x128xf32, #tpu.memory_space<vmem_shared>>)
        tpu.yield
      }) : () -> ()
    }
    %scan3A_7 = arith.constant 125 : i32
    %barrier3A_8 = arith.constant 0 : index
    tpu.barrier barrier_id(%barrier3A_8)
    %mul3A_9 = arith.constant 624 : i32
    %mul3A_10 = arith.muli %arg1, %mul3A_9 : i32
    %mul3A_11 = arith.constant 624 : i32
    %mul3A_12 = arith.muli %arg1, %mul3A_11 : i32
    "tpu.region"() ({
      %run_scoped3A = tpu.sem_alloc : memref<!tpu.dma_semaphore, #tpu.memory_space<semaphore_mem>>
      %dma_start3A = arith.constant 0 : i32
      %dma_start3A_13 = tpu.memref_slice %arg6[%arg0, %mul3A_12, %dma_start3A] : memref<2x10000x128xf32, #tpu.memory_space<hbm>> -> memref<1x640x128xf32, #tpu.memory_space<hbm>>
      %dma_start3A_14 = tpu.memref_squeeze %dma_start3A_13 : memref<1x640x128xf32, #tpu.memory_space<hbm>> -> memref<640x128xf32, #tpu.memory_space<hbm>>
      %dma_start3A_15 = arith.constant 0 : i32
      %dma_start3A_16 = tpu.memref_slice %arg10[%mul3A_10, %dma_start3A_15] : memref<10000x128xf32, #tpu.memory_space<vmem_shared>> -> memref<640x128xf32, #tpu.memory_space<vmem_shared>>
      tpu.enqueue_dma source(%dma_start3A_16 : memref<640x128xf32, #tpu.memory_space<vmem_shared>>) target(%dma_start3A_14 : memref<640x128xf32, #tpu.memory_space<hbm>>) target_semaphore(%run_scoped3A : memref<!tpu.dma_semaphore, #tpu.memory_space<semaphore_mem>>)
      %dma_wait3A = arith.constant 0 : i32
      %dma_wait3A_17 = tpu.memref_slice %arg6[%arg0, %mul3A_12, %dma_wait3A] : memref<2x10000x128xf32, #tpu.memory_space<hbm>> -> memref<1x640x128xf32, #tpu.memory_space<hbm>>
      %dma_wait3A_18 = tpu.memref_squeeze %dma_wait3A_17 : memref<1x640x128xf32, #tpu.memory_space<hbm>> -> memref<640x128xf32, #tpu.memory_space<hbm>>
      %dma_wait3A_19 = arith.constant 0 : i32
      %dma_wait3A_20 = tpu.memref_slice %arg10[%mul3A_10, %dma_wait3A_19] : memref<10000x128xf32, #tpu.memory_space<vmem_shared>> -> memref<640x128xf32, #tpu.memory_space<vmem_shared>>
      tpu.wait_dma2 semaphore(%run_scoped3A : memref<!tpu.dma_semaphore, #tpu.memory_space<semaphore_mem>>) src(%dma_wait3A_20 : memref<640x128xf32, #tpu.memory_space<vmem_shared>>) dst(%dma_wait3A_18 : memref<640x128xf32, #tpu.memory_space<hbm>>)
      tpu.yield
    }) : () -> ()
    return
  }
}

#map = affine_map<(d0, d1) -> (0, 0)>
#map1 = affine_map<(d0, d1) -> (0)>
#map2 = affine_map<(d0, d1) -> (0, 0, 0)>
module attributes {stable_mosaic.version = 14 : i64} {
  func.func @edge_k(%arg0: i32, %arg1: i32, %arg2: memref<180000x128xf32, #tpu.memory_space<hbm>>, %arg3: memref<320000xi32, #tpu.memory_space<hbm>>, %arg4: memref<320000xi32, #tpu.memory_space<hbm>>, %arg5: memref<640x128xf32, #tpu.memory_space<hbm>>, %arg6: memref<2x10000x128xf32, #tpu.memory_space<hbm>>, %arg7: memref<80xi32, #tpu.memory_space<vmem>>, %arg8: memref<80xi32, #tpu.memory_space<vmem>>, %arg9: memref<80x128xf32, #tpu.memory_space<vmem>>, %arg10: memref<10000x128xf32, #tpu.memory_space<vmem_shared>>, %arg11: memref<!tpu.dma_semaphore, #tpu.memory_space<semaphore_mem>>) attributes {dimension_semantics = [#tpu.dimension_semantics<core_parallel>, #tpu.dimension_semantics<subcore_parallel>], iteration_bounds = array<i64: 2, 16>, scalar_prefetch = 0 : i64, scratch_operands = 5 : i64, tpu.core_type = #tpu.core_type<sc_vector_subcore>, window_params = [{transform_indices = #map}, {transform_indices = #map1}, {transform_indices = #map1}, {transform_indices = #map}, {transform_indices = #map2}]} {
    %mul3A = arith.constant 16 : i32
    %mul3A_0 = arith.muli %arg0, %mul3A : i32
    %add3A = arith.addi %mul3A_0, %arg1 : i32
    %mul3A_1 = arith.constant 624 : i32
    %mul3A_2 = arith.muli %arg1, %mul3A_1 : i32
    "tpu.region"() ({
      %run_scoped3A = tpu.sem_alloc : memref<!tpu.dma_semaphore, #tpu.memory_space<semaphore_mem>>
      %dma_start3A = arith.constant 0 : i32
      %dma_start3A_13 = tpu.memref_slice %arg10[%mul3A_2, %dma_start3A] : memref<10000x128xf32, #tpu.memory_space<vmem_shared>> -> memref<640x128xf32, #tpu.memory_space<vmem_shared>>
      tpu.enqueue_dma source(%arg5 : memref<640x128xf32, #tpu.memory_space<hbm>>) target(%dma_start3A_13 : memref<640x128xf32, #tpu.memory_space<vmem_shared>>) target_semaphore(%run_scoped3A : memref<!tpu.dma_semaphore, #tpu.memory_space<semaphore_mem>>)
      %dma_wait3A = arith.constant 0 : i32
      %dma_wait3A_14 = tpu.memref_slice %arg10[%mul3A_2, %dma_wait3A] : memref<10000x128xf32, #tpu.memory_space<vmem_shared>> -> memref<640x128xf32, #tpu.memory_space<vmem_shared>>
      tpu.wait_dma2 semaphore(%run_scoped3A : memref<!tpu.dma_semaphore, #tpu.memory_space<semaphore_mem>>) src(%arg5 : memref<640x128xf32, #tpu.memory_space<hbm>>) dst(%dma_wait3A_14 : memref<640x128xf32, #tpu.memory_space<vmem_shared>>)
      tpu.yield
    }) : () -> ()
    %barrier3A = arith.constant 0 : index
    tpu.barrier barrier_id(%barrier3A)
    %scan3A = arith.constant 0 : i32
    %scan3A_3 = arith.constant 0 : i32
    %scan3A_4 = arith.constant 125 : i32
    %scan3A_5 = arith.addi %scan3A_3, %scan3A_4 : i32
    %scan3A_6 = arith.constant 1 : i32
    scf.for %scan3A_13 = %scan3A_3 to %scan3A_5 step %scan3A_6  : i32 {
      %mul3A_14 = arith.constant 10000 : i32
      %mul3A_15 = arith.muli %add3A, %mul3A_14 : i32
      %mul3A_16 = arith.constant 80 : i32
      %mul3A_17 = arith.muli %scan3A_13, %mul3A_16 : i32
      %add3A_18 = arith.addi %mul3A_15, %mul3A_17 : i32
      "tpu.region"() ({
        %run_scoped3A = tpu.sem_alloc : memref<!tpu.dma_semaphore, #tpu.memory_space<semaphore_mem>>
        %dma_start3A_23 = tpu.memref_slice %arg3[%add3A_18] : memref<320000xi32, #tpu.memory_space<hbm>> -> memref<80xi32, #tpu.memory_space<hbm>>
        %dma_start3A_24 = tpu.memref_slice %arg3[%add3A_18] : memref<320000xi32, #tpu.memory_space<hbm>> -> memref<80xi32, #tpu.memory_space<hbm>>
        tpu.enqueue_dma source(%dma_start3A_24 : memref<80xi32, #tpu.memory_space<hbm>>) target(%arg7 : memref<80xi32, #tpu.memory_space<vmem>>) target_semaphore(%run_scoped3A : memref<!tpu.dma_semaphore, #tpu.memory_space<semaphore_mem>>)
        %dma_wait3A_25 = tpu.memref_slice %arg3[%add3A_18] : memref<320000xi32, #tpu.memory_space<hbm>> -> memref<80xi32, #tpu.memory_space<hbm>>
        %dma_wait3A_26 = tpu.memref_slice %arg3[%add3A_18] : memref<320000xi32, #tpu.memory_space<hbm>> -> memref<80xi32, #tpu.memory_space<hbm>>
        tpu.wait_dma2 semaphore(%run_scoped3A : memref<!tpu.dma_semaphore, #tpu.memory_space<semaphore_mem>>) src(%dma_wait3A_26 : memref<80xi32, #tpu.memory_space<hbm>>) dst(%arg7 : memref<80xi32, #tpu.memory_space<vmem>>)
        tpu.yield
      }) : () -> ()
      "tpu.region"() ({
        %run_scoped3A = tpu.sem_alloc : memref<!tpu.dma_semaphore, #tpu.memory_space<semaphore_mem>>
        %dma_start3A_23 = tpu.memref_slice %arg4[%add3A_18] : memref<320000xi32, #tpu.memory_space<hbm>> -> memref<80xi32, #tpu.memory_space<hbm>>
        %dma_start3A_24 = tpu.memref_slice %arg4[%add3A_18] : memref<320000xi32, #tpu.memory_space<hbm>> -> memref<80xi32, #tpu.memory_space<hbm>>
        tpu.enqueue_dma source(%dma_start3A_24 : memref<80xi32, #tpu.memory_space<hbm>>) target(%arg8 : memref<80xi32, #tpu.memory_space<vmem>>) target_semaphore(%run_scoped3A : memref<!tpu.dma_semaphore, #tpu.memory_space<semaphore_mem>>)
        %dma_wait3A_25 = tpu.memref_slice %arg4[%add3A_18] : memref<320000xi32, #tpu.memory_space<hbm>> -> memref<80xi32, #tpu.memory_space<hbm>>
        %dma_wait3A_26 = tpu.memref_slice %arg4[%add3A_18] : memref<320000xi32, #tpu.memory_space<hbm>> -> memref<80xi32, #tpu.memory_space<hbm>>
        tpu.wait_dma2 semaphore(%run_scoped3A : memref<!tpu.dma_semaphore, #tpu.memory_space<semaphore_mem>>) src(%dma_wait3A_26 : memref<80xi32, #tpu.memory_space<hbm>>) dst(%arg8 : memref<80xi32, #tpu.memory_space<vmem>>)
        tpu.yield
      }) : () -> ()
      %dma_start3A = arith.constant 0 : i32
      %dma_start3A_19 = arith.constant 0 : i32
      %dma_start3A_20 = tpu.memref_slice %arg2[%dma_start3A, %dma_start3A_19] : memref<180000x128xf32, #tpu.memory_space<hbm>> -> memref<180000x128xf32, #tpu.memory_space<hbm>>
      tpu.enqueue_indirect_dma source(%dma_start3A_20 : memref<180000x128xf32, #tpu.memory_space<hbm>>) target(%arg9 : memref<80x128xf32, #tpu.memory_space<vmem>>) offsets(%arg7 : memref<80xi32, #tpu.memory_space<vmem>>) semaphore(%arg11 : memref<!tpu.dma_semaphore, #tpu.memory_space<semaphore_mem>>)
      %dma_wait3A = arith.constant 0 : i32
      %dma_wait3A_21 = arith.constant 0 : i32
      %dma_wait3A_22 = tpu.memref_slice %arg2[%dma_wait3A, %dma_wait3A_21] : memref<180000x128xf32, #tpu.memory_space<hbm>> -> memref<180000x128xf32, #tpu.memory_space<hbm>>
      tpu.wait_indirect_dma semaphore(%arg11 : memref<!tpu.dma_semaphore, #tpu.memory_space<semaphore_mem>>) src(%dma_wait3A_22 : memref<180000x128xf32, #tpu.memory_space<hbm>>) dst(%arg9 : memref<80x128xf32, #tpu.memory_space<vmem>>)
      "tpu.region"() ({
        %run_scoped3A = tpu.sem_alloc : memref<!tpu.dma_semaphore, #tpu.memory_space<semaphore_mem>>
        %dma_start3A_23 = arith.constant 0 : i32
        %dma_start3A_24 = arith.constant 0 : i32
        %dma_start3A_25 = tpu.memref_slice %arg10[%dma_start3A_23, %dma_start3A_24] : memref<10000x128xf32, #tpu.memory_space<vmem_shared>> -> memref<10000x128xf32, #tpu.memory_space<vmem_shared>>
        tpu.enqueue_indirect_dma source(%arg9 : memref<80x128xf32, #tpu.memory_space<vmem>>) target(%dma_start3A_25 : memref<10000x128xf32, #tpu.memory_space<vmem_shared>>) offsets(%arg8 : memref<80xi32, #tpu.memory_space<vmem>>) semaphore(%run_scoped3A : memref<!tpu.dma_semaphore, #tpu.memory_space<semaphore_mem>>) {add = true}
        %dma_wait3A_26 = arith.constant 0 : i32
        %dma_wait3A_27 = arith.constant 0 : i32
        %dma_wait3A_28 = tpu.memref_slice %arg10[%dma_wait3A_26, %dma_wait3A_27] : memref<10000x128xf32, #tpu.memory_space<vmem_shared>> -> memref<10000x128xf32, #tpu.memory_space<vmem_shared>>
        tpu.wait_indirect_dma semaphore(%run_scoped3A : memref<!tpu.dma_semaphore, #tpu.memory_space<semaphore_mem>>) src(%arg9 : memref<80x128xf32, #tpu.memory_space<vmem>>) dst(%dma_wait3A_28 : memref<10000x128xf32, #tpu.memory_space<vmem_shared>>)
        tpu.yield
      }) : () -> ()
    }
    %scan3A_7 = arith.constant 125 : i32
    %barrier3A_8 = arith.constant 0 : index
    tpu.barrier barrier_id(%barrier3A_8)
    %mul3A_9 = arith.constant 624 : i32
    %mul3A_10 = arith.muli %arg1, %mul3A_9 : i32
    %mul3A_11 = arith.constant 624 : i32
    %mul3A_12 = arith.muli %arg1, %mul3A_11 : i32
    "tpu.region"() ({
      %run_scoped3A = tpu.sem_alloc : memref<!tpu.dma_semaphore, #tpu.memory_space<semaphore_mem>>
      %dma_start3A = arith.constant 0 : i32
      %dma_start3A_13 = tpu.memref_slice %arg6[%arg0, %mul3A_12, %dma_start3A] : memref<2x10000x128xf32, #tpu.memory_space<hbm>> -> memref<1x640x128xf32, #tpu.memory_space<hbm>>
      %dma_start3A_14 = tpu.memref_squeeze %dma_start3A_13 : memref<1x640x128xf32, #tpu.memory_space<hbm>> -> memref<640x128xf32, #tpu.memory_space<hbm>>
      %dma_start3A_15 = arith.constant 0 : i32
      %dma_start3A_16 = tpu.memref_slice %arg10[%mul3A_10, %dma_start3A_15] : memref<10000x128xf32, #tpu.memory_space<vmem_shared>> -> memref<640x128xf32, #tpu.memory_space<vmem_shared>>
      tpu.enqueue_dma source(%dma_start3A_16 : memref<640x128xf32, #tpu.memory_space<vmem_shared>>) target(%dma_start3A_14 : memref<640x128xf32, #tpu.memory_space<hbm>>) target_semaphore(%run_scoped3A : memref<!tpu.dma_semaphore, #tpu.memory_space<semaphore_mem>>)
      %dma_wait3A = arith.constant 0 : i32
      %dma_wait3A_17 = tpu.memref_slice %arg6[%arg0, %mul3A_12, %dma_wait3A] : memref<2x10000x128xf32, #tpu.memory_space<hbm>> -> memref<1x640x128xf32, #tpu.memory_space<hbm>>
      %dma_wait3A_18 = tpu.memref_squeeze %dma_wait3A_17 : memref<1x640x128xf32, #tpu.memory_space<hbm>> -> memref<640x128xf32, #tpu.memory_space<hbm>>
      %dma_wait3A_19 = arith.constant 0 : i32
      %dma_wait3A_20 = tpu.memref_slice %arg10[%mul3A_10, %dma_wait3A_19] : memref<10000x128xf32, #tpu.memory_space<vmem_shared>> -> memref<640x128xf32, #tpu.memory_space<vmem_shared>>
      tpu.wait_dma2 semaphore(%run_scoped3A : memref<!tpu.dma_semaphore, #tpu.memory_space<semaphore_mem>>) src(%dma_wait3A_20 : memref<640x128xf32, #tpu.memory_space<vmem_shared>>) dst(%dma_wait3A_18 : memref<640x128xf32, #tpu.memory_space<hbm>>)
      tpu.yield
    }) : () -> ()
    return
  }
}

#map = affine_map<(d0, d1) -> (0, 0)>
#map1 = affine_map<(d0, d1) -> (0)>
#map2 = affine_map<(d0, d1) -> (0, 0, 0)>
module attributes {stable_mosaic.version = 14 : i64} {
  func.func @edge_k(%arg0: i32, %arg1: i32, %arg2: memref<180000x128xf32, #tpu.memory_space<hbm>>, %arg3: memref<320000xi32, #tpu.memory_space<hbm>>, %arg4: memref<320000xi32, #tpu.memory_space<hbm>>, %arg5: memref<640x128xf32, #tpu.memory_space<hbm>>, %arg6: memref<2x10000x128xf32, #tpu.memory_space<hbm>>, %arg7: memref<80xi32, #tpu.memory_space<vmem>>, %arg8: memref<80xi32, #tpu.memory_space<vmem>>, %arg9: memref<80x128xf32, #tpu.memory_space<vmem>>, %arg10: memref<10000x128xf32, #tpu.memory_space<vmem_shared>>, %arg11: memref<!tpu.dma_semaphore, #tpu.memory_space<semaphore_mem>>) attributes {dimension_semantics = [#tpu.dimension_semantics<core_parallel>, #tpu.dimension_semantics<subcore_parallel>], iteration_bounds = array<i64: 2, 16>, scalar_prefetch = 0 : i64, scratch_operands = 5 : i64, tpu.core_type = #tpu.core_type<sc_vector_subcore>, window_params = [{transform_indices = #map}, {transform_indices = #map1}, {transform_indices = #map1}, {transform_indices = #map}, {transform_indices = #map2}]} {
    %mul3A = arith.constant 16 : i32
    %mul3A_0 = arith.muli %arg0, %mul3A : i32
    %add3A = arith.addi %mul3A_0, %arg1 : i32
    %mul3A_1 = arith.constant 624 : i32
    %mul3A_2 = arith.muli %arg1, %mul3A_1 : i32
    "tpu.region"() ({
      %run_scoped3A = tpu.sem_alloc : memref<!tpu.dma_semaphore, #tpu.memory_space<semaphore_mem>>
      %dma_start3A = arith.constant 0 : i32
      %dma_start3A_13 = tpu.memref_slice %arg10[%mul3A_2, %dma_start3A] : memref<10000x128xf32, #tpu.memory_space<vmem_shared>> -> memref<640x128xf32, #tpu.memory_space<vmem_shared>>
      tpu.enqueue_dma source(%arg5 : memref<640x128xf32, #tpu.memory_space<hbm>>) target(%dma_start3A_13 : memref<640x128xf32, #tpu.memory_space<vmem_shared>>) target_semaphore(%run_scoped3A : memref<!tpu.dma_semaphore, #tpu.memory_space<semaphore_mem>>)
      %dma_wait3A = arith.constant 0 : i32
      %dma_wait3A_14 = tpu.memref_slice %arg10[%mul3A_2, %dma_wait3A] : memref<10000x128xf32, #tpu.memory_space<vmem_shared>> -> memref<640x128xf32, #tpu.memory_space<vmem_shared>>
      tpu.wait_dma2 semaphore(%run_scoped3A : memref<!tpu.dma_semaphore, #tpu.memory_space<semaphore_mem>>) src(%arg5 : memref<640x128xf32, #tpu.memory_space<hbm>>) dst(%dma_wait3A_14 : memref<640x128xf32, #tpu.memory_space<vmem_shared>>)
      tpu.yield
    }) : () -> ()
    %barrier3A = arith.constant 0 : index
    tpu.barrier barrier_id(%barrier3A)
    %scan3A = arith.constant 0 : i32
    %scan3A_3 = arith.constant 0 : i32
    %scan3A_4 = arith.constant 125 : i32
    %scan3A_5 = arith.addi %scan3A_3, %scan3A_4 : i32
    %scan3A_6 = arith.constant 1 : i32
    scf.for %scan3A_13 = %scan3A_3 to %scan3A_5 step %scan3A_6  : i32 {
      %mul3A_14 = arith.constant 10000 : i32
      %mul3A_15 = arith.muli %add3A, %mul3A_14 : i32
      %mul3A_16 = arith.constant 80 : i32
      %mul3A_17 = arith.muli %scan3A_13, %mul3A_16 : i32
      %add3A_18 = arith.addi %mul3A_15, %mul3A_17 : i32
      "tpu.region"() ({
        %run_scoped3A = tpu.sem_alloc : memref<!tpu.dma_semaphore, #tpu.memory_space<semaphore_mem>>
        %dma_start3A_23 = tpu.memref_slice %arg3[%add3A_18] : memref<320000xi32, #tpu.memory_space<hbm>> -> memref<80xi32, #tpu.memory_space<hbm>>
        %dma_start3A_24 = tpu.memref_slice %arg3[%add3A_18] : memref<320000xi32, #tpu.memory_space<hbm>> -> memref<80xi32, #tpu.memory_space<hbm>>
        tpu.enqueue_dma source(%dma_start3A_24 : memref<80xi32, #tpu.memory_space<hbm>>) target(%arg7 : memref<80xi32, #tpu.memory_space<vmem>>) target_semaphore(%run_scoped3A : memref<!tpu.dma_semaphore, #tpu.memory_space<semaphore_mem>>)
        %dma_wait3A_25 = tpu.memref_slice %arg3[%add3A_18] : memref<320000xi32, #tpu.memory_space<hbm>> -> memref<80xi32, #tpu.memory_space<hbm>>
        %dma_wait3A_26 = tpu.memref_slice %arg3[%add3A_18] : memref<320000xi32, #tpu.memory_space<hbm>> -> memref<80xi32, #tpu.memory_space<hbm>>
        tpu.wait_dma2 semaphore(%run_scoped3A : memref<!tpu.dma_semaphore, #tpu.memory_space<semaphore_mem>>) src(%dma_wait3A_26 : memref<80xi32, #tpu.memory_space<hbm>>) dst(%arg7 : memref<80xi32, #tpu.memory_space<vmem>>)
        tpu.yield
      }) : () -> ()
      "tpu.region"() ({
        %run_scoped3A = tpu.sem_alloc : memref<!tpu.dma_semaphore, #tpu.memory_space<semaphore_mem>>
        %dma_start3A_23 = tpu.memref_slice %arg4[%add3A_18] : memref<320000xi32, #tpu.memory_space<hbm>> -> memref<80xi32, #tpu.memory_space<hbm>>
        %dma_start3A_24 = tpu.memref_slice %arg4[%add3A_18] : memref<320000xi32, #tpu.memory_space<hbm>> -> memref<80xi32, #tpu.memory_space<hbm>>
        tpu.enqueue_dma source(%dma_start3A_24 : memref<80xi32, #tpu.memory_space<hbm>>) target(%arg8 : memref<80xi32, #tpu.memory_space<vmem>>) target_semaphore(%run_scoped3A : memref<!tpu.dma_semaphore, #tpu.memory_space<semaphore_mem>>)
        %dma_wait3A_25 = tpu.memref_slice %arg4[%add3A_18] : memref<320000xi32, #tpu.memory_space<hbm>> -> memref<80xi32, #tpu.memory_space<hbm>>
        %dma_wait3A_26 = tpu.memref_slice %arg4[%add3A_18] : memref<320000xi32, #tpu.memory_space<hbm>> -> memref<80xi32, #tpu.memory_space<hbm>>
        tpu.wait_dma2 semaphore(%run_scoped3A : memref<!tpu.dma_semaphore, #tpu.memory_space<semaphore_mem>>) src(%dma_wait3A_26 : memref<80xi32, #tpu.memory_space<hbm>>) dst(%arg8 : memref<80xi32, #tpu.memory_space<vmem>>)
        tpu.yield
      }) : () -> ()
      %dma_start3A = arith.constant 0 : i32
      %dma_start3A_19 = arith.constant 0 : i32
      %dma_start3A_20 = tpu.memref_slice %arg2[%dma_start3A, %dma_start3A_19] : memref<180000x128xf32, #tpu.memory_space<hbm>> -> memref<180000x128xf32, #tpu.memory_space<hbm>>
      tpu.enqueue_indirect_dma source(%dma_start3A_20 : memref<180000x128xf32, #tpu.memory_space<hbm>>) target(%arg9 : memref<80x128xf32, #tpu.memory_space<vmem>>) offsets(%arg7 : memref<80xi32, #tpu.memory_space<vmem>>) semaphore(%arg11 : memref<!tpu.dma_semaphore, #tpu.memory_space<semaphore_mem>>)
      %dma_wait3A = arith.constant 0 : i32
      %dma_wait3A_21 = arith.constant 0 : i32
      %dma_wait3A_22 = tpu.memref_slice %arg2[%dma_wait3A, %dma_wait3A_21] : memref<180000x128xf32, #tpu.memory_space<hbm>> -> memref<180000x128xf32, #tpu.memory_space<hbm>>
      tpu.wait_indirect_dma semaphore(%arg11 : memref<!tpu.dma_semaphore, #tpu.memory_space<semaphore_mem>>) src(%dma_wait3A_22 : memref<180000x128xf32, #tpu.memory_space<hbm>>) dst(%arg9 : memref<80x128xf32, #tpu.memory_space<vmem>>)
      "tpu.region"() ({
        %run_scoped3A = tpu.sem_alloc : memref<!tpu.dma_semaphore, #tpu.memory_space<semaphore_mem>>
        %dma_start3A_23 = arith.constant 0 : i32
        %dma_start3A_24 = arith.constant 0 : i32
        %dma_start3A_25 = tpu.memref_slice %arg10[%dma_start3A_23, %dma_start3A_24] : memref<10000x128xf32, #tpu.memory_space<vmem_shared>> -> memref<10000x128xf32, #tpu.memory_space<vmem_shared>>
        tpu.enqueue_indirect_dma source(%arg9 : memref<80x128xf32, #tpu.memory_space<vmem>>) target(%dma_start3A_25 : memref<10000x128xf32, #tpu.memory_space<vmem_shared>>) offsets(%arg8 : memref<80xi32, #tpu.memory_space<vmem>>) semaphore(%run_scoped3A : memref<!tpu.dma_semaphore, #tpu.memory_space<semaphore_mem>>) {add = true}
        %dma_wait3A_26 = arith.constant 0 : i32
        %dma_wait3A_27 = arith.constant 0 : i32
        %dma_wait3A_28 = tpu.memref_slice %arg10[%dma_wait3A_26, %dma_wait3A_27] : memref<10000x128xf32, #tpu.memory_space<vmem_shared>> -> memref<10000x128xf32, #tpu.memory_space<vmem_shared>>
        tpu.wait_indirect_dma semaphore(%run_scoped3A : memref<!tpu.dma_semaphore, #tpu.memory_space<semaphore_mem>>) src(%arg9 : memref<80x128xf32, #tpu.memory_space<vmem>>) dst(%dma_wait3A_28 : memref<10000x128xf32, #tpu.memory_space<vmem_shared>>)
        tpu.yield
      }) : () -> ()
    }
    %scan3A_7 = arith.constant 125 : i32
    %barrier3A_8 = arith.constant 0 : index
    tpu.barrier barrier_id(%barrier3A_8)
    %mul3A_9 = arith.constant 624 : i32
    %mul3A_10 = arith.muli %arg1, %mul3A_9 : i32
    %mul3A_11 = arith.constant 624 : i32
    %mul3A_12 = arith.muli %arg1, %mul3A_11 : i32
    "tpu.region"() ({
      %run_scoped3A = tpu.sem_alloc : memref<!tpu.dma_semaphore, #tpu.memory_space<semaphore_mem>>
      %dma_start3A = arith.constant 0 : i32
      %dma_start3A_13 = tpu.memref_slice %arg6[%arg0, %mul3A_12, %dma_start3A] : memref<2x10000x128xf32, #tpu.memory_space<hbm>> -> memref<1x640x128xf32, #tpu.memory_space<hbm>>
      %dma_start3A_14 = tpu.memref_squeeze %dma_start3A_13 : memref<1x640x128xf32, #tpu.memory_space<hbm>> -> memref<640x128xf32, #tpu.memory_space<hbm>>
      %dma_start3A_15 = arith.constant 0 : i32
      %dma_start3A_16 = tpu.memref_slice %arg10[%mul3A_10, %dma_start3A_15] : memref<10000x128xf32, #tpu.memory_space<vmem_shared>> -> memref<640x128xf32, #tpu.memory_space<vmem_shared>>
      tpu.enqueue_dma source(%dma_start3A_16 : memref<640x128xf32, #tpu.memory_space<vmem_shared>>) target(%dma_start3A_14 : memref<640x128xf32, #tpu.memory_space<hbm>>) target_semaphore(%run_scoped3A : memref<!tpu.dma_semaphore, #tpu.memory_space<semaphore_mem>>)
      %dma_wait3A = arith.constant 0 : i32
      %dma_wait3A_17 = tpu.memref_slice %arg6[%arg0, %mul3A_12, %dma_wait3A] : memref<2x10000x128xf32, #tpu.memory_space<hbm>> -> memref<1x640x128xf32, #tpu.memory_space<hbm>>
      %dma_wait3A_18 = tpu.memref_squeeze %dma_wait3A_17 : memref<1x640x128xf32, #tpu.memory_space<hbm>> -> memref<640x128xf32, #tpu.memory_space<hbm>>
      %dma_wait3A_19 = arith.constant 0 : i32
      %dma_wait3A_20 = tpu.memref_slice %arg10[%mul3A_10, %dma_wait3A_19] : memref<10000x128xf32, #tpu.memory_space<vmem_shared>> -> memref<640x128xf32, #tpu.memory_space<vmem_shared>>
      tpu.wait_dma2 semaphore(%run_scoped3A : memref<!tpu.dma_semaphore, #tpu.memory_space<semaphore_mem>>) src(%dma_wait3A_20 : memref<640x128xf32, #tpu.memory_space<vmem_shared>>) dst(%dma_wait3A_18 : memref<640x128xf32, #tpu.memory_space<hbm>>)
      tpu.yield
    }) : () -> ()
    return
  }
}

#map = affine_map<(d0, d1) -> (0, 0)>
#map1 = affine_map<(d0, d1) -> (0)>
#map2 = affine_map<(d0, d1) -> (0, 0, 0)>
module attributes {stable_mosaic.version = 14 : i64} {
  func.func @edge_k(%arg0: i32, %arg1: i32, %arg2: memref<180000x128xf32, #tpu.memory_space<hbm>>, %arg3: memref<320000xi32, #tpu.memory_space<hbm>>, %arg4: memref<320000xi32, #tpu.memory_space<hbm>>, %arg5: memref<640x128xf32, #tpu.memory_space<hbm>>, %arg6: memref<2x10000x128xf32, #tpu.memory_space<hbm>>, %arg7: memref<80xi32, #tpu.memory_space<vmem>>, %arg8: memref<80xi32, #tpu.memory_space<vmem>>, %arg9: memref<80x128xf32, #tpu.memory_space<vmem>>, %arg10: memref<10000x128xf32, #tpu.memory_space<vmem_shared>>, %arg11: memref<!tpu.dma_semaphore, #tpu.memory_space<semaphore_mem>>) attributes {dimension_semantics = [#tpu.dimension_semantics<core_parallel>, #tpu.dimension_semantics<subcore_parallel>], iteration_bounds = array<i64: 2, 16>, scalar_prefetch = 0 : i64, scratch_operands = 5 : i64, tpu.core_type = #tpu.core_type<sc_vector_subcore>, window_params = [{transform_indices = #map}, {transform_indices = #map1}, {transform_indices = #map1}, {transform_indices = #map}, {transform_indices = #map2}]} {
    %mul3A = arith.constant 16 : i32
    %mul3A_0 = arith.muli %arg0, %mul3A : i32
    %add3A = arith.addi %mul3A_0, %arg1 : i32
    %mul3A_1 = arith.constant 624 : i32
    %mul3A_2 = arith.muli %arg1, %mul3A_1 : i32
    "tpu.region"() ({
      %run_scoped3A = tpu.sem_alloc : memref<!tpu.dma_semaphore, #tpu.memory_space<semaphore_mem>>
      %dma_start3A = arith.constant 0 : i32
      %dma_start3A_13 = tpu.memref_slice %arg10[%mul3A_2, %dma_start3A] : memref<10000x128xf32, #tpu.memory_space<vmem_shared>> -> memref<640x128xf32, #tpu.memory_space<vmem_shared>>
      tpu.enqueue_dma source(%arg5 : memref<640x128xf32, #tpu.memory_space<hbm>>) target(%dma_start3A_13 : memref<640x128xf32, #tpu.memory_space<vmem_shared>>) target_semaphore(%run_scoped3A : memref<!tpu.dma_semaphore, #tpu.memory_space<semaphore_mem>>)
      %dma_wait3A = arith.constant 0 : i32
      %dma_wait3A_14 = tpu.memref_slice %arg10[%mul3A_2, %dma_wait3A] : memref<10000x128xf32, #tpu.memory_space<vmem_shared>> -> memref<640x128xf32, #tpu.memory_space<vmem_shared>>
      tpu.wait_dma2 semaphore(%run_scoped3A : memref<!tpu.dma_semaphore, #tpu.memory_space<semaphore_mem>>) src(%arg5 : memref<640x128xf32, #tpu.memory_space<hbm>>) dst(%dma_wait3A_14 : memref<640x128xf32, #tpu.memory_space<vmem_shared>>)
      tpu.yield
    }) : () -> ()
    %barrier3A = arith.constant 0 : index
    tpu.barrier barrier_id(%barrier3A)
    %scan3A = arith.constant 0 : i32
    %scan3A_3 = arith.constant 0 : i32
    %scan3A_4 = arith.constant 125 : i32
    %scan3A_5 = arith.addi %scan3A_3, %scan3A_4 : i32
    %scan3A_6 = arith.constant 1 : i32
    scf.for %scan3A_13 = %scan3A_3 to %scan3A_5 step %scan3A_6  : i32 {
      %mul3A_14 = arith.constant 10000 : i32
      %mul3A_15 = arith.muli %add3A, %mul3A_14 : i32
      %mul3A_16 = arith.constant 80 : i32
      %mul3A_17 = arith.muli %scan3A_13, %mul3A_16 : i32
      %add3A_18 = arith.addi %mul3A_15, %mul3A_17 : i32
      "tpu.region"() ({
        %run_scoped3A = tpu.sem_alloc : memref<!tpu.dma_semaphore, #tpu.memory_space<semaphore_mem>>
        %dma_start3A_23 = tpu.memref_slice %arg3[%add3A_18] : memref<320000xi32, #tpu.memory_space<hbm>> -> memref<80xi32, #tpu.memory_space<hbm>>
        %dma_start3A_24 = tpu.memref_slice %arg3[%add3A_18] : memref<320000xi32, #tpu.memory_space<hbm>> -> memref<80xi32, #tpu.memory_space<hbm>>
        tpu.enqueue_dma source(%dma_start3A_24 : memref<80xi32, #tpu.memory_space<hbm>>) target(%arg7 : memref<80xi32, #tpu.memory_space<vmem>>) target_semaphore(%run_scoped3A : memref<!tpu.dma_semaphore, #tpu.memory_space<semaphore_mem>>)
        %dma_wait3A_25 = tpu.memref_slice %arg3[%add3A_18] : memref<320000xi32, #tpu.memory_space<hbm>> -> memref<80xi32, #tpu.memory_space<hbm>>
        %dma_wait3A_26 = tpu.memref_slice %arg3[%add3A_18] : memref<320000xi32, #tpu.memory_space<hbm>> -> memref<80xi32, #tpu.memory_space<hbm>>
        tpu.wait_dma2 semaphore(%run_scoped3A : memref<!tpu.dma_semaphore, #tpu.memory_space<semaphore_mem>>) src(%dma_wait3A_26 : memref<80xi32, #tpu.memory_space<hbm>>) dst(%arg7 : memref<80xi32, #tpu.memory_space<vmem>>)
        tpu.yield
      }) : () -> ()
      "tpu.region"() ({
        %run_scoped3A = tpu.sem_alloc : memref<!tpu.dma_semaphore, #tpu.memory_space<semaphore_mem>>
        %dma_start3A_23 = tpu.memref_slice %arg4[%add3A_18] : memref<320000xi32, #tpu.memory_space<hbm>> -> memref<80xi32, #tpu.memory_space<hbm>>
        %dma_start3A_24 = tpu.memref_slice %arg4[%add3A_18] : memref<320000xi32, #tpu.memory_space<hbm>> -> memref<80xi32, #tpu.memory_space<hbm>>
        tpu.enqueue_dma source(%dma_start3A_24 : memref<80xi32, #tpu.memory_space<hbm>>) target(%arg8 : memref<80xi32, #tpu.memory_space<vmem>>) target_semaphore(%run_scoped3A : memref<!tpu.dma_semaphore, #tpu.memory_space<semaphore_mem>>)
        %dma_wait3A_25 = tpu.memref_slice %arg4[%add3A_18] : memref<320000xi32, #tpu.memory_space<hbm>> -> memref<80xi32, #tpu.memory_space<hbm>>
        %dma_wait3A_26 = tpu.memref_slice %arg4[%add3A_18] : memref<320000xi32, #tpu.memory_space<hbm>> -> memref<80xi32, #tpu.memory_space<hbm>>
        tpu.wait_dma2 semaphore(%run_scoped3A : memref<!tpu.dma_semaphore, #tpu.memory_space<semaphore_mem>>) src(%dma_wait3A_26 : memref<80xi32, #tpu.memory_space<hbm>>) dst(%arg8 : memref<80xi32, #tpu.memory_space<vmem>>)
        tpu.yield
      }) : () -> ()
      %dma_start3A = arith.constant 0 : i32
      %dma_start3A_19 = arith.constant 0 : i32
      %dma_start3A_20 = tpu.memref_slice %arg2[%dma_start3A, %dma_start3A_19] : memref<180000x128xf32, #tpu.memory_space<hbm>> -> memref<180000x128xf32, #tpu.memory_space<hbm>>
      tpu.enqueue_indirect_dma source(%dma_start3A_20 : memref<180000x128xf32, #tpu.memory_space<hbm>>) target(%arg9 : memref<80x128xf32, #tpu.memory_space<vmem>>) offsets(%arg7 : memref<80xi32, #tpu.memory_space<vmem>>) semaphore(%arg11 : memref<!tpu.dma_semaphore, #tpu.memory_space<semaphore_mem>>)
      %dma_wait3A = arith.constant 0 : i32
      %dma_wait3A_21 = arith.constant 0 : i32
      %dma_wait3A_22 = tpu.memref_slice %arg2[%dma_wait3A, %dma_wait3A_21] : memref<180000x128xf32, #tpu.memory_space<hbm>> -> memref<180000x128xf32, #tpu.memory_space<hbm>>
      tpu.wait_indirect_dma semaphore(%arg11 : memref<!tpu.dma_semaphore, #tpu.memory_space<semaphore_mem>>) src(%dma_wait3A_22 : memref<180000x128xf32, #tpu.memory_space<hbm>>) dst(%arg9 : memref<80x128xf32, #tpu.memory_space<vmem>>)
      "tpu.region"() ({
        %run_scoped3A = tpu.sem_alloc : memref<!tpu.dma_semaphore, #tpu.memory_space<semaphore_mem>>
        %dma_start3A_23 = arith.constant 0 : i32
        %dma_start3A_24 = arith.constant 0 : i32
        %dma_start3A_25 = tpu.memref_slice %arg10[%dma_start3A_23, %dma_start3A_24] : memref<10000x128xf32, #tpu.memory_space<vmem_shared>> -> memref<10000x128xf32, #tpu.memory_space<vmem_shared>>
        tpu.enqueue_indirect_dma source(%arg9 : memref<80x128xf32, #tpu.memory_space<vmem>>) target(%dma_start3A_25 : memref<10000x128xf32, #tpu.memory_space<vmem_shared>>) offsets(%arg8 : memref<80xi32, #tpu.memory_space<vmem>>) semaphore(%run_scoped3A : memref<!tpu.dma_semaphore, #tpu.memory_space<semaphore_mem>>) {add = true}
        %dma_wait3A_26 = arith.constant 0 : i32
        %dma_wait3A_27 = arith.constant 0 : i32
        %dma_wait3A_28 = tpu.memref_slice %arg10[%dma_wait3A_26, %dma_wait3A_27] : memref<10000x128xf32, #tpu.memory_space<vmem_shared>> -> memref<10000x128xf32, #tpu.memory_space<vmem_shared>>
        tpu.wait_indirect_dma semaphore(%run_scoped3A : memref<!tpu.dma_semaphore, #tpu.memory_space<semaphore_mem>>) src(%arg9 : memref<80x128xf32, #tpu.memory_space<vmem>>) dst(%dma_wait3A_28 : memref<10000x128xf32, #tpu.memory_space<vmem_shared>>)
        tpu.yield
      }) : () -> ()
    }
    %scan3A_7 = arith.constant 125 : i32
    %barrier3A_8 = arith.constant 0 : index
    tpu.barrier barrier_id(%barrier3A_8)
    %mul3A_9 = arith.constant 624 : i32
    %mul3A_10 = arith.muli %arg1, %mul3A_9 : i32
    %mul3A_11 = arith.constant 624 : i32
    %mul3A_12 = arith.muli %arg1, %mul3A_11 : i32
    "tpu.region"() ({
      %run_scoped3A = tpu.sem_alloc : memref<!tpu.dma_semaphore, #tpu.memory_space<semaphore_mem>>
      %dma_start3A = arith.constant 0 : i32
      %dma_start3A_13 = tpu.memref_slice %arg6[%arg0, %mul3A_12, %dma_start3A] : memref<2x10000x128xf32, #tpu.memory_space<hbm>> -> memref<1x640x128xf32, #tpu.memory_space<hbm>>
      %dma_start3A_14 = tpu.memref_squeeze %dma_start3A_13 : memref<1x640x128xf32, #tpu.memory_space<hbm>> -> memref<640x128xf32, #tpu.memory_space<hbm>>
      %dma_start3A_15 = arith.constant 0 : i32
      %dma_start3A_16 = tpu.memref_slice %arg10[%mul3A_10, %dma_start3A_15] : memref<10000x128xf32, #tpu.memory_space<vmem_shared>> -> memref<640x128xf32, #tpu.memory_space<vmem_shared>>
      tpu.enqueue_dma source(%dma_start3A_16 : memref<640x128xf32, #tpu.memory_space<vmem_shared>>) target(%dma_start3A_14 : memref<640x128xf32, #tpu.memory_space<hbm>>) target_semaphore(%run_scoped3A : memref<!tpu.dma_semaphore, #tpu.memory_space<semaphore_mem>>)
      %dma_wait3A = arith.constant 0 : i32
      %dma_wait3A_17 = tpu.memref_slice %arg6[%arg0, %mul3A_12, %dma_wait3A] : memref<2x10000x128xf32, #tpu.memory_space<hbm>> -> memref<1x640x128xf32, #tpu.memory_space<hbm>>
      %dma_wait3A_18 = tpu.memref_squeeze %dma_wait3A_17 : memref<1x640x128xf32, #tpu.memory_space<hbm>> -> memref<640x128xf32, #tpu.memory_space<hbm>>
      %dma_wait3A_19 = arith.constant 0 : i32
      %dma_wait3A_20 = tpu.memref_slice %arg10[%mul3A_10, %dma_wait3A_19] : memref<10000x128xf32, #tpu.memory_space<vmem_shared>> -> memref<640x128xf32, #tpu.memory_space<vmem_shared>>
      tpu.wait_dma2 semaphore(%run_scoped3A : memref<!tpu.dma_semaphore, #tpu.memory_space<semaphore_mem>>) src(%dma_wait3A_20 : memref<640x128xf32, #tpu.memory_space<vmem_shared>>) dst(%dma_wait3A_18 : memref<640x128xf32, #tpu.memory_space<hbm>>)
      tpu.yield
    }) : () -> ()
    return
  }
}

#map = affine_map<(d0, d1) -> (0, 0)>
#map1 = affine_map<(d0, d1) -> (0)>
#map2 = affine_map<(d0, d1) -> (0, 0, 0)>
module attributes {stable_mosaic.version = 14 : i64} {
  func.func @edge_k(%arg0: i32, %arg1: i32, %arg2: memref<180000x128xf32, #tpu.memory_space<hbm>>, %arg3: memref<320000xi32, #tpu.memory_space<hbm>>, %arg4: memref<320000xi32, #tpu.memory_space<hbm>>, %arg5: memref<640x128xf32, #tpu.memory_space<hbm>>, %arg6: memref<2x10000x128xf32, #tpu.memory_space<hbm>>, %arg7: memref<80xi32, #tpu.memory_space<vmem>>, %arg8: memref<80xi32, #tpu.memory_space<vmem>>, %arg9: memref<80x128xf32, #tpu.memory_space<vmem>>, %arg10: memref<10000x128xf32, #tpu.memory_space<vmem_shared>>, %arg11: memref<!tpu.dma_semaphore, #tpu.memory_space<semaphore_mem>>) attributes {dimension_semantics = [#tpu.dimension_semantics<core_parallel>, #tpu.dimension_semantics<subcore_parallel>], iteration_bounds = array<i64: 2, 16>, scalar_prefetch = 0 : i64, scratch_operands = 5 : i64, tpu.core_type = #tpu.core_type<sc_vector_subcore>, window_params = [{transform_indices = #map}, {transform_indices = #map1}, {transform_indices = #map1}, {transform_indices = #map}, {transform_indices = #map2}]} {
    %mul3A = arith.constant 16 : i32
    %mul3A_0 = arith.muli %arg0, %mul3A : i32
    %add3A = arith.addi %mul3A_0, %arg1 : i32
    %mul3A_1 = arith.constant 624 : i32
    %mul3A_2 = arith.muli %arg1, %mul3A_1 : i32
    "tpu.region"() ({
      %run_scoped3A = tpu.sem_alloc : memref<!tpu.dma_semaphore, #tpu.memory_space<semaphore_mem>>
      %dma_start3A = arith.constant 0 : i32
      %dma_start3A_13 = tpu.memref_slice %arg10[%mul3A_2, %dma_start3A] : memref<10000x128xf32, #tpu.memory_space<vmem_shared>> -> memref<640x128xf32, #tpu.memory_space<vmem_shared>>
      tpu.enqueue_dma source(%arg5 : memref<640x128xf32, #tpu.memory_space<hbm>>) target(%dma_start3A_13 : memref<640x128xf32, #tpu.memory_space<vmem_shared>>) target_semaphore(%run_scoped3A : memref<!tpu.dma_semaphore, #tpu.memory_space<semaphore_mem>>)
      %dma_wait3A = arith.constant 0 : i32
      %dma_wait3A_14 = tpu.memref_slice %arg10[%mul3A_2, %dma_wait3A] : memref<10000x128xf32, #tpu.memory_space<vmem_shared>> -> memref<640x128xf32, #tpu.memory_space<vmem_shared>>
      tpu.wait_dma2 semaphore(%run_scoped3A : memref<!tpu.dma_semaphore, #tpu.memory_space<semaphore_mem>>) src(%arg5 : memref<640x128xf32, #tpu.memory_space<hbm>>) dst(%dma_wait3A_14 : memref<640x128xf32, #tpu.memory_space<vmem_shared>>)
      tpu.yield
    }) : () -> ()
    %barrier3A = arith.constant 0 : index
    tpu.barrier barrier_id(%barrier3A)
    %scan3A = arith.constant 0 : i32
    %scan3A_3 = arith.constant 0 : i32
    %scan3A_4 = arith.constant 125 : i32
    %scan3A_5 = arith.addi %scan3A_3, %scan3A_4 : i32
    %scan3A_6 = arith.constant 1 : i32
    scf.for %scan3A_13 = %scan3A_3 to %scan3A_5 step %scan3A_6  : i32 {
      %mul3A_14 = arith.constant 10000 : i32
      %mul3A_15 = arith.muli %add3A, %mul3A_14 : i32
      %mul3A_16 = arith.constant 80 : i32
      %mul3A_17 = arith.muli %scan3A_13, %mul3A_16 : i32
      %add3A_18 = arith.addi %mul3A_15, %mul3A_17 : i32
      "tpu.region"() ({
        %run_scoped3A = tpu.sem_alloc : memref<!tpu.dma_semaphore, #tpu.memory_space<semaphore_mem>>
        %dma_start3A_23 = tpu.memref_slice %arg3[%add3A_18] : memref<320000xi32, #tpu.memory_space<hbm>> -> memref<80xi32, #tpu.memory_space<hbm>>
        %dma_start3A_24 = tpu.memref_slice %arg3[%add3A_18] : memref<320000xi32, #tpu.memory_space<hbm>> -> memref<80xi32, #tpu.memory_space<hbm>>
        tpu.enqueue_dma source(%dma_start3A_24 : memref<80xi32, #tpu.memory_space<hbm>>) target(%arg7 : memref<80xi32, #tpu.memory_space<vmem>>) target_semaphore(%run_scoped3A : memref<!tpu.dma_semaphore, #tpu.memory_space<semaphore_mem>>)
        %dma_wait3A_25 = tpu.memref_slice %arg3[%add3A_18] : memref<320000xi32, #tpu.memory_space<hbm>> -> memref<80xi32, #tpu.memory_space<hbm>>
        %dma_wait3A_26 = tpu.memref_slice %arg3[%add3A_18] : memref<320000xi32, #tpu.memory_space<hbm>> -> memref<80xi32, #tpu.memory_space<hbm>>
        tpu.wait_dma2 semaphore(%run_scoped3A : memref<!tpu.dma_semaphore, #tpu.memory_space<semaphore_mem>>) src(%dma_wait3A_26 : memref<80xi32, #tpu.memory_space<hbm>>) dst(%arg7 : memref<80xi32, #tpu.memory_space<vmem>>)
        tpu.yield
      }) : () -> ()
      "tpu.region"() ({
        %run_scoped3A = tpu.sem_alloc : memref<!tpu.dma_semaphore, #tpu.memory_space<semaphore_mem>>
        %dma_start3A_23 = tpu.memref_slice %arg4[%add3A_18] : memref<320000xi32, #tpu.memory_space<hbm>> -> memref<80xi32, #tpu.memory_space<hbm>>
        %dma_start3A_24 = tpu.memref_slice %arg4[%add3A_18] : memref<320000xi32, #tpu.memory_space<hbm>> -> memref<80xi32, #tpu.memory_space<hbm>>
        tpu.enqueue_dma source(%dma_start3A_24 : memref<80xi32, #tpu.memory_space<hbm>>) target(%arg8 : memref<80xi32, #tpu.memory_space<vmem>>) target_semaphore(%run_scoped3A : memref<!tpu.dma_semaphore, #tpu.memory_space<semaphore_mem>>)
        %dma_wait3A_25 = tpu.memref_slice %arg4[%add3A_18] : memref<320000xi32, #tpu.memory_space<hbm>> -> memref<80xi32, #tpu.memory_space<hbm>>
        %dma_wait3A_26 = tpu.memref_slice %arg4[%add3A_18] : memref<320000xi32, #tpu.memory_space<hbm>> -> memref<80xi32, #tpu.memory_space<hbm>>
        tpu.wait_dma2 semaphore(%run_scoped3A : memref<!tpu.dma_semaphore, #tpu.memory_space<semaphore_mem>>) src(%dma_wait3A_26 : memref<80xi32, #tpu.memory_space<hbm>>) dst(%arg8 : memref<80xi32, #tpu.memory_space<vmem>>)
        tpu.yield
      }) : () -> ()
      %dma_start3A = arith.constant 0 : i32
      %dma_start3A_19 = arith.constant 0 : i32
      %dma_start3A_20 = tpu.memref_slice %arg2[%dma_start3A, %dma_start3A_19] : memref<180000x128xf32, #tpu.memory_space<hbm>> -> memref<180000x128xf32, #tpu.memory_space<hbm>>
      tpu.enqueue_indirect_dma source(%dma_start3A_20 : memref<180000x128xf32, #tpu.memory_space<hbm>>) target(%arg9 : memref<80x128xf32, #tpu.memory_space<vmem>>) offsets(%arg7 : memref<80xi32, #tpu.memory_space<vmem>>) semaphore(%arg11 : memref<!tpu.dma_semaphore, #tpu.memory_space<semaphore_mem>>)
      %dma_wait3A = arith.constant 0 : i32
      %dma_wait3A_21 = arith.constant 0 : i32
      %dma_wait3A_22 = tpu.memref_slice %arg2[%dma_wait3A, %dma_wait3A_21] : memref<180000x128xf32, #tpu.memory_space<hbm>> -> memref<180000x128xf32, #tpu.memory_space<hbm>>
      tpu.wait_indirect_dma semaphore(%arg11 : memref<!tpu.dma_semaphore, #tpu.memory_space<semaphore_mem>>) src(%dma_wait3A_22 : memref<180000x128xf32, #tpu.memory_space<hbm>>) dst(%arg9 : memref<80x128xf32, #tpu.memory_space<vmem>>)
      "tpu.region"() ({
        %run_scoped3A = tpu.sem_alloc : memref<!tpu.dma_semaphore, #tpu.memory_space<semaphore_mem>>
        %dma_start3A_23 = arith.constant 0 : i32
        %dma_start3A_24 = arith.constant 0 : i32
        %dma_start3A_25 = tpu.memref_slice %arg10[%dma_start3A_23, %dma_start3A_24] : memref<10000x128xf32, #tpu.memory_space<vmem_shared>> -> memref<10000x128xf32, #tpu.memory_space<vmem_shared>>
        tpu.enqueue_indirect_dma source(%arg9 : memref<80x128xf32, #tpu.memory_space<vmem>>) target(%dma_start3A_25 : memref<10000x128xf32, #tpu.memory_space<vmem_shared>>) offsets(%arg8 : memref<80xi32, #tpu.memory_space<vmem>>) semaphore(%run_scoped3A : memref<!tpu.dma_semaphore, #tpu.memory_space<semaphore_mem>>) {add = true}
        %dma_wait3A_26 = arith.constant 0 : i32
        %dma_wait3A_27 = arith.constant 0 : i32
        %dma_wait3A_28 = tpu.memref_slice %arg10[%dma_wait3A_26, %dma_wait3A_27] : memref<10000x128xf32, #tpu.memory_space<vmem_shared>> -> memref<10000x128xf32, #tpu.memory_space<vmem_shared>>
        tpu.wait_indirect_dma semaphore(%run_scoped3A : memref<!tpu.dma_semaphore, #tpu.memory_space<semaphore_mem>>) src(%arg9 : memref<80x128xf32, #tpu.memory_space<vmem>>) dst(%dma_wait3A_28 : memref<10000x128xf32, #tpu.memory_space<vmem_shared>>)
        tpu.yield
      }) : () -> ()
    }
    %scan3A_7 = arith.constant 125 : i32
    %barrier3A_8 = arith.constant 0 : index
    tpu.barrier barrier_id(%barrier3A_8)
    %mul3A_9 = arith.constant 624 : i32
    %mul3A_10 = arith.muli %arg1, %mul3A_9 : i32
    %mul3A_11 = arith.constant 624 : i32
    %mul3A_12 = arith.muli %arg1, %mul3A_11 : i32
    "tpu.region"() ({
      %run_scoped3A = tpu.sem_alloc : memref<!tpu.dma_semaphore, #tpu.memory_space<semaphore_mem>>
      %dma_start3A = arith.constant 0 : i32
      %dma_start3A_13 = tpu.memref_slice %arg6[%arg0, %mul3A_12, %dma_start3A] : memref<2x10000x128xf32, #tpu.memory_space<hbm>> -> memref<1x640x128xf32, #tpu.memory_space<hbm>>
      %dma_start3A_14 = tpu.memref_squeeze %dma_start3A_13 : memref<1x640x128xf32, #tpu.memory_space<hbm>> -> memref<640x128xf32, #tpu.memory_space<hbm>>
      %dma_start3A_15 = arith.constant 0 : i32
      %dma_start3A_16 = tpu.memref_slice %arg10[%mul3A_10, %dma_start3A_15] : memref<10000x128xf32, #tpu.memory_space<vmem_shared>> -> memref<640x128xf32, #tpu.memory_space<vmem_shared>>
      tpu.enqueue_dma source(%dma_start3A_16 : memref<640x128xf32, #tpu.memory_space<vmem_shared>>) target(%dma_start3A_14 : memref<640x128xf32, #tpu.memory_space<hbm>>) target_semaphore(%run_scoped3A : memref<!tpu.dma_semaphore, #tpu.memory_space<semaphore_mem>>)
      %dma_wait3A = arith.constant 0 : i32
      %dma_wait3A_17 = tpu.memref_slice %arg6[%arg0, %mul3A_12, %dma_wait3A] : memref<2x10000x128xf32, #tpu.memory_space<hbm>> -> memref<1x640x128xf32, #tpu.memory_space<hbm>>
      %dma_wait3A_18 = tpu.memref_squeeze %dma_wait3A_17 : memref<1x640x128xf32, #tpu.memory_space<hbm>> -> memref<640x128xf32, #tpu.memory_space<hbm>>
      %dma_wait3A_19 = arith.constant 0 : i32
      %dma_wait3A_20 = tpu.memref_slice %arg10[%mul3A_10, %dma_wait3A_19] : memref<10000x128xf32, #tpu.memory_space<vmem_shared>> -> memref<640x128xf32, #tpu.memory_space<vmem_shared>>
      tpu.wait_dma2 semaphore(%run_scoped3A : memref<!tpu.dma_semaphore, #tpu.memory_space<semaphore_mem>>) src(%dma_wait3A_20 : memref<640x128xf32, #tpu.memory_space<vmem_shared>>) dst(%dma_wait3A_18 : memref<640x128xf32, #tpu.memory_space<hbm>>)
      tpu.yield
    }) : () -> ()
    return
  }
}

module attributes {stable_mosaic.version = 14 : i64} {
  func.func @body(%arg0: i32, %arg1: memref<400x2xi32, #tpu.memory_space<vmem>>, %arg2: memref<120x128xf32, #tpu.memory_space<vmem>>, %arg3: memref<3x128xf32, #tpu.memory_space<vmem>>, %arg4: memref<18x128xf32, #tpu.memory_space<vmem>>, %arg5: memref<400x128xf32, #tpu.memory_space<vmem>>, %arg6: memref<400x18x128xf32, #tpu.memory_space<vmem>>) attributes {dimension_semantics = [#tpu.dimension_semantics<arbitrary>], iteration_bounds = array<i64: 25>, scalar_prefetch = 0 : i64, scratch_operands = 0 : i64, tpu.core_type = #tpu.core_type<tc>, window_params = [{transform_indices = @transform_0, window_bounds = array<i64: 400, 2>}, {pipeline_mode = #tpu.pipeline_mode<synchronous>, transform_indices = @transform_1, window_bounds = array<i64: 120, 128>}, {pipeline_mode = #tpu.pipeline_mode<synchronous>, transform_indices = @transform_2, window_bounds = array<i64: 3, 128>}, {pipeline_mode = #tpu.pipeline_mode<synchronous>, transform_indices = @transform_3, window_bounds = array<i64: 18, 128>}, {transform_indices = @transform_4, window_bounds = array<i64: 400, 128>}, {transform_indices = @transform_5, window_bounds = array<i64: 400, 18, 128>}]} {
    %get3A = arith.constant 0 : index
    %get3A_0 = arith.constant 0 : index
    %get3A_1 = vector.load %arg1[%get3A, %get3A_0] : memref<400x2xi32, #tpu.memory_space<vmem>>, vector<400x1xi32>
    %jit3A = arith.constant 0 : i32
    %jit3A_2 = arith.constant 119 : i32
    %max3A = vector.broadcast %jit3A : i32 to vector<400x1xi32>
    %max3A_3 = arith.maxsi %max3A, %get3A_1 : vector<400x1xi32>
    %min3A = vector.broadcast %jit3A_2 : i32 to vector<400x1xi32>
    %min3A_4 = arith.minsi %min3A, %max3A_3 : vector<400x1xi32>
    %get3A_5 = arith.constant 0 : index
    %get3A_6 = arith.constant 1 : index
    %get3A_7 = vector.load %arg1[%get3A_5, %get3A_6] : memref<400x2xi32, #tpu.memory_space<vmem>>, vector<400x1xi32>
    %jit3A_8 = arith.constant 0 : i32
    %jit3A_9 = arith.constant 2 : i32
    %max3A_10 = vector.broadcast %jit3A_8 : i32 to vector<400x1xi32>
    %max3A_11 = arith.maxsi %max3A_10, %get3A_7 : vector<400x1xi32>
    %min3A_12 = vector.broadcast %jit3A_9 : i32 to vector<400x1xi32>
    %min3A_13 = arith.minsi %min3A_12, %max3A_11 : vector<400x1xi32>
    %iota3A = tpu.iota {dimensions = array<i32: 1>} : vector<1x120xi32>
    %eq3A = vector.broadcast %min3A_4 : vector<400x1xi32> to vector<400x120xi32>
    %eq3A_14 = vector.broadcast %iota3A : vector<1x120xi32> to vector<400x120xi32>
    %eq3A_15 = arith.cmpi eq, %eq3A, %eq3A_14 : vector<400x120xi32>
    %convert_element_type3A = arith.extui %eq3A_15 : vector<400x120xi1> to vector<400x120xi32>
    %convert_element_type3A_16 = arith.sitofp %convert_element_type3A : vector<400x120xi32> to vector<400x120xf32>
    %iota3A_17 = tpu.iota {dimensions = array<i32: 1>} : vector<1x3xi32>
    %eq3A_18 = vector.broadcast %min3A_13 : vector<400x1xi32> to vector<400x3xi32>
    %eq3A_19 = vector.broadcast %iota3A_17 : vector<1x3xi32> to vector<400x3xi32>
    %eq3A_20 = arith.cmpi eq, %eq3A_18, %eq3A_19 : vector<400x3xi32>
    %convert_element_type3A_21 = arith.extui %eq3A_20 : vector<400x3xi1> to vector<400x3xi32>
    %convert_element_type3A_22 = arith.sitofp %convert_element_type3A_21 : vector<400x3xi32> to vector<400x3xf32>
    %get3A_23 = arith.constant 0 : index
    %get3A_24 = arith.constant 0 : index
    %get3A_25 = vector.load %arg2[%get3A_23, %get3A_24] : memref<120x128xf32, #tpu.memory_space<vmem>>, vector<120x128xf32>
    %dot_general3A = arith.constant dense<0.000000e+00> : vector<400x128xf32>
    %dot_general3A_26 = tpu.matmul %convert_element_type3A_16, %get3A_25, %dot_general3A {dimension_numbers = #tpu.dot_dimension_numbers<[1], [0], [0], [1], [0, 0, 1, 1], [], []>, precision = #tpu.contract_precision<fp32>, transpose_lhs_hint = false} : vector<400x120xf32>, vector<120x128xf32>, vector<400x128xf32> -> vector<400x128xf32>
    %get3A_27 = arith.constant 0 : index
    %get3A_28 = arith.constant 0 : index
    %get3A_29 = vector.load %arg3[%get3A_27, %get3A_28] : memref<3x128xf32, #tpu.memory_space<vmem>>, vector<3x128xf32>
    %dot_general3A_30 = arith.constant dense<0.000000e+00> : vector<400x128xf32>
    %dot_general3A_31 = tpu.matmul %convert_element_type3A_22, %get3A_29, %dot_general3A_30 {dimension_numbers = #tpu.dot_dimension_numbers<[1], [0], [0], [1], [0, 0, 1, 1], [], []>, precision = #tpu.contract_precision<fp32>, transpose_lhs_hint = false} : vector<400x3xf32>, vector<3x128xf32>, vector<400x128xf32> -> vector<400x128xf32>
    %add3A = arith.addf %dot_general3A_26, %dot_general3A_31 : vector<400x128xf32>
    %swap3A = arith.constant 0 : index
    %swap3A_32 = arith.constant 0 : index
    %swap3A_33 = vector.load %arg5[%swap3A, %swap3A_32] : memref<400x128xf32, #tpu.memory_space<vmem>>, vector<400x128xf32>
    tpu.vector_store %arg5[%swap3A, %swap3A_32], %add3A {strides = array<i32>} : memref<400x128xf32, #tpu.memory_space<vmem>>, vector<400x128xf32>,
    %get3A_34 = arith.constant 0 : index
    %get3A_35 = arith.constant 0 : index
    %get3A_36 = vector.load %arg4[%get3A_34, %get3A_35] : memref<18x128xf32, #tpu.memory_space<vmem>>, vector<1x128xf32>
    %add3A_37 = vector.broadcast %get3A_36 : vector<1x128xf32> to vector<400x128xf32>
    %add3A_38 = arith.addf %add3A, %add3A_37 : vector<400x128xf32>
    %max3A_39 = arith.constant 0.000000e+00 : f32
    %max3A_40 = vector.broadcast %max3A_39 : f32 to vector<400x128xf32>
    %max3A_41 = arith.maximumf %add3A_38, %max3A_40 : vector<400x128xf32>
    %swap3A_42 = arith.constant 0 : index
    %swap3A_43 = arith.constant 0 : index
    %swap3A_44 = arith.constant 0 : index
    %swap3A_45 = vector.load %arg6[%swap3A_42, %swap3A_43, %swap3A_44] : memref<400x18x128xf32, #tpu.memory_space<vmem>>, vector<400x1x128xf32>
    %swap3A_46 = vector.shape_cast %swap3A_45 : vector<400x1x128xf32> to vector<400x128xf32>
    %swap3A_47 = vector.shape_cast %max3A_41 : vector<400x128xf32> to vector<400x1x128xf32>
    tpu.vector_store %arg6[%swap3A_42, %swap3A_43, %swap3A_44], %swap3A_47 {strides = array<i32>} : memref<400x18x128xf32, #tpu.memory_space<vmem>>, vector<400x1x128xf32>,
    %get3A_48 = arith.constant 1 : index
    %get3A_49 = arith.constant 0 : index
    %get3A_50 = vector.load %arg4[%get3A_48, %get3A_49] : memref<18x128xf32, #tpu.memory_space<vmem>>, vector<1x128xf32>
    %add3A_51 = vector.broadcast %get3A_50 : vector<1x128xf32> to vector<400x128xf32>
    %add3A_52 = arith.addf %add3A, %add3A_51 : vector<400x128xf32>
    %max3A_53 = arith.constant 0.000000e+00 : f32
    %max3A_54 = vector.broadcast %max3A_53 : f32 to vector<400x128xf32>
    %max3A_55 = arith.maximumf %add3A_52, %max3A_54 : vector<400x128xf32>
    %swap3A_56 = arith.constant 0 : index
    %swap3A_57 = arith.constant 1 : index
    %swap3A_58 = arith.constant 0 : index
    %swap3A_59 = vector.load %arg6[%swap3A_56, %swap3A_57, %swap3A_58] : memref<400x18x128xf32, #tpu.memory_space<vmem>>, vector<400x1x128xf32>
    %swap3A_60 = vector.shape_cast %swap3A_59 : vector<400x1x128xf32> to vector<400x128xf32>
    %swap3A_61 = vector.shape_cast %max3A_55 : vector<400x128xf32> to vector<400x1x128xf32>
    tpu.vector_store %arg6[%swap3A_56, %swap3A_57, %swap3A_58], %swap3A_61 {strides = array<i32>} : memref<400x18x128xf32, #tpu.memory_space<vmem>>, vector<400x1x128xf32>,
    %get3A_62 = arith.constant 2 : index
    %get3A_63 = arith.constant 0 : index
    %get3A_64 = vector.load %arg4[%get3A_62, %get3A_63] : memref<18x128xf32, #tpu.memory_space<vmem>>, vector<1x128xf32>
    %add3A_65 = vector.broadcast %get3A_64 : vector<1x128xf32> to vector<400x128xf32>
    %add3A_66 = arith.addf %add3A, %add3A_65 : vector<400x128xf32>
    %max3A_67 = arith.constant 0.000000e+00 : f32
    %max3A_68 = vector.broadcast %max3A_67 : f32 to vector<400x128xf32>
    %max3A_69 = arith.maximumf %add3A_66, %max3A_68 : vector<400x128xf32>
    %swap3A_70 = arith.constant 0 : index
    %swap3A_71 = arith.constant 2 : index
    %swap3A_72 = arith.constant 0 : index
    %swap3A_73 = vector.load %arg6[%swap3A_70, %swap3A_71, %swap3A_72] : memref<400x18x128xf32, #tpu.memory_space<vmem>>, vector<400x1x128xf32>
    %swap3A_74 = vector.shape_cast %swap3A_73 : vector<400x1x128xf32> to vector<400x128xf32>
    %swap3A_75 = vector.shape_cast %max3A_69 : vector<400x128xf32> to vector<400x1x128xf32>
    tpu.vector_store %arg6[%swap3A_70, %swap3A_71, %swap3A_72], %swap3A_75 {strides = array<i32>} : memref<400x18x128xf32, #tpu.memory_space<vmem>>, vector<400x1x128xf32>,
    %get3A_76 = arith.constant 3 : index
    %get3A_77 = arith.constant 0 : index
    %get3A_78 = vector.load %arg4[%get3A_76, %get3A_77] : memref<18x128xf32, #tpu.memory_space<vmem>>, vector<1x128xf32>
    %add3A_79 = vector.broadcast %get3A_78 : vector<1x128xf32> to vector<400x128xf32>
    %add3A_80 = arith.addf %add3A, %add3A_79 : vector<400x128xf32>
    %max3A_81 = arith.constant 0.000000e+00 : f32
    %max3A_82 = vector.broadcast %max3A_81 : f32 to vector<400x128xf32>
    %max3A_83 = arith.maximumf %add3A_80, %max3A_82 : vector<400x128xf32>
    %swap3A_84 = arith.constant 0 : index
    %swap3A_85 = arith.constant 3 : index
    %swap3A_86 = arith.constant 0 : index
    %swap3A_87 = vector.load %arg6[%swap3A_84, %swap3A_85, %swap3A_86] : memref<400x18x128xf32, #tpu.memory_space<vmem>>, vector<400x1x128xf32>
    %swap3A_88 = vector.shape_cast %swap3A_87 : vector<400x1x128xf32> to vector<400x128xf32>
    %swap3A_89 = vector.shape_cast %max3A_83 : vector<400x128xf32> to vector<400x1x128xf32>
    tpu.vector_store %arg6[%swap3A_84, %swap3A_85, %swap3A_86], %swap3A_89 {strides = array<i32>} : memref<400x18x128xf32, #tpu.memory_space<vmem>>, vector<400x1x128xf32>,
    %get3A_90 = arith.constant 4 : index
    %get3A_91 = arith.constant 0 : index
    %get3A_92 = vector.load %arg4[%get3A_90, %get3A_91] : memref<18x128xf32, #tpu.memory_space<vmem>>, vector<1x128xf32>
    %add3A_93 = vector.broadcast %get3A_92 : vector<1x128xf32> to vector<400x128xf32>
    %add3A_94 = arith.addf %add3A, %add3A_93 : vector<400x128xf32>
    %max3A_95 = arith.constant 0.000000e+00 : f32
    %max3A_96 = vector.broadcast %max3A_95 : f32 to vector<400x128xf32>
    %max3A_97 = arith.maximumf %add3A_94, %max3A_96 : vector<400x128xf32>
    %swap3A_98 = arith.constant 0 : index
    %swap3A_99 = arith.constant 4 : index
    %swap3A_100 = arith.constant 0 : index
    %swap3A_101 = vector.load %arg6[%swap3A_98, %swap3A_99, %swap3A_100] : memref<400x18x128xf32, #tpu.memory_space<vmem>>, vector<400x1x128xf32>
    %swap3A_102 = vector.shape_cast %swap3A_101 : vector<400x1x128xf32> to vector<400x128xf32>
    %swap3A_103 = vector.shape_cast %max3A_97 : vector<400x128xf32> to vector<400x1x128xf32>
    tpu.vector_store %arg6[%swap3A_98, %swap3A_99, %swap3A_100], %swap3A_103 {strides = array<i32>} : memref<400x18x128xf32, #tpu.memory_space<vmem>>, vector<400x1x128xf32>,
    %get3A_104 = arith.constant 5 : index
    %get3A_105 = arith.constant 0 : index
    %get3A_106 = vector.load %arg4[%get3A_104, %get3A_105] : memref<18x128xf32, #tpu.memory_space<vmem>>, vector<1x128xf32>
    %add3A_107 = vector.broadcast %get3A_106 : vector<1x128xf32> to vector<400x128xf32>
    %add3A_108 = arith.addf %add3A, %add3A_107 : vector<400x128xf32>
    %max3A_109 = arith.constant 0.000000e+00 : f32
    %max3A_110 = vector.broadcast %max3A_109 : f32 to vector<400x128xf32>
    %max3A_111 = arith.maximumf %add3A_108, %max3A_110 : vector<400x128xf32>
    %swap3A_112 = arith.constant 0 : index
    %swap3A_113 = arith.constant 5 : index
    %swap3A_114 = arith.constant 0 : index
    %swap3A_115 = vector.load %arg6[%swap3A_112, %swap3A_113, %swap3A_114] : memref<400x18x128xf32, #tpu.memory_space<vmem>>, vector<400x1x128xf32>
    %swap3A_116 = vector.shape_cast %swap3A_115 : vector<400x1x128xf32> to vector<400x128xf32>
    %swap3A_117 = vector.shape_cast %max3A_111 : vector<400x128xf32> to vector<400x1x128xf32>
    tpu.vector_store %arg6[%swap3A_112, %swap3A_113, %swap3A_114], %swap3A_117 {strides = array<i32>} : memref<400x18x128xf32, #tpu.memory_space<vmem>>, vector<400x1x128xf32>,
    %get3A_118 = arith.constant 6 : index
    %get3A_119 = arith.constant 0 : index
    %get3A_120 = vector.load %arg4[%get3A_118, %get3A_119] : memref<18x128xf32, #tpu.memory_space<vmem>>, vector<1x128xf32>
    %add3A_121 = vector.broadcast %get3A_120 : vector<1x128xf32> to vector<400x128xf32>
    %add3A_122 = arith.addf %add3A, %add3A_121 : vector<400x128xf32>
    %max3A_123 = arith.constant 0.000000e+00 : f32
    %max3A_124 = vector.broadcast %max3A_123 : f32 to vector<400x128xf32>
    %max3A_125 = arith.maximumf %add3A_122, %max3A_124 : vector<400x128xf32>
    %swap3A_126 = arith.constant 0 : index
    %swap3A_127 = arith.constant 6 : index
    %swap3A_128 = arith.constant 0 : index
    %swap3A_129 = vector.load %arg6[%swap3A_126, %swap3A_127, %swap3A_128] : memref<400x18x128xf32, #tpu.memory_space<vmem>>, vector<400x1x128xf32>
    %swap3A_130 = vector.shape_cast %swap3A_129 : vector<400x1x128xf32> to vector<400x128xf32>
    %swap3A_131 = vector.shape_cast %max3A_125 : vector<400x128xf32> to vector<400x1x128xf32>
    tpu.vector_store %arg6[%swap3A_126, %swap3A_127, %swap3A_128], %swap3A_131 {strides = array<i32>} : memref<400x18x128xf32, #tpu.memory_space<vmem>>, vector<400x1x128xf32>,
    %get3A_132 = arith.constant 7 : index
    %get3A_133 = arith.constant 0 : index
    %get3A_134 = vector.load %arg4[%get3A_132, %get3A_133] : memref<18x128xf32, #tpu.memory_space<vmem>>, vector<1x128xf32>
    %add3A_135 = vector.broadcast %get3A_134 : vector<1x128xf32> to vector<400x128xf32>
    %add3A_136 = arith.addf %add3A, %add3A_135 : vector<400x128xf32>
    %max3A_137 = arith.constant 0.000000e+00 : f32
    %max3A_138 = vector.broadcast %max3A_137 : f32 to vector<400x128xf32>
    %max3A_139 = arith.maximumf %add3A_136, %max3A_138 : vector<400x128xf32>
    %swap3A_140 = arith.constant 0 : index
    %swap3A_141 = arith.constant 7 : index
    %swap3A_142 = arith.constant 0 : index
    %swap3A_143 = vector.load %arg6[%swap3A_140, %swap3A_141, %swap3A_142] : memref<400x18x128xf32, #tpu.memory_space<vmem>>, vector<400x1x128xf32>
    %swap3A_144 = vector.shape_cast %swap3A_143 : vector<400x1x128xf32> to vector<400x128xf32>
    %swap3A_145 = vector.shape_cast %max3A_139 : vector<400x128xf32> to vector<400x1x128xf32>
    tpu.vector_store %arg6[%swap3A_140, %swap3A_141, %swap3A_142], %swap3A_145 {strides = array<i32>} : memref<400x18x128xf32, #tpu.memory_space<vmem>>, vector<400x1x128xf32>,
    %get3A_146 = arith.constant 8 : index
    %get3A_147 = arith.constant 0 : index
    %get3A_148 = vector.load %arg4[%get3A_146, %get3A_147] : memref<18x128xf32, #tpu.memory_space<vmem>>, vector<1x128xf32>
    %add3A_149 = vector.broadcast %get3A_148 : vector<1x128xf32> to vector<400x128xf32>
    %add3A_150 = arith.addf %add3A, %add3A_149 : vector<400x128xf32>
    %max3A_151 = arith.constant 0.000000e+00 : f32
    %max3A_152 = vector.broadcast %max3A_151 : f32 to vector<400x128xf32>
    %max3A_153 = arith.maximumf %add3A_150, %max3A_152 : vector<400x128xf32>
    %swap3A_154 = arith.constant 0 : index
    %swap3A_155 = arith.constant 8 : index
    %swap3A_156 = arith.constant 0 : index
    %swap3A_157 = vector.load %arg6[%swap3A_154, %swap3A_155, %swap3A_156] : memref<400x18x128xf32, #tpu.memory_space<vmem>>, vector<400x1x128xf32>
    %swap3A_158 = vector.shape_cast %swap3A_157 : vector<400x1x128xf32> to vector<400x128xf32>
    %swap3A_159 = vector.shape_cast %max3A_153 : vector<400x128xf32> to vector<400x1x128xf32>
    tpu.vector_store %arg6[%swap3A_154, %swap3A_155, %swap3A_156], %swap3A_159 {strides = array<i32>} : memref<400x18x128xf32, #tpu.memory_space<vmem>>, vector<400x1x128xf32>,
    %get3A_160 = arith.constant 9 : index
    %get3A_161 = arith.constant 0 : index
    %get3A_162 = vector.load %arg4[%get3A_160, %get3A_161] : memref<18x128xf32, #tpu.memory_space<vmem>>, vector<1x128xf32>
    %add3A_163 = vector.broadcast %get3A_162 : vector<1x128xf32> to vector<400x128xf32>
    %add3A_164 = arith.addf %add3A, %add3A_163 : vector<400x128xf32>
    %max3A_165 = arith.constant 0.000000e+00 : f32
    %max3A_166 = vector.broadcast %max3A_165 : f32 to vector<400x128xf32>
    %max3A_167 = arith.maximumf %add3A_164, %max3A_166 : vector<400x128xf32>
    %swap3A_168 = arith.constant 0 : index
    %swap3A_169 = arith.constant 9 : index
    %swap3A_170 = arith.constant 0 : index
    %swap3A_171 = vector.load %arg6[%swap3A_168, %swap3A_169, %swap3A_170] : memref<400x18x128xf32, #tpu.memory_space<vmem>>, vector<400x1x128xf32>
    %swap3A_172 = vector.shape_cast %swap3A_171 : vector<400x1x128xf32> to vector<400x128xf32>
    %swap3A_173 = vector.shape_cast %max3A_167 : vector<400x128xf32> to vector<400x1x128xf32>
    tpu.vector_store %arg6[%swap3A_168, %swap3A_169, %swap3A_170], %swap3A_173 {strides = array<i32>} : memref<400x18x128xf32, #tpu.memory_space<vmem>>, vector<400x1x128xf32>,
    %get3A_174 = arith.constant 10 : index
    %get3A_175 = arith.constant 0 : index
    %get3A_176 = vector.load %arg4[%get3A_174, %get3A_175] : memref<18x128xf32, #tpu.memory_space<vmem>>, vector<1x128xf32>
    %add3A_177 = vector.broadcast %get3A_176 : vector<1x128xf32> to vector<400x128xf32>
    %add3A_178 = arith.addf %add3A, %add3A_177 : vector<400x128xf32>
    %max3A_179 = arith.constant 0.000000e+00 : f32
    %max3A_180 = vector.broadcast %max3A_179 : f32 to vector<400x128xf32>
    %max3A_181 = arith.maximumf %add3A_178, %max3A_180 : vector<400x128xf32>
    %swap3A_182 = arith.constant 0 : index
    %swap3A_183 = arith.constant 10 : index
    %swap3A_184 = arith.constant 0 : index
    %swap3A_185 = vector.load %arg6[%swap3A_182, %swap3A_183, %swap3A_184] : memref<400x18x128xf32, #tpu.memory_space<vmem>>, vector<400x1x128xf32>
    %swap3A_186 = vector.shape_cast %swap3A_185 : vector<400x1x128xf32> to vector<400x128xf32>
    %swap3A_187 = vector.shape_cast %max3A_181 : vector<400x128xf32> to vector<400x1x128xf32>
    tpu.vector_store %arg6[%swap3A_182, %swap3A_183, %swap3A_184], %swap3A_187 {strides = array<i32>} : memref<400x18x128xf32, #tpu.memory_space<vmem>>, vector<400x1x128xf32>,
    %get3A_188 = arith.constant 11 : index
    %get3A_189 = arith.constant 0 : index
    %get3A_190 = vector.load %arg4[%get3A_188, %get3A_189] : memref<18x128xf32, #tpu.memory_space<vmem>>, vector<1x128xf32>
    %add3A_191 = vector.broadcast %get3A_190 : vector<1x128xf32> to vector<400x128xf32>
    %add3A_192 = arith.addf %add3A, %add3A_191 : vector<400x128xf32>
    %max3A_193 = arith.constant 0.000000e+00 : f32
    %max3A_194 = vector.broadcast %max3A_193 : f32 to vector<400x128xf32>
    %max3A_195 = arith.maximumf %add3A_192, %max3A_194 : vector<400x128xf32>
    %swap3A_196 = arith.constant 0 : index
    %swap3A_197 = arith.constant 11 : index
    %swap3A_198 = arith.constant 0 : index
    %swap3A_199 = vector.load %arg6[%swap3A_196, %swap3A_197, %swap3A_198] : memref<400x18x128xf32, #tpu.memory_space<vmem>>, vector<400x1x128xf32>
    %swap3A_200 = vector.shape_cast %swap3A_199 : vector<400x1x128xf32> to vector<400x128xf32>
    %swap3A_201 = vector.shape_cast %max3A_195 : vector<400x128xf32> to vector<400x1x128xf32>
    tpu.vector_store %arg6[%swap3A_196, %swap3A_197, %swap3A_198], %swap3A_201 {strides = array<i32>} : memref<400x18x128xf32, #tpu.memory_space<vmem>>, vector<400x1x128xf32>,
    %get3A_202 = arith.constant 12 : index
    %get3A_203 = arith.constant 0 : index
    %get3A_204 = vector.load %arg4[%get3A_202, %get3A_203] : memref<18x128xf32, #tpu.memory_space<vmem>>, vector<1x128xf32>
    %add3A_205 = vector.broadcast %get3A_204 : vector<1x128xf32> to vector<400x128xf32>
    %add3A_206 = arith.addf %add3A, %add3A_205 : vector<400x128xf32>
    %max3A_207 = arith.constant 0.000000e+00 : f32
    %max3A_208 = vector.broadcast %max3A_207 : f32 to vector<400x128xf32>
    %max3A_209 = arith.maximumf %add3A_206, %max3A_208 : vector<400x128xf32>
    %swap3A_210 = arith.constant 0 : index
    %swap3A_211 = arith.constant 12 : index
    %swap3A_212 = arith.constant 0 : index
    %swap3A_213 = vector.load %arg6[%swap3A_210, %swap3A_211, %swap3A_212] : memref<400x18x128xf32, #tpu.memory_space<vmem>>, vector<400x1x128xf32>
    %swap3A_214 = vector.shape_cast %swap3A_213 : vector<400x1x128xf32> to vector<400x128xf32>
    %swap3A_215 = vector.shape_cast %max3A_209 : vector<400x128xf32> to vector<400x1x128xf32>
    tpu.vector_store %arg6[%swap3A_210, %swap3A_211, %swap3A_212], %swap3A_215 {strides = array<i32>} : memref<400x18x128xf32, #tpu.memory_space<vmem>>, vector<400x1x128xf32>,
    %get3A_216 = arith.constant 13 : index
    %get3A_217 = arith.constant 0 : index
    %get3A_218 = vector.load %arg4[%get3A_216, %get3A_217] : memref<18x128xf32, #tpu.memory_space<vmem>>, vector<1x128xf32>
    %add3A_219 = vector.broadcast %get3A_218 : vector<1x128xf32> to vector<400x128xf32>
    %add3A_220 = arith.addf %add3A, %add3A_219 : vector<400x128xf32>
    %max3A_221 = arith.constant 0.000000e+00 : f32
    %max3A_222 = vector.broadcast %max3A_221 : f32 to vector<400x128xf32>
    %max3A_223 = arith.maximumf %add3A_220, %max3A_222 : vector<400x128xf32>
    %swap3A_224 = arith.constant 0 : index
    %swap3A_225 = arith.constant 13 : index
    %swap3A_226 = arith.constant 0 : index
    %swap3A_227 = vector.load %arg6[%swap3A_224, %swap3A_225, %swap3A_226] : memref<400x18x128xf32, #tpu.memory_space<vmem>>, vector<400x1x128xf32>
    %swap3A_228 = vector.shape_cast %swap3A_227 : vector<400x1x128xf32> to vector<400x128xf32>
    %swap3A_229 = vector.shape_cast %max3A_223 : vector<400x128xf32> to vector<400x1x128xf32>
    tpu.vector_store %arg6[%swap3A_224, %swap3A_225, %swap3A_226], %swap3A_229 {strides = array<i32>} : memref<400x18x128xf32, #tpu.memory_space<vmem>>, vector<400x1x128xf32>,
    %get3A_230 = arith.constant 14 : index
    %get3A_231 = arith.constant 0 : index
    %get3A_232 = vector.load %arg4[%get3A_230, %get3A_231] : memref<18x128xf32, #tpu.memory_space<vmem>>, vector<1x128xf32>
    %add3A_233 = vector.broadcast %get3A_232 : vector<1x128xf32> to vector<400x128xf32>
    %add3A_234 = arith.addf %add3A, %add3A_233 : vector<400x128xf32>
    %max3A_235 = arith.constant 0.000000e+00 : f32
    %max3A_236 = vector.broadcast %max3A_235 : f32 to vector<400x128xf32>
    %max3A_237 = arith.maximumf %add3A_234, %max3A_236 : vector<400x128xf32>
    %swap3A_238 = arith.constant 0 : index
    %swap3A_239 = arith.constant 14 : index
    %swap3A_240 = arith.constant 0 : index
    %swap3A_241 = vector.load %arg6[%swap3A_238, %swap3A_239, %swap3A_240] : memref<400x18x128xf32, #tpu.memory_space<vmem>>, vector<400x1x128xf32>
    %swap3A_242 = vector.shape_cast %swap3A_241 : vector<400x1x128xf32> to vector<400x128xf32>
    %swap3A_243 = vector.shape_cast %max3A_237 : vector<400x128xf32> to vector<400x1x128xf32>
    tpu.vector_store %arg6[%swap3A_238, %swap3A_239, %swap3A_240], %swap3A_243 {strides = array<i32>} : memref<400x18x128xf32, #tpu.memory_space<vmem>>, vector<400x1x128xf32>,
    %get3A_244 = arith.constant 15 : index
    %get3A_245 = arith.constant 0 : index
    %get3A_246 = vector.load %arg4[%get3A_244, %get3A_245] : memref<18x128xf32, #tpu.memory_space<vmem>>, vector<1x128xf32>
    %add3A_247 = vector.broadcast %get3A_246 : vector<1x128xf32> to vector<400x128xf32>
    %add3A_248 = arith.addf %add3A, %add3A_247 : vector<400x128xf32>
    %max3A_249 = arith.constant 0.000000e+00 : f32
    %max3A_250 = vector.broadcast %max3A_249 : f32 to vector<400x128xf32>
    %max3A_251 = arith.maximumf %add3A_248, %max3A_250 : vector<400x128xf32>
    %swap3A_252 = arith.constant 0 : index
    %swap3A_253 = arith.constant 15 : index
    %swap3A_254 = arith.constant 0 : index
    %swap3A_255 = vector.load %arg6[%swap3A_252, %swap3A_253, %swap3A_254] : memref<400x18x128xf32, #tpu.memory_space<vmem>>, vector<400x1x128xf32>
    %swap3A_256 = vector.shape_cast %swap3A_255 : vector<400x1x128xf32> to vector<400x128xf32>
    %swap3A_257 = vector.shape_cast %max3A_251 : vector<400x128xf32> to vector<400x1x128xf32>
    tpu.vector_store %arg6[%swap3A_252, %swap3A_253, %swap3A_254], %swap3A_257 {strides = array<i32>} : memref<400x18x128xf32, #tpu.memory_space<vmem>>, vector<400x1x128xf32>,
    %get3A_258 = arith.constant 16 : index
    %get3A_259 = arith.constant 0 : index
    %get3A_260 = vector.load %arg4[%get3A_258, %get3A_259] : memref<18x128xf32, #tpu.memory_space<vmem>>, vector<1x128xf32>
    %add3A_261 = vector.broadcast %get3A_260 : vector<1x128xf32> to vector<400x128xf32>
    %add3A_262 = arith.addf %add3A, %add3A_261 : vector<400x128xf32>
    %max3A_263 = arith.constant 0.000000e+00 : f32
    %max3A_264 = vector.broadcast %max3A_263 : f32 to vector<400x128xf32>
    %max3A_265 = arith.maximumf %add3A_262, %max3A_264 : vector<400x128xf32>
    %swap3A_266 = arith.constant 0 : index
    %swap3A_267 = arith.constant 16 : index
    %swap3A_268 = arith.constant 0 : index
    %swap3A_269 = vector.load %arg6[%swap3A_266, %swap3A_267, %swap3A_268] : memref<400x18x128xf32, #tpu.memory_space<vmem>>, vector<400x1x128xf32>
    %swap3A_270 = vector.shape_cast %swap3A_269 : vector<400x1x128xf32> to vector<400x128xf32>
    %swap3A_271 = vector.shape_cast %max3A_265 : vector<400x128xf32> to vector<400x1x128xf32>
    tpu.vector_store %arg6[%swap3A_266, %swap3A_267, %swap3A_268], %swap3A_271 {strides = array<i32>} : memref<400x18x128xf32, #tpu.memory_space<vmem>>, vector<400x1x128xf32>,
    %get3A_272 = arith.constant 17 : index
    %get3A_273 = arith.constant 0 : index
    %get3A_274 = vector.load %arg4[%get3A_272, %get3A_273] : memref<18x128xf32, #tpu.memory_space<vmem>>, vector<1x128xf32>
    %add3A_275 = vector.broadcast %get3A_274 : vector<1x128xf32> to vector<400x128xf32>
    %add3A_276 = arith.addf %add3A, %add3A_275 : vector<400x128xf32>
    %max3A_277 = arith.constant 0.000000e+00 : f32
    %max3A_278 = vector.broadcast %max3A_277 : f32 to vector<400x128xf32>
    %max3A_279 = arith.maximumf %add3A_276, %max3A_278 : vector<400x128xf32>
    %swap3A_280 = arith.constant 0 : index
    %swap3A_281 = arith.constant 17 : index
    %swap3A_282 = arith.constant 0 : index
    %swap3A_283 = vector.load %arg6[%swap3A_280, %swap3A_281, %swap3A_282] : memref<400x18x128xf32, #tpu.memory_space<vmem>>, vector<400x1x128xf32>
    %swap3A_284 = vector.shape_cast %swap3A_283 : vector<400x1x128xf32> to vector<400x128xf32>
    %swap3A_285 = vector.shape_cast %max3A_279 : vector<400x128xf32> to vector<400x1x128xf32>
    tpu.vector_store %arg6[%swap3A_280, %swap3A_281, %swap3A_282], %swap3A_285 {strides = array<i32>} : memref<400x18x128xf32, #tpu.memory_space<vmem>>, vector<400x1x128xf32>,
    return
  }
  func.func @transform_0(%arg0: i32) -> (i32, i32) {
    %c0_i32 = arith.constant 0 : i32
    %c0_i32_0 = arith.constant 0 : i32
    return %arg0, %c0_i32 : i32, i32
  }
  func.func @transform_1(%arg0: i32) -> (i32, i32) {
    %c0_i32 = arith.constant 0 : i32
    %c0_i32_0 = arith.constant 0 : i32
    %c0_i32_1 = arith.constant 0 : i32
    return %c0_i32, %c0_i32_0 : i32, i32
  }
  func.func @transform_2(%arg0: i32) -> (i32, i32) {
    %c0_i32 = arith.constant 0 : i32
    %c0_i32_0 = arith.constant 0 : i32
    %c0_i32_1 = arith.constant 0 : i32
    return %c0_i32, %c0_i32_0 : i32, i32
  }
  func.func @transform_3(%arg0: i32) -> (i32, i32) {
    %c0_i32 = arith.constant 0 : i32
    %c0_i32_0 = arith.constant 0 : i32
    %c0_i32_1 = arith.constant 0 : i32
    return %c0_i32, %c0_i32_0 : i32, i32
  }
  func.func @transform_4(%arg0: i32) -> (i32, i32) {
    %c0_i32 = arith.constant 0 : i32
    %c0_i32_0 = arith.constant 0 : i32
    return %arg0, %c0_i32 : i32, i32
  }
  func.func @transform_5(%arg0: i32) -> (i32, i32, i32) {
    %c0_i32 = arith.constant 0 : i32
    %c0_i32_0 = arith.constant 0 : i32
    %c0_i32_1 = arith.constant 0 : i32
    return %arg0, %c0_i32, %c0_i32_0 : i32, i32, i32
  }
}

module attributes {stable_mosaic.version = 14 : i64} {
  func.func @body(%arg0: i32, %arg1: i32, %arg2: memref<400x128xf32, #tpu.memory_space<vmem>>, %arg3: memref<400x128xf32, #tpu.memory_space<vmem>>, %arg4: memref<400x128xf32, #tpu.memory_space<vmem>>, %arg5: memref<400x128xf32, #tpu.memory_space<vmem>>, %arg6: memref<128x256xf32, #tpu.memory_space<vmem>>, %arg7: memref<1x256xf32, #tpu.memory_space<vmem>>, %arg8: memref<256x128xf32, #tpu.memory_space<vmem>>, %arg9: memref<1x128xf32, #tpu.memory_space<vmem>>, %arg10: memref<1x128xf32, #tpu.memory_space<vmem>>, %arg11: memref<1x128xf32, #tpu.memory_space<vmem>>, %arg12: memref<1x128xf32, #tpu.memory_space<vmem>>, %arg13: memref<18x128xf32, #tpu.memory_space<vmem>>, %arg14: memref<400x128xf32, #tpu.memory_space<vmem>>, %arg15: memref<400x18x128xf32, #tpu.memory_space<vmem>>, %arg16: memref<10000x128xf32, #tpu.memory_space<vmem>>, %arg17: memref<1x128xf32, #tpu.memory_space<vmem>>, %arg18: memref<1x128xf32, #tpu.memory_space<vmem>>) attributes {dimension_semantics = [#tpu.dimension_semantics<arbitrary>, #tpu.dimension_semantics<arbitrary>], iteration_bounds = array<i64: 2, 25>, scalar_prefetch = 0 : i64, scratch_operands = 3 : i64, tpu.core_type = #tpu.core_type<tc>, window_params = [{transform_indices = @transform_0, window_bounds = array<i64: 400, 128>}, {transform_indices = @transform_1, window_bounds = array<i64: 400, 128>}, {transform_indices = @transform_2, window_bounds = array<i64: 400, 128>}, {transform_indices = @transform_3, window_bounds = array<i64: 400, 128>}, {pipeline_mode = #tpu.pipeline_mode<synchronous>, transform_indices = @transform_4, window_bounds = array<i64: 128, 256>}, {pipeline_mode = #tpu.pipeline_mode<synchronous>, transform_indices = @transform_5, window_bounds = array<i64: 1, 256>}, {pipeline_mode = #tpu.pipeline_mode<synchronous>, transform_indices = @transform_6, window_bounds = array<i64: 256, 128>}, {pipeline_mode = #tpu.pipeline_mode<synchronous>, transform_indices = @transform_7, window_bounds = array<i64: 1, 128>}, {pipeline_mode = #tpu.pipeline_mode<synchronous>, transform_indices = @transform_8, window_bounds = array<i64: 1, 128>}, {pipeline_mode = #tpu.pipeline_mode<synchronous>, transform_indices = @transform_9, window_bounds = array<i64: 1, 128>}, {pipeline_mode = #tpu.pipeline_mode<synchronous>, transform_indices = @transform_10, window_bounds = array<i64: 1, 128>}, {pipeline_mode = #tpu.pipeline_mode<synchronous>, transform_indices = @transform_11, window_bounds = array<i64: 18, 128>}, {transform_indices = @transform_12, window_bounds = array<i64: 400, 128>}, {transform_indices = @transform_13, window_bounds = array<i64: 400, 18, 128>}]} {
    %eq3A = arith.constant 0 : i32
    %eq3A_0 = arith.cmpi eq, %arg0, %eq3A : i32
    %convert_element_type3A = arith.extui %eq3A_0 : i1 to i32
    %cond3A = arith.constant 0 : i32
    %cond3A_1 = arith.cmpi ne, %convert_element_type3A, %cond3A : i32
    scf.if %cond3A_1 {
      %eq3A_7 = arith.constant 0 : i32
      %eq3A_8 = arith.cmpi eq, %arg1, %eq3A_7 : i32
      %convert_element_type3A_9 = arith.extui %eq3A_8 : i1 to i32
      %cond3A_10 = arith.constant 0 : i32
      %cond3A_11 = arith.cmpi ne, %convert_element_type3A_9, %cond3A_10 : i32
      scf.if %cond3A_11 {
        %broadcast_in_dim3A_77 = arith.constant 0.000000e+00 : f32
        %broadcast_in_dim3A_78 = vector.broadcast %broadcast_in_dim3A_77 : f32 to vector<1x128xf32>
        %swap3A_79 = arith.constant 0 : index
        %swap3A_80 = arith.constant 0 : index
        %swap3A_81 = vector.load %arg17[%swap3A_79, %swap3A_80] : memref<1x128xf32, #tpu.memory_space<vmem>>, vector<1x128xf32>
        tpu.vector_store %arg17[%swap3A_79, %swap3A_80], %broadcast_in_dim3A_78 {strides = array<i32>} : memref<1x128xf32, #tpu.memory_space<vmem>>, vector<1x128xf32>,
        %broadcast_in_dim3A_82 = arith.constant 0.000000e+00 : f32
        %broadcast_in_dim3A_83 = vector.broadcast %broadcast_in_dim3A_82 : f32 to vector<1x128xf32>
        %swap3A_84 = arith.constant 0 : index
        %swap3A_85 = arith.constant 0 : index
        %swap3A_86 = vector.load %arg18[%swap3A_84, %swap3A_85] : memref<1x128xf32, #tpu.memory_space<vmem>>, vector<1x128xf32>
        tpu.vector_store %arg18[%swap3A_84, %swap3A_85], %broadcast_in_dim3A_83 {strides = array<i32>} : memref<1x128xf32, #tpu.memory_space<vmem>>, vector<1x128xf32>,
      } else {
      }
      %get3A = arith.constant 0 : index
      %get3A_12 = arith.constant 0 : index
      %get3A_13 = vector.load %arg12[%get3A, %get3A_12] : memref<1x128xf32, #tpu.memory_space<vmem>>, vector<1x128xf32>
      %get3A_14 = arith.constant 0 : index
      %get3A_15 = arith.constant 0 : index
      %get3A_16 = vector.load %arg2[%get3A_14, %get3A_15] : memref<400x128xf32, #tpu.memory_space<vmem>>, vector<400x128xf32>
      %mul3A = vector.broadcast %get3A_13 : vector<1x128xf32> to vector<400x128xf32>
      %mul3A_17 = arith.mulf %mul3A, %get3A_16 : vector<400x128xf32>
      %get3A_18 = arith.constant 0 : index
      %get3A_19 = arith.constant 0 : index
      %get3A_20 = vector.load %arg3[%get3A_18, %get3A_19] : memref<400x128xf32, #tpu.memory_space<vmem>>, vector<400x128xf32>
      %get3A_21 = arith.constant 0 : index
      %get3A_22 = arith.constant 0 : index
      %get3A_23 = vector.load %arg4[%get3A_21, %get3A_22] : memref<400x128xf32, #tpu.memory_space<vmem>>, vector<400x128xf32>
      %add3A = arith.addf %get3A_20, %get3A_23 : vector<400x128xf32>
      %get3A_24 = arith.constant 0 : index
      %get3A_25 = arith.constant 0 : index
      %get3A_26 = vector.load %arg5[%get3A_24, %get3A_25] : memref<400x128xf32, #tpu.memory_space<vmem>>, vector<400x128xf32>
      %add3A_27 = arith.addf %add3A, %get3A_26 : vector<400x128xf32>
      %add3A_28 = arith.addf %mul3A_17, %add3A_27 : vector<400x128xf32>
      %convert_element_type3A_29 = arith.truncf %add3A_28 : vector<400x128xf32> to vector<400x128xbf16>
      %get3A_30 = arith.constant 0 : index
      %get3A_31 = arith.constant 0 : index
      %get3A_32 = vector.load %arg6[%get3A_30, %get3A_31] : memref<128x256xf32, #tpu.memory_space<vmem>>, vector<128x256xf32>
      %convert_element_type3A_33 = arith.truncf %get3A_32 : vector<128x256xf32> to vector<128x256xbf16>
      %dot_general3A = arith.constant dense<0.000000e+00> : vector<400x256xf32>
      %dot_general3A_34 = tpu.matmul %convert_element_type3A_29, %convert_element_type3A_33, %dot_general3A {dimension_numbers = #tpu.dot_dimension_numbers<[1], [0], [0], [1], [0, 0, 1, 1], [], []>, transpose_lhs_hint = false} : vector<400x128xbf16>, vector<128x256xbf16>, vector<400x256xf32> -> vector<400x256xf32>
      %get3A_35 = arith.constant 0 : index
      %get3A_36 = arith.constant 0 : index
      %get3A_37 = vector.load %arg7[%get3A_35, %get3A_36] : memref<1x256xf32, #tpu.memory_space<vmem>>, vector<1x256xf32>
      %add3A_38 = vector.broadcast %get3A_37 : vector<1x256xf32> to vector<400x256xf32>
      %add3A_39 = arith.addf %dot_general3A_34, %add3A_38 : vector<400x256xf32>
      %max3A = arith.constant 0.000000e+00 : f32
      %max3A_40 = vector.broadcast %max3A : f32 to vector<400x256xf32>
      %max3A_41 = arith.maximumf %add3A_39, %max3A_40 : vector<400x256xf32>
      %convert_element_type3A_42 = arith.truncf %max3A_41 : vector<400x256xf32> to vector<400x256xbf16>
      %get3A_43 = arith.constant 0 : index
      %get3A_44 = arith.constant 0 : index
      %get3A_45 = vector.load %arg8[%get3A_43, %get3A_44] : memref<256x128xf32, #tpu.memory_space<vmem>>, vector<256x128xf32>
      %convert_element_type3A_46 = arith.truncf %get3A_45 : vector<256x128xf32> to vector<256x128xbf16>
      %dot_general3A_47 = arith.constant dense<0.000000e+00> : vector<400x128xf32>
      %dot_general3A_48 = tpu.matmul %convert_element_type3A_42, %convert_element_type3A_46, %dot_general3A_47 {dimension_numbers = #tpu.dot_dimension_numbers<[1], [0], [0], [1], [0, 0, 1, 1], [], []>, transpose_lhs_hint = false} : vector<400x256xbf16>, vector<256x128xbf16>, vector<400x128xf32> -> vector<400x128xf32>
      %get3A_49 = arith.constant 0 : index
      %get3A_50 = arith.constant 0 : index
      %get3A_51 = vector.load %arg9[%get3A_49, %get3A_50] : memref<1x128xf32, #tpu.memory_space<vmem>>, vector<1x128xf32>
      %add3A_52 = vector.broadcast %get3A_51 : vector<1x128xf32> to vector<400x128xf32>
      %add3A_53 = arith.addf %dot_general3A_48, %add3A_52 : vector<400x128xf32>
      %mul3A_54 = arith.constant 400 : i32
      %mul3A_55 = arith.muli %arg1, %mul3A_54 : i32
      %swap3A = arith.index_cast %mul3A_55 : i32 to index
      %swap3A_56 = arith.constant 0 : index
      %swap3A_57 = vector.load %arg16[%swap3A, %swap3A_56] : memref<10000x128xf32, #tpu.memory_space<vmem>>, vector<400x128xf32>
      tpu.vector_store %arg16[%swap3A, %swap3A_56], %add3A_53 {strides = array<i32>} : memref<10000x128xf32, #tpu.memory_space<vmem>>, vector<400x128xf32>,
      %get3A_58 = arith.constant 0 : index
      %get3A_59 = arith.constant 0 : index
      %get3A_60 = vector.load %arg17[%get3A_58, %get3A_59] : memref<1x128xf32, #tpu.memory_space<vmem>>, vector<1x128xf32>
      %reduce_sum3A = arith.constant dense<0.000000e+00> : vector<128xf32>
      %reduce_sum3A_61 = vector.multi_reduction <add>, %add3A_53, %reduce_sum3A [0] : vector<400x128xf32> to vector<128xf32>
      %broadcast_in_dim3A = vector.shape_cast %reduce_sum3A_61 : vector<128xf32> to vector<1x128xf32>
      %add3A_62 = arith.addf %get3A_60, %broadcast_in_dim3A : vector<1x128xf32>
      %swap3A_63 = arith.constant 0 : index
      %swap3A_64 = arith.constant 0 : index
      %swap3A_65 = vector.load %arg17[%swap3A_63, %swap3A_64] : memref<1x128xf32, #tpu.memory_space<vmem>>, vector<1x128xf32>
      tpu.vector_store %arg17[%swap3A_63, %swap3A_64], %add3A_62 {strides = array<i32>} : memref<1x128xf32, #tpu.memory_space<vmem>>, vector<1x128xf32>,
      %get3A_66 = arith.constant 0 : index
      %get3A_67 = arith.constant 0 : index
      %get3A_68 = vector.load %arg18[%get3A_66, %get3A_67] : memref<1x128xf32, #tpu.memory_space<vmem>>, vector<1x128xf32>
      %mul3A_69 = arith.mulf %add3A_53, %add3A_53 : vector<400x128xf32>
      %reduce_sum3A_70 = arith.constant dense<0.000000e+00> : vector<128xf32>
      %reduce_sum3A_71 = vector.multi_reduction <add>, %mul3A_69, %reduce_sum3A_70 [0] : vector<400x128xf32> to vector<128xf32>
      %broadcast_in_dim3A_72 = vector.shape_cast %reduce_sum3A_71 : vector<128xf32> to vector<1x128xf32>
      %add3A_73 = arith.addf %get3A_68, %broadcast_in_dim3A_72 : vector<1x128xf32>
      %swap3A_74 = arith.constant 0 : index
      %swap3A_75 = arith.constant 0 : index
      %swap3A_76 = vector.load %arg18[%swap3A_74, %swap3A_75] : memref<1x128xf32, #tpu.memory_space<vmem>>, vector<1x128xf32>
      tpu.vector_store %arg18[%swap3A_74, %swap3A_75], %add3A_73 {strides = array<i32>} : memref<1x128xf32, #tpu.memory_space<vmem>>, vector<1x128xf32>,
    } else {
    }
    %eq3A_2 = arith.constant 1 : i32
    %eq3A_3 = arith.cmpi eq, %arg0, %eq3A_2 : i32
    %convert_element_type3A_4 = arith.extui %eq3A_3 : i1 to i32
    %cond3A_5 = arith.constant 0 : i32
    %cond3A_6 = arith.cmpi ne, %convert_element_type3A_4, %cond3A_5 : i32
    scf.if %cond3A_6 {
      %get3A = arith.constant 0 : index
      %get3A_7 = arith.constant 0 : index
      %get3A_8 = vector.load %arg17[%get3A, %get3A_7] : memref<1x128xf32, #tpu.memory_space<vmem>>, vector<1x128xf32>
      %mul3A = arith.constant 9.99999974E-5 : f32
      %mul3A_9 = vector.broadcast %mul3A : f32 to vector<1x128xf32>
      %mul3A_10 = arith.mulf %get3A_8, %mul3A_9 : vector<1x128xf32>
      %get3A_11 = arith.constant 0 : index
      %get3A_12 = arith.constant 0 : index
      %get3A_13 = vector.load %arg18[%get3A_11, %get3A_12] : memref<1x128xf32, #tpu.memory_space<vmem>>, vector<1x128xf32>
      %mul3A_14 = arith.constant 9.99999974E-5 : f32
      %mul3A_15 = vector.broadcast %mul3A_14 : f32 to vector<1x128xf32>
      %mul3A_16 = arith.mulf %get3A_13, %mul3A_15 : vector<1x128xf32>
      %mul3A_17 = arith.mulf %mul3A_10, %mul3A_10 : vector<1x128xf32>
      %sub3A = arith.subf %mul3A_16, %mul3A_17 : vector<1x128xf32>
      %add3A = arith.constant 9.99999974E-6 : f32
      %add3A_18 = vector.broadcast %add3A : f32 to vector<1x128xf32>
      %add3A_19 = arith.addf %sub3A, %add3A_18 : vector<1x128xf32>
      %rsqrt3A = math.rsqrt %add3A_19 : vector<1x128xf32>
      %mul3A_20 = arith.constant 5.000000e-01 : f32
      %mul3A_21 = vector.broadcast %mul3A_20 : f32 to vector<1x128xf32>
      %mul3A_22 = arith.mulf %mul3A_21, %add3A_19 : vector<1x128xf32>
      %mul3A_23 = arith.mulf %mul3A_22, %rsqrt3A : vector<1x128xf32>
      %mul3A_24 = arith.mulf %mul3A_23, %rsqrt3A : vector<1x128xf32>
      %sub3A_25 = arith.constant 1.500000e+00 : f32
      %sub3A_26 = vector.broadcast %sub3A_25 : f32 to vector<1x128xf32>
      %sub3A_27 = arith.subf %sub3A_26, %mul3A_24 : vector<1x128xf32>
      %mul3A_28 = arith.mulf %rsqrt3A, %sub3A_27 : vector<1x128xf32>
      %mul3A_29 = arith.constant 5.000000e-01 : f32
      %mul3A_30 = vector.broadcast %mul3A_29 : f32 to vector<1x128xf32>
      %mul3A_31 = arith.mulf %mul3A_30, %add3A_19 : vector<1x128xf32>
      %mul3A_32 = arith.mulf %mul3A_31, %mul3A_28 : vector<1x128xf32>
      %mul3A_33 = arith.mulf %mul3A_32, %mul3A_28 : vector<1x128xf32>
      %sub3A_34 = arith.constant 1.500000e+00 : f32
      %sub3A_35 = vector.broadcast %sub3A_34 : f32 to vector<1x128xf32>
      %sub3A_36 = arith.subf %sub3A_35, %mul3A_33 : vector<1x128xf32>
      %mul3A_37 = arith.mulf %mul3A_28, %sub3A_36 : vector<1x128xf32>
      %get3A_38 = arith.constant 0 : index
      %get3A_39 = arith.constant 0 : index
      %get3A_40 = vector.load %arg10[%get3A_38, %get3A_39] : memref<1x128xf32, #tpu.memory_space<vmem>>, vector<1x128xf32>
      %mul3A_41 = arith.mulf %mul3A_37, %get3A_40 : vector<1x128xf32>
      %get3A_42 = arith.constant 0 : index
      %get3A_43 = arith.constant 0 : index
      %get3A_44 = vector.load %arg11[%get3A_42, %get3A_43] : memref<1x128xf32, #tpu.memory_space<vmem>>, vector<1x128xf32>
      %mul3A_45 = arith.mulf %mul3A_10, %mul3A_41 : vector<1x128xf32>
      %sub3A_46 = arith.subf %get3A_44, %mul3A_45 : vector<1x128xf32>
      %mul3A_47 = arith.constant 400 : i32
      %mul3A_48 = arith.muli %arg1, %mul3A_47 : i32
      %get3A_49 = arith.index_cast %mul3A_48 : i32 to index
      %get3A_50 = arith.constant 0 : index
      %get3A_51 = vector.load %arg16[%get3A_49, %get3A_50] : memref<10000x128xf32, #tpu.memory_space<vmem>>, vector<400x128xf32>
      %mul3A_52 = vector.broadcast %mul3A_41 : vector<1x128xf32> to vector<400x128xf32>
      %mul3A_53 = arith.mulf %get3A_51, %mul3A_52 : vector<400x128xf32>
      %add3A_54 = vector.broadcast %sub3A_46 : vector<1x128xf32> to vector<400x128xf32>
      %add3A_55 = arith.addf %mul3A_53, %add3A_54 : vector<400x128xf32>
      %max3A = arith.constant 0.000000e+00 : f32
      %max3A_56 = vector.broadcast %max3A : f32 to vector<400x128xf32>
      %max3A_57 = arith.maximumf %add3A_55, %max3A_56 : vector<400x128xf32>
      %swap3A = arith.constant 0 : index
      %swap3A_58 = arith.constant 0 : index
      %swap3A_59 = vector.load %arg14[%swap3A, %swap3A_58] : memref<400x128xf32, #tpu.memory_space<vmem>>, vector<400x128xf32>
      tpu.vector_store %arg14[%swap3A, %swap3A_58], %max3A_57 {strides = array<i32>} : memref<400x128xf32, #tpu.memory_space<vmem>>, vector<400x128xf32>,
      %get3A_60 = arith.constant 0 : index
      %get3A_61 = arith.constant 0 : index
      %get3A_62 = vector.load %arg13[%get3A_60, %get3A_61] : memref<18x128xf32, #tpu.memory_space<vmem>>, vector<1x128xf32>
      %add3A_63 = vector.broadcast %get3A_62 : vector<1x128xf32> to vector<400x128xf32>
      %add3A_64 = arith.addf %max3A_57, %add3A_63 : vector<400x128xf32>
      %max3A_65 = arith.constant 0.000000e+00 : f32
      %max3A_66 = vector.broadcast %max3A_65 : f32 to vector<400x128xf32>
      %max3A_67 = arith.maximumf %add3A_64, %max3A_66 : vector<400x128xf32>
      %swap3A_68 = arith.constant 0 : index
      %swap3A_69 = arith.constant 0 : index
      %swap3A_70 = arith.constant 0 : index
      %swap3A_71 = vector.load %arg15[%swap3A_68, %swap3A_69, %swap3A_70] : memref<400x18x128xf32, #tpu.memory_space<vmem>>, vector<400x1x128xf32>
      %swap3A_72 = vector.shape_cast %swap3A_71 : vector<400x1x128xf32> to vector<400x128xf32>
      %swap3A_73 = vector.shape_cast %max3A_67 : vector<400x128xf32> to vector<400x1x128xf32>
      tpu.vector_store %arg15[%swap3A_68, %swap3A_69, %swap3A_70], %swap3A_73 {strides = array<i32>} : memref<400x18x128xf32, #tpu.memory_space<vmem>>, vector<400x1x128xf32>,
      %get3A_74 = arith.constant 1 : index
      %get3A_75 = arith.constant 0 : index
      %get3A_76 = vector.load %arg13[%get3A_74, %get3A_75] : memref<18x128xf32, #tpu.memory_space<vmem>>, vector<1x128xf32>
      %add3A_77 = vector.broadcast %get3A_76 : vector<1x128xf32> to vector<400x128xf32>
      %add3A_78 = arith.addf %max3A_57, %add3A_77 : vector<400x128xf32>
      %max3A_79 = arith.constant 0.000000e+00 : f32
      %max3A_80 = vector.broadcast %max3A_79 : f32 to vector<400x128xf32>
      %max3A_81 = arith.maximumf %add3A_78, %max3A_80 : vector<400x128xf32>
      %swap3A_82 = arith.constant 0 : index
      %swap3A_83 = arith.constant 1 : index
      %swap3A_84 = arith.constant 0 : index
      %swap3A_85 = vector.load %arg15[%swap3A_82, %swap3A_83, %swap3A_84] : memref<400x18x128xf32, #tpu.memory_space<vmem>>, vector<400x1x128xf32>
      %swap3A_86 = vector.shape_cast %swap3A_85 : vector<400x1x128xf32> to vector<400x128xf32>
      %swap3A_87 = vector.shape_cast %max3A_81 : vector<400x128xf32> to vector<400x1x128xf32>
      tpu.vector_store %arg15[%swap3A_82, %swap3A_83, %swap3A_84], %swap3A_87 {strides = array<i32>} : memref<400x18x128xf32, #tpu.memory_space<vmem>>, vector<400x1x128xf32>,
      %get3A_88 = arith.constant 2 : index
      %get3A_89 = arith.constant 0 : index
      %get3A_90 = vector.load %arg13[%get3A_88, %get3A_89] : memref<18x128xf32, #tpu.memory_space<vmem>>, vector<1x128xf32>
      %add3A_91 = vector.broadcast %get3A_90 : vector<1x128xf32> to vector<400x128xf32>
      %add3A_92 = arith.addf %max3A_57, %add3A_91 : vector<400x128xf32>
      %max3A_93 = arith.constant 0.000000e+00 : f32
      %max3A_94 = vector.broadcast %max3A_93 : f32 to vector<400x128xf32>
      %max3A_95 = arith.maximumf %add3A_92, %max3A_94 : vector<400x128xf32>
      %swap3A_96 = arith.constant 0 : index
      %swap3A_97 = arith.constant 2 : index
      %swap3A_98 = arith.constant 0 : index
      %swap3A_99 = vector.load %arg15[%swap3A_96, %swap3A_97, %swap3A_98] : memref<400x18x128xf32, #tpu.memory_space<vmem>>, vector<400x1x128xf32>
      %swap3A_100 = vector.shape_cast %swap3A_99 : vector<400x1x128xf32> to vector<400x128xf32>
      %swap3A_101 = vector.shape_cast %max3A_95 : vector<400x128xf32> to vector<400x1x128xf32>
      tpu.vector_store %arg15[%swap3A_96, %swap3A_97, %swap3A_98], %swap3A_101 {strides = array<i32>} : memref<400x18x128xf32, #tpu.memory_space<vmem>>, vector<400x1x128xf32>,
      %get3A_102 = arith.constant 3 : index
      %get3A_103 = arith.constant 0 : index
      %get3A_104 = vector.load %arg13[%get3A_102, %get3A_103] : memref<18x128xf32, #tpu.memory_space<vmem>>, vector<1x128xf32>
      %add3A_105 = vector.broadcast %get3A_104 : vector<1x128xf32> to vector<400x128xf32>
      %add3A_106 = arith.addf %max3A_57, %add3A_105 : vector<400x128xf32>
      %max3A_107 = arith.constant 0.000000e+00 : f32
      %max3A_108 = vector.broadcast %max3A_107 : f32 to vector<400x128xf32>
      %max3A_109 = arith.maximumf %add3A_106, %max3A_108 : vector<400x128xf32>
      %swap3A_110 = arith.constant 0 : index
      %swap3A_111 = arith.constant 3 : index
      %swap3A_112 = arith.constant 0 : index
      %swap3A_113 = vector.load %arg15[%swap3A_110, %swap3A_111, %swap3A_112] : memref<400x18x128xf32, #tpu.memory_space<vmem>>, vector<400x1x128xf32>
      %swap3A_114 = vector.shape_cast %swap3A_113 : vector<400x1x128xf32> to vector<400x128xf32>
      %swap3A_115 = vector.shape_cast %max3A_109 : vector<400x128xf32> to vector<400x1x128xf32>
      tpu.vector_store %arg15[%swap3A_110, %swap3A_111, %swap3A_112], %swap3A_115 {strides = array<i32>} : memref<400x18x128xf32, #tpu.memory_space<vmem>>, vector<400x1x128xf32>,
      %get3A_116 = arith.constant 4 : index
      %get3A_117 = arith.constant 0 : index
      %get3A_118 = vector.load %arg13[%get3A_116, %get3A_117] : memref<18x128xf32, #tpu.memory_space<vmem>>, vector<1x128xf32>
      %add3A_119 = vector.broadcast %get3A_118 : vector<1x128xf32> to vector<400x128xf32>
      %add3A_120 = arith.addf %max3A_57, %add3A_119 : vector<400x128xf32>
      %max3A_121 = arith.constant 0.000000e+00 : f32
      %max3A_122 = vector.broadcast %max3A_121 : f32 to vector<400x128xf32>
      %max3A_123 = arith.maximumf %add3A_120, %max3A_122 : vector<400x128xf32>
      %swap3A_124 = arith.constant 0 : index
      %swap3A_125 = arith.constant 4 : index
      %swap3A_126 = arith.constant 0 : index
      %swap3A_127 = vector.load %arg15[%swap3A_124, %swap3A_125, %swap3A_126] : memref<400x18x128xf32, #tpu.memory_space<vmem>>, vector<400x1x128xf32>
      %swap3A_128 = vector.shape_cast %swap3A_127 : vector<400x1x128xf32> to vector<400x128xf32>
      %swap3A_129 = vector.shape_cast %max3A_123 : vector<400x128xf32> to vector<400x1x128xf32>
      tpu.vector_store %arg15[%swap3A_124, %swap3A_125, %swap3A_126], %swap3A_129 {strides = array<i32>} : memref<400x18x128xf32, #tpu.memory_space<vmem>>, vector<400x1x128xf32>,
      %get3A_130 = arith.constant 5 : index
      %get3A_131 = arith.constant 0 : index
      %get3A_132 = vector.load %arg13[%get3A_130, %get3A_131] : memref<18x128xf32, #tpu.memory_space<vmem>>, vector<1x128xf32>
      %add3A_133 = vector.broadcast %get3A_132 : vector<1x128xf32> to vector<400x128xf32>
      %add3A_134 = arith.addf %max3A_57, %add3A_133 : vector<400x128xf32>
      %max3A_135 = arith.constant 0.000000e+00 : f32
      %max3A_136 = vector.broadcast %max3A_135 : f32 to vector<400x128xf32>
      %max3A_137 = arith.maximumf %add3A_134, %max3A_136 : vector<400x128xf32>
      %swap3A_138 = arith.constant 0 : index
      %swap3A_139 = arith.constant 5 : index
      %swap3A_140 = arith.constant 0 : index
      %swap3A_141 = vector.load %arg15[%swap3A_138, %swap3A_139, %swap3A_140] : memref<400x18x128xf32, #tpu.memory_space<vmem>>, vector<400x1x128xf32>
      %swap3A_142 = vector.shape_cast %swap3A_141 : vector<400x1x128xf32> to vector<400x128xf32>
      %swap3A_143 = vector.shape_cast %max3A_137 : vector<400x128xf32> to vector<400x1x128xf32>
      tpu.vector_store %arg15[%swap3A_138, %swap3A_139, %swap3A_140], %swap3A_143 {strides = array<i32>} : memref<400x18x128xf32, #tpu.memory_space<vmem>>, vector<400x1x128xf32>,
      %get3A_144 = arith.constant 6 : index
      %get3A_145 = arith.constant 0 : index
      %get3A_146 = vector.load %arg13[%get3A_144, %get3A_145] : memref<18x128xf32, #tpu.memory_space<vmem>>, vector<1x128xf32>
      %add3A_147 = vector.broadcast %get3A_146 : vector<1x128xf32> to vector<400x128xf32>
      %add3A_148 = arith.addf %max3A_57, %add3A_147 : vector<400x128xf32>
      %max3A_149 = arith.constant 0.000000e+00 : f32
      %max3A_150 = vector.broadcast %max3A_149 : f32 to vector<400x128xf32>
      %max3A_151 = arith.maximumf %add3A_148, %max3A_150 : vector<400x128xf32>
      %swap3A_152 = arith.constant 0 : index
      %swap3A_153 = arith.constant 6 : index
      %swap3A_154 = arith.constant 0 : index
      %swap3A_155 = vector.load %arg15[%swap3A_152, %swap3A_153, %swap3A_154] : memref<400x18x128xf32, #tpu.memory_space<vmem>>, vector<400x1x128xf32>
      %swap3A_156 = vector.shape_cast %swap3A_155 : vector<400x1x128xf32> to vector<400x128xf32>
      %swap3A_157 = vector.shape_cast %max3A_151 : vector<400x128xf32> to vector<400x1x128xf32>
      tpu.vector_store %arg15[%swap3A_152, %swap3A_153, %swap3A_154], %swap3A_157 {strides = array<i32>} : memref<400x18x128xf32, #tpu.memory_space<vmem>>, vector<400x1x128xf32>,
      %get3A_158 = arith.constant 7 : index
      %get3A_159 = arith.constant 0 : index
      %get3A_160 = vector.load %arg13[%get3A_158, %get3A_159] : memref<18x128xf32, #tpu.memory_space<vmem>>, vector<1x128xf32>
      %add3A_161 = vector.broadcast %get3A_160 : vector<1x128xf32> to vector<400x128xf32>
      %add3A_162 = arith.addf %max3A_57, %add3A_161 : vector<400x128xf32>
      %max3A_163 = arith.constant 0.000000e+00 : f32
      %max3A_164 = vector.broadcast %max3A_163 : f32 to vector<400x128xf32>
      %max3A_165 = arith.maximumf %add3A_162, %max3A_164 : vector<400x128xf32>
      %swap3A_166 = arith.constant 0 : index
      %swap3A_167 = arith.constant 7 : index
      %swap3A_168 = arith.constant 0 : index
      %swap3A_169 = vector.load %arg15[%swap3A_166, %swap3A_167, %swap3A_168] : memref<400x18x128xf32, #tpu.memory_space<vmem>>, vector<400x1x128xf32>
      %swap3A_170 = vector.shape_cast %swap3A_169 : vector<400x1x128xf32> to vector<400x128xf32>
      %swap3A_171 = vector.shape_cast %max3A_165 : vector<400x128xf32> to vector<400x1x128xf32>
      tpu.vector_store %arg15[%swap3A_166, %swap3A_167, %swap3A_168], %swap3A_171 {strides = array<i32>} : memref<400x18x128xf32, #tpu.memory_space<vmem>>, vector<400x1x128xf32>,
      %get3A_172 = arith.constant 8 : index
      %get3A_173 = arith.constant 0 : index
      %get3A_174 = vector.load %arg13[%get3A_172, %get3A_173] : memref<18x128xf32, #tpu.memory_space<vmem>>, vector<1x128xf32>
      %add3A_175 = vector.broadcast %get3A_174 : vector<1x128xf32> to vector<400x128xf32>
      %add3A_176 = arith.addf %max3A_57, %add3A_175 : vector<400x128xf32>
      %max3A_177 = arith.constant 0.000000e+00 : f32
      %max3A_178 = vector.broadcast %max3A_177 : f32 to vector<400x128xf32>
      %max3A_179 = arith.maximumf %add3A_176, %max3A_178 : vector<400x128xf32>
      %swap3A_180 = arith.constant 0 : index
      %swap3A_181 = arith.constant 8 : index
      %swap3A_182 = arith.constant 0 : index
      %swap3A_183 = vector.load %arg15[%swap3A_180, %swap3A_181, %swap3A_182] : memref<400x18x128xf32, #tpu.memory_space<vmem>>, vector<400x1x128xf32>
      %swap3A_184 = vector.shape_cast %swap3A_183 : vector<400x1x128xf32> to vector<400x128xf32>
      %swap3A_185 = vector.shape_cast %max3A_179 : vector<400x128xf32> to vector<400x1x128xf32>
      tpu.vector_store %arg15[%swap3A_180, %swap3A_181, %swap3A_182], %swap3A_185 {strides = array<i32>} : memref<400x18x128xf32, #tpu.memory_space<vmem>>, vector<400x1x128xf32>,
      %get3A_186 = arith.constant 9 : index
      %get3A_187 = arith.constant 0 : index
      %get3A_188 = vector.load %arg13[%get3A_186, %get3A_187] : memref<18x128xf32, #tpu.memory_space<vmem>>, vector<1x128xf32>
      %add3A_189 = vector.broadcast %get3A_188 : vector<1x128xf32> to vector<400x128xf32>
      %add3A_190 = arith.addf %max3A_57, %add3A_189 : vector<400x128xf32>
      %max3A_191 = arith.constant 0.000000e+00 : f32
      %max3A_192 = vector.broadcast %max3A_191 : f32 to vector<400x128xf32>
      %max3A_193 = arith.maximumf %add3A_190, %max3A_192 : vector<400x128xf32>
      %swap3A_194 = arith.constant 0 : index
      %swap3A_195 = arith.constant 9 : index
      %swap3A_196 = arith.constant 0 : index
      %swap3A_197 = vector.load %arg15[%swap3A_194, %swap3A_195, %swap3A_196] : memref<400x18x128xf32, #tpu.memory_space<vmem>>, vector<400x1x128xf32>
      %swap3A_198 = vector.shape_cast %swap3A_197 : vector<400x1x128xf32> to vector<400x128xf32>
      %swap3A_199 = vector.shape_cast %max3A_193 : vector<400x128xf32> to vector<400x1x128xf32>
      tpu.vector_store %arg15[%swap3A_194, %swap3A_195, %swap3A_196], %swap3A_199 {strides = array<i32>} : memref<400x18x128xf32, #tpu.memory_space<vmem>>, vector<400x1x128xf32>,
      %get3A_200 = arith.constant 10 : index
      %get3A_201 = arith.constant 0 : index
      %get3A_202 = vector.load %arg13[%get3A_200, %get3A_201] : memref<18x128xf32, #tpu.memory_space<vmem>>, vector<1x128xf32>
      %add3A_203 = vector.broadcast %get3A_202 : vector<1x128xf32> to vector<400x128xf32>
      %add3A_204 = arith.addf %max3A_57, %add3A_203 : vector<400x128xf32>
      %max3A_205 = arith.constant 0.000000e+00 : f32
      %max3A_206 = vector.broadcast %max3A_205 : f32 to vector<400x128xf32>
      %max3A_207 = arith.maximumf %add3A_204, %max3A_206 : vector<400x128xf32>
      %swap3A_208 = arith.constant 0 : index
      %swap3A_209 = arith.constant 10 : index
      %swap3A_210 = arith.constant 0 : index
      %swap3A_211 = vector.load %arg15[%swap3A_208, %swap3A_209, %swap3A_210] : memref<400x18x128xf32, #tpu.memory_space<vmem>>, vector<400x1x128xf32>
      %swap3A_212 = vector.shape_cast %swap3A_211 : vector<400x1x128xf32> to vector<400x128xf32>
      %swap3A_213 = vector.shape_cast %max3A_207 : vector<400x128xf32> to vector<400x1x128xf32>
      tpu.vector_store %arg15[%swap3A_208, %swap3A_209, %swap3A_210], %swap3A_213 {strides = array<i32>} : memref<400x18x128xf32, #tpu.memory_space<vmem>>, vector<400x1x128xf32>,
      %get3A_214 = arith.constant 11 : index
      %get3A_215 = arith.constant 0 : index
      %get3A_216 = vector.load %arg13[%get3A_214, %get3A_215] : memref<18x128xf32, #tpu.memory_space<vmem>>, vector<1x128xf32>
      %add3A_217 = vector.broadcast %get3A_216 : vector<1x128xf32> to vector<400x128xf32>
      %add3A_218 = arith.addf %max3A_57, %add3A_217 : vector<400x128xf32>
      %max3A_219 = arith.constant 0.000000e+00 : f32
      %max3A_220 = vector.broadcast %max3A_219 : f32 to vector<400x128xf32>
      %max3A_221 = arith.maximumf %add3A_218, %max3A_220 : vector<400x128xf32>
      %swap3A_222 = arith.constant 0 : index
      %swap3A_223 = arith.constant 11 : index
      %swap3A_224 = arith.constant 0 : index
      %swap3A_225 = vector.load %arg15[%swap3A_222, %swap3A_223, %swap3A_224] : memref<400x18x128xf32, #tpu.memory_space<vmem>>, vector<400x1x128xf32>
      %swap3A_226 = vector.shape_cast %swap3A_225 : vector<400x1x128xf32> to vector<400x128xf32>
      %swap3A_227 = vector.shape_cast %max3A_221 : vector<400x128xf32> to vector<400x1x128xf32>
      tpu.vector_store %arg15[%swap3A_222, %swap3A_223, %swap3A_224], %swap3A_227 {strides = array<i32>} : memref<400x18x128xf32, #tpu.memory_space<vmem>>, vector<400x1x128xf32>,
      %get3A_228 = arith.constant 12 : index
      %get3A_229 = arith.constant 0 : index
      %get3A_230 = vector.load %arg13[%get3A_228, %get3A_229] : memref<18x128xf32, #tpu.memory_space<vmem>>, vector<1x128xf32>
      %add3A_231 = vector.broadcast %get3A_230 : vector<1x128xf32> to vector<400x128xf32>
      %add3A_232 = arith.addf %max3A_57, %add3A_231 : vector<400x128xf32>
      %max3A_233 = arith.constant 0.000000e+00 : f32
      %max3A_234 = vector.broadcast %max3A_233 : f32 to vector<400x128xf32>
      %max3A_235 = arith.maximumf %add3A_232, %max3A_234 : vector<400x128xf32>
      %swap3A_236 = arith.constant 0 : index
      %swap3A_237 = arith.constant 12 : index
      %swap3A_238 = arith.constant 0 : index
      %swap3A_239 = vector.load %arg15[%swap3A_236, %swap3A_237, %swap3A_238] : memref<400x18x128xf32, #tpu.memory_space<vmem>>, vector<400x1x128xf32>
      %swap3A_240 = vector.shape_cast %swap3A_239 : vector<400x1x128xf32> to vector<400x128xf32>
      %swap3A_241 = vector.shape_cast %max3A_235 : vector<400x128xf32> to vector<400x1x128xf32>
      tpu.vector_store %arg15[%swap3A_236, %swap3A_237, %swap3A_238], %swap3A_241 {strides = array<i32>} : memref<400x18x128xf32, #tpu.memory_space<vmem>>, vector<400x1x128xf32>,
      %get3A_242 = arith.constant 13 : index
      %get3A_243 = arith.constant 0 : index
      %get3A_244 = vector.load %arg13[%get3A_242, %get3A_243] : memref<18x128xf32, #tpu.memory_space<vmem>>, vector<1x128xf32>
      %add3A_245 = vector.broadcast %get3A_244 : vector<1x128xf32> to vector<400x128xf32>
      %add3A_246 = arith.addf %max3A_57, %add3A_245 : vector<400x128xf32>
      %max3A_247 = arith.constant 0.000000e+00 : f32
      %max3A_248 = vector.broadcast %max3A_247 : f32 to vector<400x128xf32>
      %max3A_249 = arith.maximumf %add3A_246, %max3A_248 : vector<400x128xf32>
      %swap3A_250 = arith.constant 0 : index
      %swap3A_251 = arith.constant 13 : index
      %swap3A_252 = arith.constant 0 : index
      %swap3A_253 = vector.load %arg15[%swap3A_250, %swap3A_251, %swap3A_252] : memref<400x18x128xf32, #tpu.memory_space<vmem>>, vector<400x1x128xf32>
      %swap3A_254 = vector.shape_cast %swap3A_253 : vector<400x1x128xf32> to vector<400x128xf32>
      %swap3A_255 = vector.shape_cast %max3A_249 : vector<400x128xf32> to vector<400x1x128xf32>
      tpu.vector_store %arg15[%swap3A_250, %swap3A_251, %swap3A_252], %swap3A_255 {strides = array<i32>} : memref<400x18x128xf32, #tpu.memory_space<vmem>>, vector<400x1x128xf32>,
      %get3A_256 = arith.constant 14 : index
      %get3A_257 = arith.constant 0 : index
      %get3A_258 = vector.load %arg13[%get3A_256, %get3A_257] : memref<18x128xf32, #tpu.memory_space<vmem>>, vector<1x128xf32>
      %add3A_259 = vector.broadcast %get3A_258 : vector<1x128xf32> to vector<400x128xf32>
      %add3A_260 = arith.addf %max3A_57, %add3A_259 : vector<400x128xf32>
      %max3A_261 = arith.constant 0.000000e+00 : f32
      %max3A_262 = vector.broadcast %max3A_261 : f32 to vector<400x128xf32>
      %max3A_263 = arith.maximumf %add3A_260, %max3A_262 : vector<400x128xf32>
      %swap3A_264 = arith.constant 0 : index
      %swap3A_265 = arith.constant 14 : index
      %swap3A_266 = arith.constant 0 : index
      %swap3A_267 = vector.load %arg15[%swap3A_264, %swap3A_265, %swap3A_266] : memref<400x18x128xf32, #tpu.memory_space<vmem>>, vector<400x1x128xf32>
      %swap3A_268 = vector.shape_cast %swap3A_267 : vector<400x1x128xf32> to vector<400x128xf32>
      %swap3A_269 = vector.shape_cast %max3A_263 : vector<400x128xf32> to vector<400x1x128xf32>
      tpu.vector_store %arg15[%swap3A_264, %swap3A_265, %swap3A_266], %swap3A_269 {strides = array<i32>} : memref<400x18x128xf32, #tpu.memory_space<vmem>>, vector<400x1x128xf32>,
      %get3A_270 = arith.constant 15 : index
      %get3A_271 = arith.constant 0 : index
      %get3A_272 = vector.load %arg13[%get3A_270, %get3A_271] : memref<18x128xf32, #tpu.memory_space<vmem>>, vector<1x128xf32>
      %add3A_273 = vector.broadcast %get3A_272 : vector<1x128xf32> to vector<400x128xf32>
      %add3A_274 = arith.addf %max3A_57, %add3A_273 : vector<400x128xf32>
      %max3A_275 = arith.constant 0.000000e+00 : f32
      %max3A_276 = vector.broadcast %max3A_275 : f32 to vector<400x128xf32>
      %max3A_277 = arith.maximumf %add3A_274, %max3A_276 : vector<400x128xf32>
      %swap3A_278 = arith.constant 0 : index
      %swap3A_279 = arith.constant 15 : index
      %swap3A_280 = arith.constant 0 : index
      %swap3A_281 = vector.load %arg15[%swap3A_278, %swap3A_279, %swap3A_280] : memref<400x18x128xf32, #tpu.memory_space<vmem>>, vector<400x1x128xf32>
      %swap3A_282 = vector.shape_cast %swap3A_281 : vector<400x1x128xf32> to vector<400x128xf32>
      %swap3A_283 = vector.shape_cast %max3A_277 : vector<400x128xf32> to vector<400x1x128xf32>
      tpu.vector_store %arg15[%swap3A_278, %swap3A_279, %swap3A_280], %swap3A_283 {strides = array<i32>} : memref<400x18x128xf32, #tpu.memory_space<vmem>>, vector<400x1x128xf32>,
      %get3A_284 = arith.constant 16 : index
      %get3A_285 = arith.constant 0 : index
      %get3A_286 = vector.load %arg13[%get3A_284, %get3A_285] : memref<18x128xf32, #tpu.memory_space<vmem>>, vector<1x128xf32>
      %add3A_287 = vector.broadcast %get3A_286 : vector<1x128xf32> to vector<400x128xf32>
      %add3A_288 = arith.addf %max3A_57, %add3A_287 : vector<400x128xf32>
      %max3A_289 = arith.constant 0.000000e+00 : f32
      %max3A_290 = vector.broadcast %max3A_289 : f32 to vector<400x128xf32>
      %max3A_291 = arith.maximumf %add3A_288, %max3A_290 : vector<400x128xf32>
      %swap3A_292 = arith.constant 0 : index
      %swap3A_293 = arith.constant 16 : index
      %swap3A_294 = arith.constant 0 : index
      %swap3A_295 = vector.load %arg15[%swap3A_292, %swap3A_293, %swap3A_294] : memref<400x18x128xf32, #tpu.memory_space<vmem>>, vector<400x1x128xf32>
      %swap3A_296 = vector.shape_cast %swap3A_295 : vector<400x1x128xf32> to vector<400x128xf32>
      %swap3A_297 = vector.shape_cast %max3A_291 : vector<400x128xf32> to vector<400x1x128xf32>
      tpu.vector_store %arg15[%swap3A_292, %swap3A_293, %swap3A_294], %swap3A_297 {strides = array<i32>} : memref<400x18x128xf32, #tpu.memory_space<vmem>>, vector<400x1x128xf32>,
      %get3A_298 = arith.constant 17 : index
      %get3A_299 = arith.constant 0 : index
      %get3A_300 = vector.load %arg13[%get3A_298, %get3A_299] : memref<18x128xf32, #tpu.memory_space<vmem>>, vector<1x128xf32>
      %add3A_301 = vector.broadcast %get3A_300 : vector<1x128xf32> to vector<400x128xf32>
      %add3A_302 = arith.addf %max3A_57, %add3A_301 : vector<400x128xf32>
      %max3A_303 = arith.constant 0.000000e+00 : f32
      %max3A_304 = vector.broadcast %max3A_303 : f32 to vector<400x128xf32>
      %max3A_305 = arith.maximumf %add3A_302, %max3A_304 : vector<400x128xf32>
      %swap3A_306 = arith.constant 0 : index
      %swap3A_307 = arith.constant 17 : index
      %swap3A_308 = arith.constant 0 : index
      %swap3A_309 = vector.load %arg15[%swap3A_306, %swap3A_307, %swap3A_308] : memref<400x18x128xf32, #tpu.memory_space<vmem>>, vector<400x1x128xf32>
      %swap3A_310 = vector.shape_cast %swap3A_309 : vector<400x1x128xf32> to vector<400x128xf32>
      %swap3A_311 = vector.shape_cast %max3A_305 : vector<400x128xf32> to vector<400x1x128xf32>
      tpu.vector_store %arg15[%swap3A_306, %swap3A_307, %swap3A_308], %swap3A_311 {strides = array<i32>} : memref<400x18x128xf32, #tpu.memory_space<vmem>>, vector<400x1x128xf32>,
    } else {
    }
    return
  }
  func.func @transform_0(%arg0: i32, %arg1: i32) -> (i32, i32) {
    %sub3A = arith.constant 1 : i32
    %sub3A_0 = arith.subi %sub3A, %arg0 : i32
    %mul3A = arith.muli %sub3A_0, %arg1 : i32
    %c0_i32 = arith.constant 0 : i32
    %c0_i32_1 = arith.constant 0 : i32
    return %mul3A, %c0_i32 : i32, i32
  }
  func.func @transform_1(%arg0: i32, %arg1: i32) -> (i32, i32) {
    %sub3A = arith.constant 1 : i32
    %sub3A_0 = arith.subi %sub3A, %arg0 : i32
    %mul3A = arith.muli %sub3A_0, %arg1 : i32
    %c0_i32 = arith.constant 0 : i32
    %c0_i32_1 = arith.constant 0 : i32
    return %mul3A, %c0_i32 : i32, i32
  }
  func.func @transform_2(%arg0: i32, %arg1: i32) -> (i32, i32) {
    %sub3A = arith.constant 1 : i32
    %sub3A_0 = arith.subi %sub3A, %arg0 : i32
    %mul3A = arith.muli %sub3A_0, %arg1 : i32
    %c0_i32 = arith.constant 0 : i32
    %c0_i32_1 = arith.constant 0 : i32
    return %mul3A, %c0_i32 : i32, i32
  }
  func.func @transform_3(%arg0: i32, %arg1: i32) -> (i32, i32) {
    %sub3A = arith.constant 1 : i32
    %sub3A_0 = arith.subi %sub3A, %arg0 : i32
    %mul3A = arith.muli %sub3A_0, %arg1 : i32
    %c0_i32 = arith.constant 0 : i32
    %c0_i32_1 = arith.constant 0 : i32
    return %mul3A, %c0_i32 : i32, i32
  }
  func.func @transform_4(%arg0: i32, %arg1: i32) -> (i32, i32) {
    %c0_i32 = arith.constant 0 : i32
    %c0_i32_0 = arith.constant 0 : i32
    %c0_i32_1 = arith.constant 0 : i32
    return %c0_i32, %c0_i32_0 : i32, i32
  }
  func.func @transform_5(%arg0: i32, %arg1: i32) -> (i32, i32) {
    %c0_i32 = arith.constant 0 : i32
    %c0_i32_0 = arith.constant 0 : i32
    %c0_i32_1 = arith.constant 0 : i32
    return %c0_i32, %c0_i32_0 : i32, i32
  }
  func.func @transform_6(%arg0: i32, %arg1: i32) -> (i32, i32) {
    %c0_i32 = arith.constant 0 : i32
    %c0_i32_0 = arith.constant 0 : i32
    %c0_i32_1 = arith.constant 0 : i32
    return %c0_i32, %c0_i32_0 : i32, i32
  }
  func.func @transform_7(%arg0: i32, %arg1: i32) -> (i32, i32) {
    %c0_i32 = arith.constant 0 : i32
    %c0_i32_0 = arith.constant 0 : i32
    %c0_i32_1 = arith.constant 0 : i32
    return %c0_i32, %c0_i32_0 : i32, i32
  }
  func.func @transform_8(%arg0: i32, %arg1: i32) -> (i32, i32) {
    %c0_i32 = arith.constant 0 : i32
    %c0_i32_0 = arith.constant 0 : i32
    %c0_i32_1 = arith.constant 0 : i32
    return %c0_i32, %c0_i32_0 : i32, i32
  }
  func.func @transform_9(%arg0: i32, %arg1: i32) -> (i32, i32) {
    %c0_i32 = arith.constant 0 : i32
    %c0_i32_0 = arith.constant 0 : i32
    %c0_i32_1 = arith.constant 0 : i32
    return %c0_i32, %c0_i32_0 : i32, i32
  }
  func.func @transform_10(%arg0: i32, %arg1: i32) -> (i32, i32) {
    %c0_i32 = arith.constant 0 : i32
    %c0_i32_0 = arith.constant 0 : i32
    %c0_i32_1 = arith.constant 0 : i32
    return %c0_i32, %c0_i32_0 : i32, i32
  }
  func.func @transform_11(%arg0: i32, %arg1: i32) -> (i32, i32) {
    %c0_i32 = arith.constant 0 : i32
    %c0_i32_0 = arith.constant 0 : i32
    %c0_i32_1 = arith.constant 0 : i32
    return %c0_i32, %c0_i32_0 : i32, i32
  }
  func.func @transform_12(%arg0: i32, %arg1: i32) -> (i32, i32) {
    %mul3A = arith.muli %arg0, %arg1 : i32
    %c0_i32 = arith.constant 0 : i32
    %c0_i32_0 = arith.constant 0 : i32
    return %mul3A, %c0_i32 : i32, i32
  }
  func.func @transform_13(%arg0: i32, %arg1: i32) -> (i32, i32, i32) {
    %mul3A = arith.muli %arg0, %arg1 : i32
    %c0_i32 = arith.constant 0 : i32
    %c0_i32_0 = arith.constant 0 : i32
    %c0_i32_1 = arith.constant 0 : i32
    return %mul3A, %c0_i32, %c0_i32_0 : i32, i32, i32
  }
}

module attributes {stable_mosaic.version = 14 : i64} {
  func.func @body(%arg0: i32, %arg1: i32, %arg2: memref<400x128xf32, #tpu.memory_space<vmem>>, %arg3: memref<400x128xf32, #tpu.memory_space<vmem>>, %arg4: memref<400x128xf32, #tpu.memory_space<vmem>>, %arg5: memref<400x128xf32, #tpu.memory_space<vmem>>, %arg6: memref<128x256xf32, #tpu.memory_space<vmem>>, %arg7: memref<1x256xf32, #tpu.memory_space<vmem>>, %arg8: memref<256x128xf32, #tpu.memory_space<vmem>>, %arg9: memref<1x128xf32, #tpu.memory_space<vmem>>, %arg10: memref<1x128xf32, #tpu.memory_space<vmem>>, %arg11: memref<1x128xf32, #tpu.memory_space<vmem>>, %arg12: memref<1x128xf32, #tpu.memory_space<vmem>>, %arg13: memref<400x128xf32, #tpu.memory_space<vmem>>, %arg14: memref<10000x128xf32, #tpu.memory_space<vmem>>, %arg15: memref<1x128xf32, #tpu.memory_space<vmem>>, %arg16: memref<1x128xf32, #tpu.memory_space<vmem>>) attributes {dimension_semantics = [#tpu.dimension_semantics<arbitrary>, #tpu.dimension_semantics<arbitrary>], iteration_bounds = array<i64: 2, 25>, scalar_prefetch = 0 : i64, scratch_operands = 3 : i64, tpu.core_type = #tpu.core_type<tc>, window_params = [{transform_indices = @transform_0, window_bounds = array<i64: 400, 128>}, {transform_indices = @transform_1, window_bounds = array<i64: 400, 128>}, {transform_indices = @transform_2, window_bounds = array<i64: 400, 128>}, {transform_indices = @transform_3, window_bounds = array<i64: 400, 128>}, {pipeline_mode = #tpu.pipeline_mode<synchronous>, transform_indices = @transform_4, window_bounds = array<i64: 128, 256>}, {pipeline_mode = #tpu.pipeline_mode<synchronous>, transform_indices = @transform_5, window_bounds = array<i64: 1, 256>}, {pipeline_mode = #tpu.pipeline_mode<synchronous>, transform_indices = @transform_6, window_bounds = array<i64: 256, 128>}, {pipeline_mode = #tpu.pipeline_mode<synchronous>, transform_indices = @transform_7, window_bounds = array<i64: 1, 128>}, {pipeline_mode = #tpu.pipeline_mode<synchronous>, transform_indices = @transform_8, window_bounds = array<i64: 1, 128>}, {pipeline_mode = #tpu.pipeline_mode<synchronous>, transform_indices = @transform_9, window_bounds = array<i64: 1, 128>}, {pipeline_mode = #tpu.pipeline_mode<synchronous>, transform_indices = @transform_10, window_bounds = array<i64: 1, 128>}, {transform_indices = @transform_11, window_bounds = array<i64: 400, 128>}]} {
    %eq3A = arith.constant 0 : i32
    %eq3A_0 = arith.cmpi eq, %arg0, %eq3A : i32
    %convert_element_type3A = arith.extui %eq3A_0 : i1 to i32
    %cond3A = arith.constant 0 : i32
    %cond3A_1 = arith.cmpi ne, %convert_element_type3A, %cond3A : i32
    scf.if %cond3A_1 {
      %eq3A_7 = arith.constant 0 : i32
      %eq3A_8 = arith.cmpi eq, %arg1, %eq3A_7 : i32
      %convert_element_type3A_9 = arith.extui %eq3A_8 : i1 to i32
      %cond3A_10 = arith.constant 0 : i32
      %cond3A_11 = arith.cmpi ne, %convert_element_type3A_9, %cond3A_10 : i32
      scf.if %cond3A_11 {
        %broadcast_in_dim3A_77 = arith.constant 0.000000e+00 : f32
        %broadcast_in_dim3A_78 = vector.broadcast %broadcast_in_dim3A_77 : f32 to vector<1x128xf32>
        %swap3A_79 = arith.constant 0 : index
        %swap3A_80 = arith.constant 0 : index
        %swap3A_81 = vector.load %arg15[%swap3A_79, %swap3A_80] : memref<1x128xf32, #tpu.memory_space<vmem>>, vector<1x128xf32>
        tpu.vector_store %arg15[%swap3A_79, %swap3A_80], %broadcast_in_dim3A_78 {strides = array<i32>} : memref<1x128xf32, #tpu.memory_space<vmem>>, vector<1x128xf32>,
        %broadcast_in_dim3A_82 = arith.constant 0.000000e+00 : f32
        %broadcast_in_dim3A_83 = vector.broadcast %broadcast_in_dim3A_82 : f32 to vector<1x128xf32>
        %swap3A_84 = arith.constant 0 : index
        %swap3A_85 = arith.constant 0 : index
        %swap3A_86 = vector.load %arg16[%swap3A_84, %swap3A_85] : memref<1x128xf32, #tpu.memory_space<vmem>>, vector<1x128xf32>
        tpu.vector_store %arg16[%swap3A_84, %swap3A_85], %broadcast_in_dim3A_83 {strides = array<i32>} : memref<1x128xf32, #tpu.memory_space<vmem>>, vector<1x128xf32>,
      } else {
      }
      %get3A = arith.constant 0 : index
      %get3A_12 = arith.constant 0 : index
      %get3A_13 = vector.load %arg12[%get3A, %get3A_12] : memref<1x128xf32, #tpu.memory_space<vmem>>, vector<1x128xf32>
      %get3A_14 = arith.constant 0 : index
      %get3A_15 = arith.constant 0 : index
      %get3A_16 = vector.load %arg2[%get3A_14, %get3A_15] : memref<400x128xf32, #tpu.memory_space<vmem>>, vector<400x128xf32>
      %mul3A = vector.broadcast %get3A_13 : vector<1x128xf32> to vector<400x128xf32>
      %mul3A_17 = arith.mulf %mul3A, %get3A_16 : vector<400x128xf32>
      %get3A_18 = arith.constant 0 : index
      %get3A_19 = arith.constant 0 : index
      %get3A_20 = vector.load %arg3[%get3A_18, %get3A_19] : memref<400x128xf32, #tpu.memory_space<vmem>>, vector<400x128xf32>
      %get3A_21 = arith.constant 0 : index
      %get3A_22 = arith.constant 0 : index
      %get3A_23 = vector.load %arg4[%get3A_21, %get3A_22] : memref<400x128xf32, #tpu.memory_space<vmem>>, vector<400x128xf32>
      %add3A = arith.addf %get3A_20, %get3A_23 : vector<400x128xf32>
      %get3A_24 = arith.constant 0 : index
      %get3A_25 = arith.constant 0 : index
      %get3A_26 = vector.load %arg5[%get3A_24, %get3A_25] : memref<400x128xf32, #tpu.memory_space<vmem>>, vector<400x128xf32>
      %add3A_27 = arith.addf %add3A, %get3A_26 : vector<400x128xf32>
      %add3A_28 = arith.addf %mul3A_17, %add3A_27 : vector<400x128xf32>
      %convert_element_type3A_29 = arith.truncf %add3A_28 : vector<400x128xf32> to vector<400x128xbf16>
      %get3A_30 = arith.constant 0 : index
      %get3A_31 = arith.constant 0 : index
      %get3A_32 = vector.load %arg6[%get3A_30, %get3A_31] : memref<128x256xf32, #tpu.memory_space<vmem>>, vector<128x256xf32>
      %convert_element_type3A_33 = arith.truncf %get3A_32 : vector<128x256xf32> to vector<128x256xbf16>
      %dot_general3A = arith.constant dense<0.000000e+00> : vector<400x256xf32>
      %dot_general3A_34 = tpu.matmul %convert_element_type3A_29, %convert_element_type3A_33, %dot_general3A {dimension_numbers = #tpu.dot_dimension_numbers<[1], [0], [0], [1], [0, 0, 1, 1], [], []>, transpose_lhs_hint = false} : vector<400x128xbf16>, vector<128x256xbf16>, vector<400x256xf32> -> vector<400x256xf32>
      %get3A_35 = arith.constant 0 : index
      %get3A_36 = arith.constant 0 : index
      %get3A_37 = vector.load %arg7[%get3A_35, %get3A_36] : memref<1x256xf32, #tpu.memory_space<vmem>>, vector<1x256xf32>
      %add3A_38 = vector.broadcast %get3A_37 : vector<1x256xf32> to vector<400x256xf32>
      %add3A_39 = arith.addf %dot_general3A_34, %add3A_38 : vector<400x256xf32>
      %max3A = arith.constant 0.000000e+00 : f32
      %max3A_40 = vector.broadcast %max3A : f32 to vector<400x256xf32>
      %max3A_41 = arith.maximumf %add3A_39, %max3A_40 : vector<400x256xf32>
      %convert_element_type3A_42 = arith.truncf %max3A_41 : vector<400x256xf32> to vector<400x256xbf16>
      %get3A_43 = arith.constant 0 : index
      %get3A_44 = arith.constant 0 : index
      %get3A_45 = vector.load %arg8[%get3A_43, %get3A_44] : memref<256x128xf32, #tpu.memory_space<vmem>>, vector<256x128xf32>
      %convert_element_type3A_46 = arith.truncf %get3A_45 : vector<256x128xf32> to vector<256x128xbf16>
      %dot_general3A_47 = arith.constant dense<0.000000e+00> : vector<400x128xf32>
      %dot_general3A_48 = tpu.matmul %convert_element_type3A_42, %convert_element_type3A_46, %dot_general3A_47 {dimension_numbers = #tpu.dot_dimension_numbers<[1], [0], [0], [1], [0, 0, 1, 1], [], []>, transpose_lhs_hint = false} : vector<400x256xbf16>, vector<256x128xbf16>, vector<400x128xf32> -> vector<400x128xf32>
      %get3A_49 = arith.constant 0 : index
      %get3A_50 = arith.constant 0 : index
      %get3A_51 = vector.load %arg9[%get3A_49, %get3A_50] : memref<1x128xf32, #tpu.memory_space<vmem>>, vector<1x128xf32>
      %add3A_52 = vector.broadcast %get3A_51 : vector<1x128xf32> to vector<400x128xf32>
      %add3A_53 = arith.addf %dot_general3A_48, %add3A_52 : vector<400x128xf32>
      %mul3A_54 = arith.constant 400 : i32
      %mul3A_55 = arith.muli %arg1, %mul3A_54 : i32
      %swap3A = arith.index_cast %mul3A_55 : i32 to index
      %swap3A_56 = arith.constant 0 : index
      %swap3A_57 = vector.load %arg14[%swap3A, %swap3A_56] : memref<10000x128xf32, #tpu.memory_space<vmem>>, vector<400x128xf32>
      tpu.vector_store %arg14[%swap3A, %swap3A_56], %add3A_53 {strides = array<i32>} : memref<10000x128xf32, #tpu.memory_space<vmem>>, vector<400x128xf32>,
      %get3A_58 = arith.constant 0 : index
      %get3A_59 = arith.constant 0 : index
      %get3A_60 = vector.load %arg15[%get3A_58, %get3A_59] : memref<1x128xf32, #tpu.memory_space<vmem>>, vector<1x128xf32>
      %reduce_sum3A = arith.constant dense<0.000000e+00> : vector<128xf32>
      %reduce_sum3A_61 = vector.multi_reduction <add>, %add3A_53, %reduce_sum3A [0] : vector<400x128xf32> to vector<128xf32>
      %broadcast_in_dim3A = vector.shape_cast %reduce_sum3A_61 : vector<128xf32> to vector<1x128xf32>
      %add3A_62 = arith.addf %get3A_60, %broadcast_in_dim3A : vector<1x128xf32>
      %swap3A_63 = arith.constant 0 : index
      %swap3A_64 = arith.constant 0 : index
      %swap3A_65 = vector.load %arg15[%swap3A_63, %swap3A_64] : memref<1x128xf32, #tpu.memory_space<vmem>>, vector<1x128xf32>
      tpu.vector_store %arg15[%swap3A_63, %swap3A_64], %add3A_62 {strides = array<i32>} : memref<1x128xf32, #tpu.memory_space<vmem>>, vector<1x128xf32>,
      %get3A_66 = arith.constant 0 : index
      %get3A_67 = arith.constant 0 : index
      %get3A_68 = vector.load %arg16[%get3A_66, %get3A_67] : memref<1x128xf32, #tpu.memory_space<vmem>>, vector<1x128xf32>
      %mul3A_69 = arith.mulf %add3A_53, %add3A_53 : vector<400x128xf32>
      %reduce_sum3A_70 = arith.constant dense<0.000000e+00> : vector<128xf32>
      %reduce_sum3A_71 = vector.multi_reduction <add>, %mul3A_69, %reduce_sum3A_70 [0] : vector<400x128xf32> to vector<128xf32>
      %broadcast_in_dim3A_72 = vector.shape_cast %reduce_sum3A_71 : vector<128xf32> to vector<1x128xf32>
      %add3A_73 = arith.addf %get3A_68, %broadcast_in_dim3A_72 : vector<1x128xf32>
      %swap3A_74 = arith.constant 0 : index
      %swap3A_75 = arith.constant 0 : index
      %swap3A_76 = vector.load %arg16[%swap3A_74, %swap3A_75] : memref<1x128xf32, #tpu.memory_space<vmem>>, vector<1x128xf32>
      tpu.vector_store %arg16[%swap3A_74, %swap3A_75], %add3A_73 {strides = array<i32>} : memref<1x128xf32, #tpu.memory_space<vmem>>, vector<1x128xf32>,
    } else {
    }
    %eq3A_2 = arith.constant 1 : i32
    %eq3A_3 = arith.cmpi eq, %arg0, %eq3A_2 : i32
    %convert_element_type3A_4 = arith.extui %eq3A_3 : i1 to i32
    %cond3A_5 = arith.constant 0 : i32
    %cond3A_6 = arith.cmpi ne, %convert_element_type3A_4, %cond3A_5 : i32
    scf.if %cond3A_6 {
      %get3A = arith.constant 0 : index
      %get3A_7 = arith.constant 0 : index
      %get3A_8 = vector.load %arg15[%get3A, %get3A_7] : memref<1x128xf32, #tpu.memory_space<vmem>>, vector<1x128xf32>
      %mul3A = arith.constant 9.99999974E-5 : f32
      %mul3A_9 = vector.broadcast %mul3A : f32 to vector<1x128xf32>
      %mul3A_10 = arith.mulf %get3A_8, %mul3A_9 : vector<1x128xf32>
      %get3A_11 = arith.constant 0 : index
      %get3A_12 = arith.constant 0 : index
      %get3A_13 = vector.load %arg16[%get3A_11, %get3A_12] : memref<1x128xf32, #tpu.memory_space<vmem>>, vector<1x128xf32>
      %mul3A_14 = arith.constant 9.99999974E-5 : f32
      %mul3A_15 = vector.broadcast %mul3A_14 : f32 to vector<1x128xf32>
      %mul3A_16 = arith.mulf %get3A_13, %mul3A_15 : vector<1x128xf32>
      %mul3A_17 = arith.mulf %mul3A_10, %mul3A_10 : vector<1x128xf32>
      %sub3A = arith.subf %mul3A_16, %mul3A_17 : vector<1x128xf32>
      %add3A = arith.constant 9.99999974E-6 : f32
      %add3A_18 = vector.broadcast %add3A : f32 to vector<1x128xf32>
      %add3A_19 = arith.addf %sub3A, %add3A_18 : vector<1x128xf32>
      %rsqrt3A = math.rsqrt %add3A_19 : vector<1x128xf32>
      %mul3A_20 = arith.constant 5.000000e-01 : f32
      %mul3A_21 = vector.broadcast %mul3A_20 : f32 to vector<1x128xf32>
      %mul3A_22 = arith.mulf %mul3A_21, %add3A_19 : vector<1x128xf32>
      %mul3A_23 = arith.mulf %mul3A_22, %rsqrt3A : vector<1x128xf32>
      %mul3A_24 = arith.mulf %mul3A_23, %rsqrt3A : vector<1x128xf32>
      %sub3A_25 = arith.constant 1.500000e+00 : f32
      %sub3A_26 = vector.broadcast %sub3A_25 : f32 to vector<1x128xf32>
      %sub3A_27 = arith.subf %sub3A_26, %mul3A_24 : vector<1x128xf32>
      %mul3A_28 = arith.mulf %rsqrt3A, %sub3A_27 : vector<1x128xf32>
      %mul3A_29 = arith.constant 5.000000e-01 : f32
      %mul3A_30 = vector.broadcast %mul3A_29 : f32 to vector<1x128xf32>
      %mul3A_31 = arith.mulf %mul3A_30, %add3A_19 : vector<1x128xf32>
      %mul3A_32 = arith.mulf %mul3A_31, %mul3A_28 : vector<1x128xf32>
      %mul3A_33 = arith.mulf %mul3A_32, %mul3A_28 : vector<1x128xf32>
      %sub3A_34 = arith.constant 1.500000e+00 : f32
      %sub3A_35 = vector.broadcast %sub3A_34 : f32 to vector<1x128xf32>
      %sub3A_36 = arith.subf %sub3A_35, %mul3A_33 : vector<1x128xf32>
      %mul3A_37 = arith.mulf %mul3A_28, %sub3A_36 : vector<1x128xf32>
      %get3A_38 = arith.constant 0 : index
      %get3A_39 = arith.constant 0 : index
      %get3A_40 = vector.load %arg10[%get3A_38, %get3A_39] : memref<1x128xf32, #tpu.memory_space<vmem>>, vector<1x128xf32>
      %mul3A_41 = arith.mulf %mul3A_37, %get3A_40 : vector<1x128xf32>
      %get3A_42 = arith.constant 0 : index
      %get3A_43 = arith.constant 0 : index
      %get3A_44 = vector.load %arg11[%get3A_42, %get3A_43] : memref<1x128xf32, #tpu.memory_space<vmem>>, vector<1x128xf32>
      %mul3A_45 = arith.mulf %mul3A_10, %mul3A_41 : vector<1x128xf32>
      %sub3A_46 = arith.subf %get3A_44, %mul3A_45 : vector<1x128xf32>
      %mul3A_47 = arith.constant 400 : i32
      %mul3A_48 = arith.muli %arg1, %mul3A_47 : i32
      %get3A_49 = arith.index_cast %mul3A_48 : i32 to index
      %get3A_50 = arith.constant 0 : index
      %get3A_51 = vector.load %arg14[%get3A_49, %get3A_50] : memref<10000x128xf32, #tpu.memory_space<vmem>>, vector<400x128xf32>
      %mul3A_52 = vector.broadcast %mul3A_41 : vector<1x128xf32> to vector<400x128xf32>
      %mul3A_53 = arith.mulf %get3A_51, %mul3A_52 : vector<400x128xf32>
      %add3A_54 = vector.broadcast %sub3A_46 : vector<1x128xf32> to vector<400x128xf32>
      %add3A_55 = arith.addf %mul3A_53, %add3A_54 : vector<400x128xf32>
      %swap3A = arith.constant 0 : index
      %swap3A_56 = arith.constant 0 : index
      %swap3A_57 = vector.load %arg13[%swap3A, %swap3A_56] : memref<400x128xf32, #tpu.memory_space<vmem>>, vector<400x128xf32>
      tpu.vector_store %arg13[%swap3A, %swap3A_56], %add3A_55 {strides = array<i32>} : memref<400x128xf32, #tpu.memory_space<vmem>>, vector<400x128xf32>,
    } else {
    }
    return
  }
  func.func @transform_0(%arg0: i32, %arg1: i32) -> (i32, i32) {
    %sub3A = arith.constant 1 : i32
    %sub3A_0 = arith.subi %sub3A, %arg0 : i32
    %mul3A = arith.muli %sub3A_0, %arg1 : i32
    %c0_i32 = arith.constant 0 : i32
    %c0_i32_1 = arith.constant 0 : i32
    return %mul3A, %c0_i32 : i32, i32
  }
  func.func @transform_1(%arg0: i32, %arg1: i32) -> (i32, i32) {
    %sub3A = arith.constant 1 : i32
    %sub3A_0 = arith.subi %sub3A, %arg0 : i32
    %mul3A = arith.muli %sub3A_0, %arg1 : i32
    %c0_i32 = arith.constant 0 : i32
    %c0_i32_1 = arith.constant 0 : i32
    return %mul3A, %c0_i32 : i32, i32
  }
  func.func @transform_2(%arg0: i32, %arg1: i32) -> (i32, i32) {
    %sub3A = arith.constant 1 : i32
    %sub3A_0 = arith.subi %sub3A, %arg0 : i32
    %mul3A = arith.muli %sub3A_0, %arg1 : i32
    %c0_i32 = arith.constant 0 : i32
    %c0_i32_1 = arith.constant 0 : i32
    return %mul3A, %c0_i32 : i32, i32
  }
  func.func @transform_3(%arg0: i32, %arg1: i32) -> (i32, i32) {
    %sub3A = arith.constant 1 : i32
    %sub3A_0 = arith.subi %sub3A, %arg0 : i32
    %mul3A = arith.muli %sub3A_0, %arg1 : i32
    %c0_i32 = arith.constant 0 : i32
    %c0_i32_1 = arith.constant 0 : i32
    return %mul3A, %c0_i32 : i32, i32
  }
  func.func @transform_4(%arg0: i32, %arg1: i32) -> (i32, i32) {
    %c0_i32 = arith.constant 0 : i32
    %c0_i32_0 = arith.constant 0 : i32
    %c0_i32_1 = arith.constant 0 : i32
    return %c0_i32, %c0_i32_0 : i32, i32
  }
  func.func @transform_5(%arg0: i32, %arg1: i32) -> (i32, i32) {
    %c0_i32 = arith.constant 0 : i32
    %c0_i32_0 = arith.constant 0 : i32
    %c0_i32_1 = arith.constant 0 : i32
    return %c0_i32, %c0_i32_0 : i32, i32
  }
  func.func @transform_6(%arg0: i32, %arg1: i32) -> (i32, i32) {
    %c0_i32 = arith.constant 0 : i32
    %c0_i32_0 = arith.constant 0 : i32
    %c0_i32_1 = arith.constant 0 : i32
    return %c0_i32, %c0_i32_0 : i32, i32
  }
  func.func @transform_7(%arg0: i32, %arg1: i32) -> (i32, i32) {
    %c0_i32 = arith.constant 0 : i32
    %c0_i32_0 = arith.constant 0 : i32
    %c0_i32_1 = arith.constant 0 : i32
    return %c0_i32, %c0_i32_0 : i32, i32
  }
  func.func @transform_8(%arg0: i32, %arg1: i32) -> (i32, i32) {
    %c0_i32 = arith.constant 0 : i32
    %c0_i32_0 = arith.constant 0 : i32
    %c0_i32_1 = arith.constant 0 : i32
    return %c0_i32, %c0_i32_0 : i32, i32
  }
  func.func @transform_9(%arg0: i32, %arg1: i32) -> (i32, i32) {
    %c0_i32 = arith.constant 0 : i32
    %c0_i32_0 = arith.constant 0 : i32
    %c0_i32_1 = arith.constant 0 : i32
    return %c0_i32, %c0_i32_0 : i32, i32
  }
  func.func @transform_10(%arg0: i32, %arg1: i32) -> (i32, i32) {
    %c0_i32 = arith.constant 0 : i32
    %c0_i32_0 = arith.constant 0 : i32
    %c0_i32_1 = arith.constant 0 : i32
    return %c0_i32, %c0_i32_0 : i32, i32
  }
  func.func @transform_11(%arg0: i32, %arg1: i32) -> (i32, i32) {
    %mul3A = arith.muli %arg0, %arg1 : i32
    %c0_i32 = arith.constant 0 : i32
    %c0_i32_0 = arith.constant 0 : i32
    return %mul3A, %c0_i32 : i32, i32
  }
}

</mosaic_0001>

<sc_bundles>
// kernel: kernel.13.cloned.1.call-start
scs
__scs_entry_jumppad:
0x0: {  	(pc) =	sbr.rel $0x88, $3  }
0x1: {  	(tag) =	ssettag $0x0;
	lr =	simm.s32 $0x1  }
0x2: {  	[smem:$0x3F93] =	sst lr;
	_ =	strace $0xD0000000  }
0x3: {  	_ = 	snop  }
0x4: {  	_ = 	snop  }
0x5: {  	_ = 	snop  }
0x6: {  	_ = 	snop  }
0x7: {  	_ = 	snop  }
__scs_overlays_trampoline_lowered:
0x8: {  	[smem:$0x3FA2] =	sst s0  }
0x9: {  	[smem:$0x3FA3] =	sst s1  }
0xa: {  	[smem:$0x3FA4] =	sst s2  }
0xb: {  	[smem:$0x3FA5] =	sst s3  }
0xc: {  	[smem:$0x3FA6] =	sst s4  }
0xd: {  	[smem:$0x3FA7] =	sst s5  }
0xe: {  	[smem:$0x3FA8] =	sst s6  }
0xf: {  	[smem:$0x3FA9] =	sst s7  }
0x10: {  	[smem:$0x3FAA] =	sst s8  }
0x11: {  	[smem:$0x3FAB] =	sst s9;
	s0 =	simm.s32 @!p0 $0x0  }
0x12: {  	s1 =	sld [smem:$0x3F91];
	s0 =	simm.s32 @p0 $0x1  }
0x13: {  	[smem:$0x3FAC] =	sst s0;
	s0 =	simm.s32 @!p1 $0x0  }
0x14: {  	s2 =	sld [smem:$0x3F90];
	s0 =	simm.s32 @p1 $0x1  }
0x15: {  	[smem:$0x3FAD] =	sst s0;
	s0 =	simm.s32 @!p2 $0x0  }
0x16: {  	s3 =	sld [smem:$0x3FDB];
	s0 =	simm.s32 @p2 $0x1  }
0x17: {  	s4 =	simm.s32 $0x1BF5;
	[smem:$0x3FAF] =	sst s0  }
0x18: {  	s0 =	sld [smem:$0x3F92];
	_ =	swait.ge [sflag:s4], $0x0  }
0x19: {  	s7 =	sld [smem:$0x3F93]  }
0x1a: {  	s8 =	sadd.s32 $0xFFFFE003, lr  }
0x1b: {  	s9 =	sadd.s32 $0xFFFFFEF7, lr;
	s5 =	simm.s32 $0xFFFFFFFF;
	p2 =	slt.u32 s8, $0xFFFFF086  }
0x1c: {  	p1 =	slt.u32 s9, $0xF7A;
	s5 =	simm.s32 @!p2 $0x0  }
0x1d: {  	s5 =	simm.s32 @p1 $0x1;
	p0 =	seq.s32 s7, s2  }
0x1e: {  	s7 =	smul.u32 @!p0 $0xF7A, s2;
	p2 =	seq.s32 @!p0 s5, $0x0  }
0x1f: {  	s9 =	smul.u32 $0xF7A, s1;
	s8 =	simm.s32 @!p0 $0x1BF5;
	p2 =	por !p2, p0  }
0x20: {  	[sflag:s8] =	ssyncset.s32 @!p0 $0xFFFFF086;
	s6 =	sadd.s32 @!p0 s3, s7;
	s7 =	simm.s32 @!p0 $0x108  }
0x21: {  	s3 =	sadd.s32 s3, s9;
	s6 =	sadd.s32 @!p0 $0x88, s6;
	s7 =	simm.s32 @p2 $0x1082  }
0x22: {  	[simem:s7], [sflag:s8] =	dma.local @!p0 [hbm:s6], $0xF7A  }
0x23: {  	s9 =	sor.u32 $0xD0000000, s2;
	s6 =	simm.s32 $0x108;
	_ =	swait.ge @!p0 [sflag:s8], $0x0  }
0x24: {  	s3 =	sadd.s32 $0x88, s3;
	s6 =	simm.s32 @!p1 $0x1082;
	[sflag:s4] =	ssyncset.s32 $0xFFFFF086  }
0x25: {  	[simem:s6], [sflag:s4] =	dma.local [hbm:s3], $0xF7A  }
0x26: {  	[smem:$0x3F93] =	sst s1;
	(tag) =	ssettag s2;
	_ =	strace s9  }
0x27: {  	s1 =	sld [smem:$0x3FA3]  }
0x28: {  	s2 =	sld [smem:$0x3FA4]  }
0x29: {  	s4 =	sld [smem:$0x3FA6]  }
0x2a: {  	p0 =	seq.s32 s5, $0x0;
	s5 =	sld [smem:$0x3FA7]  }
0x2b: {  	s6 =	sld [smem:$0x3FA8]  }
0x2c: {  	s7 =	sld [smem:$0x3FA9]  }
0x2d: {  	s3 =	simm.s32 $0x108;
	s8 =	sld [smem:$0x3FAA]  }
0x2e: {  	s3 =	simm.s32 @!p0 $0x1082;
	s9 =	sld [smem:$0x3FAB]  }
0x2f: {  	lr =	sadd.s32 s0, s3;
	s0 =	sld [smem:$0x3FA2]  }
0x30: {  	s3 =	sld [smem:$0x3FA5]  }
0x31: {  	[smem:$0x3FAE] =	sst s10  }
0x32: {  	s10 =	sld [smem:$0x3FAC];
	_ =	sdelay $0x3  }
0x33: {  	p0 =	seq.s32 s10, $0x1;
	s10 =	sld [smem:$0x3FAE];
	_ =	sdelay $0x3  }
0x34: {  	[smem:$0x3FAE] =	sst s10  }
0x35: {  	s10 =	sld [smem:$0x3FAD];
	_ =	sdelay $0x3  }
0x36: {  	p1 =	seq.s32 s10, $0x1;
	s10 =	sld [smem:$0x3FAE];
	_ =	sdelay $0x3  }
0x37: {  	[smem:$0x3FAE] =	sst s10  }
0x38: {  	s10 =	sld [smem:$0x3FAF]  }
0x39: {  	_ = 	snop;
	(pc) =	sbr.ind lr, $3  }
0x3a: {  	_ = 	snop  }
0x3b: {  	_ = 	snop  }
0x3c: {  	p2 =	seq.s32 s10, $0x1;
	s10 =	sld [smem:$0x3FAE]  }
0x3d: {  	_ =	shalt  }
0x3e: {  	_ =	shalt  }
0x3f: {  	_ =	shalt  }
0x40: {  	_ =	shalt  }
0x41: {  	_ =	shalt  }
0x42: {  	_ =	shalt  }
0x43: {  	_ =	shalt  }
0x44: {  	_ =	shalt  }
0x45: {  	_ =	shalt  }
0x46: {  	_ =	shalt  }
0x47: {  	_ =	shalt  }
0x48: {  	_ =	shalt  }
0x49: {  	_ =	shalt  }
0x4a: {  	_ =	shalt  }
0x4b: {  	_ =	shalt  }
0x4c: {  	_ =	shalt  }
0x4d: {  	_ =	shalt  }
0x4e: {  	_ =	shalt  }
0x4f: {  	_ =	shalt  }
0x50: {  	_ =	shalt  }
0x51: {  	_ =	shalt  }
0x52: {  	_ =	shalt  }
0x53: {  	_ =	shalt  }
0x54: {  	_ =	shalt  }
0x55: {  	_ =	shalt  }
0x56: {  	_ =	shalt  }
0x57: {  	_ =	shalt  }
0x58: {  	_ =	shalt  }
0x59: {  	_ =	shalt  }
0x5a: {  	_ =	shalt  }
0x5b: {  	_ =	shalt  }
0x5c: {  	_ =	shalt  }
0x5d: {  	_ =	shalt  }
0x5e: {  	_ =	shalt  }
0x5f: {  	_ =	shalt  }
0x60: {  	_ =	shalt  }
0x61: {  	_ =	shalt  }
0x62: {  	_ =	shalt  }
0x63: {  	_ =	shalt  }
0x64: {  	_ =	shalt  }
0x65: {  	_ =	shalt  }
0x66: {  	_ =	shalt  }
0x67: {  	_ =	shalt  }
0x68: {  	_ =	shalt  }
0x69: {  	_ =	shalt  }
0x6a: {  	_ =	shalt  }
0x6b: {  	_ =	shalt  }
0x6c: {  	_ =	shalt  }
0x6d: {  	_ =	shalt  }
0x6e: {  	_ =	shalt  }
0x6f: {  	_ =	shalt  }
0x70: {  	_ =	shalt  }
0x71: {  	_ =	shalt  }
0x72: {  	_ =	shalt  }
0x73: {  	_ =	shalt  }
0x74: {  	_ =	shalt  }
0x75: {  	_ =	shalt  }
0x76: {  	_ =	shalt  }
0x77: {  	_ =	shalt  }
0x78: {  	_ =	shalt  }
0x79: {  	_ =	shalt  }
0x7a: {  	_ =	shalt  }
0x7b: {  	_ =	shalt  }
0x7c: {  	_ =	shalt  }
0x7d: {  	_ =	shalt  }
0x7e: {  	_ =	shalt  }
0x7f: {  	_ =	shalt  }
0x80: {  	_ =	shalt  }
0x81: {  	_ =	shalt  }
0x82: {  	_ =	shalt  }
0x83: {  	_ =	shalt  }
0x84: {  	_ =	shalt  }
0x85: {  	_ =	shalt  }
0x86: {  	_ =	shalt  }
0x87: {  	_ =	shalt  }
.Lfunc_end0:
.L_simem_size_0:
called_computation_lowered:
.L_overlay_start_0:
0x88: {  	s2 =	sld [smem:$0x3FD9]  }
0x89: {  	s3 =	sld [smem:$0x3FFE];
	_ =	sdelay $0x1  }
0x8a: {  	s1 =	srdreg.scid  }
0x8b: {  	s0 =	sand.u32 $0x1, s1  }
0x8c: {  	s16 =	sshll.u32 s0, $0xA;
	s2 =	sadd.s32 s3, s2  }
0x8d: {  	s2 =	sadd.s32 s2, s16  }
0x8e: {  	[smem:$0x3FBA] =	sst s2  }
0x8f: {  	_ = 	snop  }
0x90: {  	(tm) =	ssettm $0x1  }
0x91: {  	s17 =	sld [smem:$0x3FFB];
	_ =	sdelay $0x3  }
0x92: {  	_ =	strace s17  }
0x93: {  	s2 =	sld [smem:$0x3FFC];
	_ =	sdelay $0x3  }
0x94: {  	_ =	strace s2  }
0x95: {  	s2 =	sld [smem:$0x3FFD];
	_ =	sdelay $0x3  }
0x96: {  	_ =	strace s2  }
0x97: {  	_ =	strace $0x8FFFFFFF  }
0x98: {  	s18 =	sld [smem:$0x3FDB];
	_ =	sdelay $0x1  }
0x99: {  	s19 =	simm.s32 $_scs_section_size  }
0x9a: {  	s4 =	simm.s32 $_size__tile_overlayer_lowered;
	s5 =	simm.s32 $_tile_overlayer_lowered  }
0x9b: {  	s22 =	simm.s32 $0x1BFF;
	s21 =	sshll.u32 s5, $0x1;
	s2 =	sadd.s32 s19, s18  }
0x9c: {  	s6 =	simm.s32 $0x0;
	s20 =	sshll.u32 s4, $0x1;
	s4 =	sadd.s32 s21, s2  }
0x9d: {  	[timem:s6], [sflag:s22] =	dma.local [hbm:s4], s20  }
0x9e: {  	_ =	swait.ge [sflag:s22], s20  }
0x9f: {  	s3 =	ssub.s32 $0x0, s20;
	[sflag:s22] =	ssyncset.done $0x0  }
0xa0: {  	[sflag:s22] =	ssyncadd.s32 s3;
	_ =	sdelay $0x1  }
0xa1: {  	s23 =	simm.s32 $0x1B8B  }
0xa2: {  	_ =	swait.ge [sflag:s23], $0x1  }
0xa3: {  	[sflag:s23] =	ssyncset.done $0x0  }
0xa4: {  	s25 =	simm.s32 $0x1B8E;
	s24 =	sld [smem:$0x3FFE];
	[sflag:s23] =	ssyncadd.s32 $0xFFFFFFFF  }
0xa5: {  	s26 =	simm.s32 $execute0_lowered;
	[smem:$0x3FD2] =	sst s25  }
0xa6: {  	s4 =	sshll.u32 s26, $0x1;
	_ =	strace $0x80000046;
	[dreg:$0x1] =	wrdreg $0xFFFFFFFF  }
0xa7: {  	s28 =	simm.s32 $_size_execute0_lowered;
	s2 =	sadd.s32 s2, s4;
	[dreg:$0x0] =	wrdreg $0x0  }
0xa8: {  	s4 =	sshll.u32 s28, $0x1;
	[dreg:$0x2] =	wrdreg s2  }
0xa9: {  	[dreg:$0x3] =	wrdreg s4  }
0xaa: {  	[dreg:$0x4] =	wrdreg $0xC0  }
0xab: {  	_ =	task [dreg:s6], $0x5FFFF  }
0xac: {  	[dreg:$0x1] =	wrdreg $0xFFFFFFFF  }
0xad: {  	[dreg:$0x0] =	wrdreg $0x60  }
0xae: {  	[dreg:$0x2] =	wrdreg s24  }
0xaf: {  	[dreg:$0x3] =	wrdreg $0x29000  }
0xb0: {  	[dreg:$0x4] =	wrdreg $0x9  }
0xb1: {  	_ =	task.clear_ibuf [dreg:s6], $0x5FFFF;
	_ =	strace $0x90000046  }
0xb2: {  	s29 =	simm.s32 $0x9;
	_ =	strace $0x80000048  }
0xb3: {  	_ =	swait.ge [sflag:s29], $0x1  }
0xb4: {  	[sflag:s29] =	ssyncadd.s32 $0xFFFFFFFF  }
0xb5: {  	_ =	strace $0x90000048  }
0xb6: {  	_ =	sfence  }
0xb7: {  	s30 =	sld [smem:$0x0];
	_ =	sdelay $0x2  }
0xb8: {  	s31 =	sshll.u32 s1, $0xD;
	s1 =	sshrl.u32 s1, $0x2  }
0xb9: {  	s3 =	sand.u32 $0x4000, s31;
	s1 =	sadd.s32 s1, s30  }
0xba: {  	s0 =	sor.u32 s3, s0;
	s1 =	sshll.u32 s1, $0x11  }
0xbb: {  	s0 =	sor.u32 s1, s0  }
0xbc: {  	s0 =	sadd.s32 $0x8F2B, s0  }
0xbd: {  	[sflag:s0] =	ssyncadd.remote.s32 $0x1  }
0xbe: {  	_ =	sfence.sel $0xFFFF  }
0xbf: {  	[dreg:$0x0] =	wrdreg $0xFFFFFFFF;
	(pc) =	sbr.abs _section_cstart, $3  }
0xc0: {  	[dreg:$0x1] =	wrdreg $0xFFFFFFFF  }
0xc1: {  	_ =	task.clear_ibuf [dreg:s6], $0x2FFFF;
	_ =	strace $0x9FFFFFFF  }
0xc2: {  	(tm) =	ssettm $0x7FFFFFFF  }
0xc3: {  	_ =	shalt  }
tec
execute0_lowered:
.L_overlay_start_1:
0x0: {  	(tag) =	ssettag $0x1  }
0x1: {  	s6 =	rddreg [dreg:$0x0]  }
0x2: {  	s2 =	rddreg [dreg:$0x1]  }
0x3: {  	s0 =	srdreg.scid;
	s1 =	rddreg [dreg:$0x2]  }
0x4: {  	s3 =	simm.s32 $0x0;
	s13 =	simm.s32 $0x80;
	s7 =	sand.u32 $0x1, s0  }
0x5: {  	s14 =	simm.s32 $0x50;
	s0 =	stileid.u32;
	s4 =	smul.u32 $0x27100, s7  }
0x6: {  	s15 =	simm.s32 $0x100;
	s16 =	simm.s32 $0x1;
	s5 =	smul.u32 $0x2710, s0  }
0x7: {  	s17 =	simm.s32 $0x0;
	[smem:$0x7FF] =	sst s3;
	s8 =	smul.u32 $0x138800, s7  }
0x8: {  	s9 =	smul.u32 $0x13800, s0;
	_ =	strace $0x80000047;
	s7 =	ssub.s32 $0x2, s7  }
0x9: {  	s29 =	smul.u32 $0x4E000, s0;
	s31 =	sshll.u32 s0, $0x6;
	s30 =	sshrl.u32 s7, $0x1  }
0xa: {  	s5 =	sadd.s32 s5, s4;
	s4 =	sadd.s32 $0x3BE400, s6;
	s8 =	sadd.s32 s9, s8  }
0xb: {  	s9 =	sshrl.u32 s29, $0x2;
	s11 =	ssub.s32 s7, s30;
	s5 =	sshrl.u32 s5, $0x3  }
0xc: {  	s8 =	sshrl.u32 s8, $0x3;
	s12 =	sadd.s32 s9, s2;
	s10 =	sadd.s32 s5, s6  }
0xd: {  	s5 =	sadd.s32 $0x687400, s6;
	s8 =	sadd.s32 s8, s6;
	s6 =	sor.u32 $0x1C02, s31  }
0xe: {  	s7 =	sadd.s32 $0x689C00, s8;
	s8 =	smax.u32 s11, $0x1;
	s9 =	sadd.s32 $0xAE00, s10  }
0xf: {  	s10 =	sadd.s32 $0x67D600, s10;
	s11 =	sshrl.u32 s12, $0x3;
	s12 =	simm.s32 $0x2  }
.LBB2_1:
0x10: {  	[spmem:s11], [sflag:s6] =	dma.local [hbm:s5], $0x2800  }
0x11: {  	_ =	swait.ge [sflag:s12], $0x2800  }
0x12: {  	[sflag:s12] =	ssyncset.done $0x0  }
0x13: {  	[sflag:s12] =	ssyncadd.s32 $0xFFFFD800  }
0x14: {  	s18 =	sadd.s32 $0x0, s10;
	[bflag:$0x0] =	sbarrier.arrive $0xFFFF  }
0x15: {  	[tilespmem:s3], [sflag:$0x2] =	stream.linear.gather [hbm4b:s18+s3], $0x50, $0x38;
	[tilespmem:$0x16180] =	vst v63  }
0x16: {  	_ =	swait.ge [sflag:s12], $0x50  }
0x17: {  	[sflag:s12] =	ssyncset.done $0x0  }
0x18: {  	s31 =	sadd.s32 $0x0, s9;
	[sflag:s12] =	ssyncadd.s32 $0xFFFFFFB0  }
0x19: {  	[tilespmem:s13], [sflag:$0x2] =	stream.linear.gather [hbm4b:s31+s3], $0x50, $0x38;
	[tilespmem:$0x16180] =	vst v63  }
0x1a: {  	_ =	swait.ge [sflag:s12], $0x50  }
0x1b: {  	[sflag:s12] =	ssyncset.done $0x0  }
0x1c: {  	[sflag:s12] =	ssyncadd.s32 $0xFFFFFFB0  }
0x1d: {  	[tilespmem:s15], [sflag:$0x1] =	stream.indirect.gather [hbm4b:s4+s14], $0x80, s3, s14, $0xb8;
	[tilespmem:$0x16180] =	vst v63  }
0x1e: {  	_ =	swait.ge [sflag:s16], $0x2800  }
0x1f: {  	[sflag:s16] =	ssyncset.done $0x0  }
0x20: {  	[sflag:s16] =	ssyncadd.s32 $0xFFFFD800  }
0x21: {  	[spmem:s2] =	stream.indirect.scatter.add.f32 [tilespmem:s15], [sflag:$0x2], $0x80, s13, s14, $0xb8;
	[tilespmem:$0x16180] =	vst v63  }
0x22: {  	_ =	swait.ge [sflag:s12], $0x2800  }
0x23: {  	s19 =	simm.s32 $0x14;
	s18 =	simm.s32 $0xA;
	[sflag:s12] =	ssyncset.done $0x0  }
.LBB2_2:
0x24: {  	s20 =	sadd.s32 s18, s10  }
0x25: {  	[sflag:s12] =	ssyncadd.s32 $0xFFFFD800;
	s21 =	smov.u32 s19;
	s22 =	sadd.s32 $0xA, s19  }
0x26: {  	[tilespmem:s3], [sflag:$0x2] =	stream.linear.gather [hbm4b:s20+s3], $0x50, $0x38;
	[tilespmem:$0x16180] =	vst v63  }
0x27: {  	p0 =	sne.s32 s19, $0x4D8;
	_ =	swait.ge [sflag:s12], $0x50  }
0x28: {  	[sflag:s12] =	ssyncset.done $0x0  }
0x29: {  	s19 =	sadd.s32 s18, s9;
	s18 =	smov.u32 s21;
	[sflag:s12] =	ssyncadd.s32 $0xFFFFFFB0  }
0x2a: {  	[tilespmem:s13], [sflag:$0x2] =	stream.linear.gather [hbm4b:s19+s3], $0x50, $0x38;
	[tilespmem:$0x16180] =	vst v63  }
0x2b: {  	_ =	swait.ge [sflag:s12], $0x50  }
0x2c: {  	[sflag:s12] =	ssyncset.done $0x0  }
0x2d: {  	[sflag:s12] =	ssyncadd.s32 $0xFFFFFFB0  }
0x2e: {  	[tilespmem:s15], [sflag:$0x1] =	stream.indirect.gather [hbm4b:s4+s14], $0x80, s3, s14, $0xb8;
	[tilespmem:$0x16180] =	vst v63  }
0x2f: {  	_ =	swait.ge [sflag:s16], $0x2800  }
.Ltmp0:
0x30: {  	[sflag:s16] =	ssyncset.done $0x0;
	(pc) =	sbr.rel @p0 .LBB2_2-.Ltmp0, $4  }
0x31: {  	[sflag:s16] =	ssyncadd.s32 $0xFFFFD800  }
0x32: {  	[spmem:s2] =	stream.indirect.scatter.add.f32 [tilespmem:s15], [sflag:$0x2], $0x80, s13, s14, $0xb8;
	[tilespmem:$0x16180] =	vst v63  }
0x33: {  	_ =	swait.ge [sflag:s12], $0x2800  }
0x34: {  	s19 =	smov.u32 s22;
	[sflag:s12] =	ssyncset.done $0x0  }
0x35: {  	s19 =	sadd.s32 s18, s10;
	[sflag:s12] =	ssyncadd.s32 $0xFFFFD800  }
0x36: {  	[tilespmem:s3], [sflag:$0x2] =	stream.linear.gather [hbm4b:s19+s3], $0x50, $0x38;
	[tilespmem:$0x16180] =	vst v63  }
0x37: {  	_ =	swait.ge [sflag:s12], $0x50  }
0x38: {  	[sflag:s12] =	ssyncset.done $0x0  }
0x39: {  	s31 =	sadd.s32 s18, s9;
	[sflag:s12] =	ssyncadd.s32 $0xFFFFFFB0  }
0x3a: {  	[tilespmem:s13], [sflag:$0x2] =	stream.linear.gather [hbm4b:s31+s3], $0x50, $0x38;
	[tilespmem:$0x16180] =	vst v63  }
0x3b: {  	_ =	swait.ge [sflag:s12], $0x50  }
0x3c: {  	[sflag:s12] =	ssyncset.done $0x0  }
0x3d: {  	[sflag:s12] =	ssyncadd.s32 $0xFFFFFFB0  }
0x3e: {  	[tilespmem:s15], [sflag:$0x1] =	stream.indirect.gather [hbm4b:s4+s14], $0x80, s3, s14, $0xb8;
	[tilespmem:$0x16180] =	vst v63  }
0x3f: {  	_ =	swait.ge [sflag:s16], $0x2800  }
0x40: {  	[sflag:s16] =	ssyncset.done $0x0  }
0x41: {  	[sflag:s16] =	ssyncadd.s32 $0xFFFFD800  }
0x42: {  	[spmem:s2] =	stream.indirect.scatter.add.f32 [tilespmem:s15], [sflag:$0x2], $0x80, s13, s14, $0xb8;
	[tilespmem:$0x16180] =	vst v63  }
0x43: {  	_ =	swait.ge [sflag:s12], $0x2800  }
0x44: {  	s17 =	sadd.s32 $0x1, s17;
	[sflag:s12] =	ssyncset.done $0x0  }
0x45: {  	p0 =	sne.s32 s17, s8;
	[sflag:s12] =	ssyncadd.s32 $0xFFFFD800  }
.Ltmp1:
0x46: {  	[bflag:$0x0] =	sbarrier.arrive $0xFFFF;
	(pc) =	sbr.rel @p0 .LBB2_1-.Ltmp1, $4  }
0x47: {  	[hbm:s7], [sflag:s6] =	dma.local [spmem:s11], $0x2800  }
0x48: {  	_ =	swait.ge [sflag:s12], $0x2800  }
0x49: {  	[sflag:s12] =	ssyncset.done $0x0  }
0x4a: {  	[sflag:s12] =	ssyncadd.s32 $0xFFFFD800  }
0x4b: {  	_ =	sfence.sel $0x180000  }
0x4c: {  	[bflag:$0x0] =	sbarrier.arrive $0xFFFF  }
0x4d: {  	p0 =	sne.s32 s0, $0x0;
	_ =	strace $0x90000047  }
0x4e: {  	s0 =	sadd.s32 @!p0 $0x100000, s1;
	[bflag:$0x2] =	sbarrier.arrive $0xFFFF  }
0x4f: {  	[sflag:s0] =	ssyncadd.tile.s32 @!p0 $0x1;
	_ =	shalt  }
.Lfunc_end2:
_tile_overlayer_lowered:
.L_overlay_start_2:
0x50: {  	(tag) =	ssettag $0x2  }
0x51: {  	s0 =	rddreg [dreg:$0x0];
	s2 =	stileid.u32  }
0x52: {  	s1 =	rddreg [dreg:$0x1];
	p0 =	sne.s32 s2, $0x0  }
0x53: {  	s3 =	rddreg [dreg:$0x2];
	[bflag:$0x3] =	sbarrier.arrive $0xFFFF;
	s2 =	simm.s32 @!p0 $0x1C02  }
0x54: {  	[timem:s3], [sflag:s2] =	dma.local @!p0 [hbm:s0], s1  }
0x55: {  	s0 =	simm.s32 @!p0 $0x2  }
0x56: {  	_ =	swait.ge @!p0 [sflag:s0], s1  }
0x57: {  	s1 =	ssub.s32 @!p0 $0x0, s1;
	[sflag:s0] =	ssyncset.done @!p0 $0x0  }
0x58: {  	[sflag:s0] =	ssyncadd.s32 @!p0 s1  }
0x59: {  	[bflag:$0x3] =	sbarrier.arrive $0xFFFF  }
0x5a: {  	_ =	shalt  }

// kernel: kernel.16.cloned.1.call-start
scs
__scs_entry_jumppad:
0x0: {  	(pc) =	sbr.rel $0x88, $3  }
0x1: {  	(tag) =	ssettag $0x0;
	lr =	simm.s32 $0x1  }
0x2: {  	[smem:$0x3F93] =	sst lr;
	_ =	strace $0xD0000000  }
0x3: {  	_ = 	snop  }
0x4: {  	_ = 	snop  }
0x5: {  	_ = 	snop  }
0x6: {  	_ = 	snop  }
0x7: {  	_ = 	snop  }
__scs_overlays_trampoline_lowered:
0x8: {  	[smem:$0x3FA2] =	sst s0  }
0x9: {  	[smem:$0x3FA3] =	sst s1  }
0xa: {  	[smem:$0x3FA4] =	sst s2  }
0xb: {  	[smem:$0x3FA5] =	sst s3  }
0xc: {  	[smem:$0x3FA6] =	sst s4  }
0xd: {  	[smem:$0x3FA7] =	sst s5  }
0xe: {  	[smem:$0x3FA8] =	sst s6  }
0xf: {  	[smem:$0x3FA9] =	sst s7  }
0x10: {  	[smem:$0x3FAA] =	sst s8  }
0x11: {  	[smem:$0x3FAB] =	sst s9;
	s0 =	simm.s32 @!p0 $0x0  }
0x12: {  	s1 =	sld [smem:$0x3F91];
	s0 =	simm.s32 @p0 $0x1  }
0x13: {  	[smem:$0x3FAC] =	sst s0;
	s0 =	simm.s32 @!p1 $0x0  }
0x14: {  	s2 =	sld [smem:$0x3F90];
	s0 =	simm.s32 @p1 $0x1  }
0x15: {  	[smem:$0x3FAD] =	sst s0;
	s0 =	simm.s32 @!p2 $0x0  }
0x16: {  	s3 =	sld [smem:$0x3FDB];
	s0 =	simm.s32 @p2 $0x1  }
0x17: {  	s4 =	simm.s32 $0x1BF5;
	[smem:$0x3FAF] =	sst s0  }
0x18: {  	s0 =	sld [smem:$0x3F92];
	_ =	swait.ge [sflag:s4], $0x0  }
0x19: {  	s7 =	sld [smem:$0x3F93]  }
0x1a: {  	s8 =	sadd.s32 $0xFFFFE003, lr  }
0x1b: {  	s9 =	sadd.s32 $0xFFFFFEF7, lr;
	s5 =	simm.s32 $0xFFFFFFFF;
	p2 =	slt.u32 s8, $0xFFFFF086  }
0x1c: {  	p1 =	slt.u32 s9, $0xF7A;
	s5 =	simm.s32 @!p2 $0x0  }
0x1d: {  	s5 =	simm.s32 @p1 $0x1;
	p0 =	seq.s32 s7, s2  }
0x1e: {  	s7 =	smul.u32 @!p0 $0xF7A, s2;
	p2 =	seq.s32 @!p0 s5, $0x0  }
0x1f: {  	s9 =	smul.u32 $0xF7A, s1;
	s8 =	simm.s32 @!p0 $0x1BF5;
	p2 =	por !p2, p0  }
0x20: {  	[sflag:s8] =	ssyncset.s32 @!p0 $0xFFFFF086;
	s6 =	sadd.s32 @!p0 s3, s7;
	s7 =	simm.s32 @!p0 $0x108  }
0x21: {  	s3 =	sadd.s32 s3, s9;
	s6 =	sadd.s32 @!p0 $0x88, s6;
	s7 =	simm.s32 @p2 $0x1082  }
0x22: {  	[simem:s7], [sflag:s8] =	dma.local @!p0 [hbm:s6], $0xF7A  }
0x23: {  	s9 =	sor.u32 $0xD0000000, s2;
	s6 =	simm.s32 $0x108;
	_ =	swait.ge @!p0 [sflag:s8], $0x0  }
0x24: {  	s3 =	sadd.s32 $0x88, s3;
	s6 =	simm.s32 @!p1 $0x1082;
	[sflag:s4] =	ssyncset.s32 $0xFFFFF086  }
0x25: {  	[simem:s6], [sflag:s4] =	dma.local [hbm:s3], $0xF7A  }
0x26: {  	[smem:$0x3F93] =	sst s1;
	(tag) =	ssettag s2;
	_ =	strace s9  }
0x27: {  	s1 =	sld [smem:$0x3FA3]  }
0x28: {  	s2 =	sld [smem:$0x3FA4]  }
0x29: {  	s4 =	sld [smem:$0x3FA6]  }
0x2a: {  	p0 =	seq.s32 s5, $0x0;
	s5 =	sld [smem:$0x3FA7]  }
0x2b: {  	s6 =	sld [smem:$0x3FA8]  }
0x2c: {  	s7 =	sld [smem:$0x3FA9]  }
0x2d: {  	s3 =	simm.s32 $0x108;
	s8 =	sld [smem:$0x3FAA]  }
0x2e: {  	s3 =	simm.s32 @!p0 $0x1082;
	s9 =	sld [smem:$0x3FAB]  }
0x2f: {  	lr =	sadd.s32 s0, s3;
	s0 =	sld [smem:$0x3FA2]  }
0x30: {  	s3 =	sld [smem:$0x3FA5]  }
0x31: {  	[smem:$0x3FAE] =	sst s10  }
0x32: {  	s10 =	sld [smem:$0x3FAC];
	_ =	sdelay $0x3  }
0x33: {  	p0 =	seq.s32 s10, $0x1;
	s10 =	sld [smem:$0x3FAE];
	_ =	sdelay $0x3  }
0x34: {  	[smem:$0x3FAE] =	sst s10  }
0x35: {  	s10 =	sld [smem:$0x3FAD];
	_ =	sdelay $0x3  }
0x36: {  	p1 =	seq.s32 s10, $0x1;
	s10 =	sld [smem:$0x3FAE];
	_ =	sdelay $0x3  }
0x37: {  	[smem:$0x3FAE] =	sst s10  }
0x38: {  	s10 =	sld [smem:$0x3FAF]  }
0x39: {  	_ = 	snop;
	(pc) =	sbr.ind lr, $3  }
0x3a: {  	_ = 	snop  }
0x3b: {  	_ = 	snop  }
0x3c: {  	p2 =	seq.s32 s10, $0x1;
	s10 =	sld [smem:$0x3FAE]  }
0x3d: {  	_ =	shalt  }
0x3e: {  	_ =	shalt  }
0x3f: {  	_ =	shalt  }
0x40: {  	_ =	shalt  }
0x41: {  	_ =	shalt  }
0x42: {  	_ =	shalt  }
0x43: {  	_ =	shalt  }
0x44: {  	_ =	shalt  }
0x45: {  	_ =	shalt  }
0x46: {  	_ =	shalt  }
0x47: {  	_ =	shalt  }
0x48: {  	_ =	shalt  }
0x49: {  	_ =	shalt  }
0x4a: {  	_ =	shalt  }
0x4b: {  	_ =	shalt  }
0x4c: {  	_ =	shalt  }
0x4d: {  	_ =	shalt  }
0x4e: {  	_ =	shalt  }
0x4f: {  	_ =	shalt  }
0x50: {  	_ =	shalt  }
0x51: {  	_ =	shalt  }
0x52: {  	_ =	shalt  }
0x53: {  	_ =	shalt  }
0x54: {  	_ =	shalt  }
0x55: {  	_ =	shalt  }
0x56: {  	_ =	shalt  }
0x57: {  	_ =	shalt  }
0x58: {  	_ =	shalt  }
0x59: {  	_ =	shalt  }
0x5a: {  	_ =	shalt  }
0x5b: {  	_ =	shalt  }
0x5c: {  	_ =	shalt  }
0x5d: {  	_ =	shalt  }
0x5e: {  	_ =	shalt  }
0x5f: {  	_ =	shalt  }
0x60: {  	_ =	shalt  }
0x61: {  	_ =	shalt  }
0x62: {  	_ =	shalt  }
0x63: {  	_ =	shalt  }
0x64: {  	_ =	shalt  }
0x65: {  	_ =	shalt  }
0x66: {  	_ =	shalt  }
0x67: {  	_ =	shalt  }
0x68: {  	_ =	shalt  }
0x69: {  	_ =	shalt  }
0x6a: {  	_ =	shalt  }
0x6b: {  	_ =	shalt  }
0x6c: {  	_ =	shalt  }
0x6d: {  	_ =	shalt  }
0x6e: {  	_ =	shalt  }
0x6f: {  	_ =	shalt  }
0x70: {  	_ =	shalt  }
0x71: {  	_ =	shalt  }
0x72: {  	_ =	shalt  }
0x73: {  	_ =	shalt  }
0x74: {  	_ =	shalt  }
0x75: {  	_ =	shalt  }
0x76: {  	_ =	shalt  }
0x77: {  	_ =	shalt  }
0x78: {  	_ =	shalt  }
0x79: {  	_ =	shalt  }
0x7a: {  	_ =	shalt  }
0x7b: {  	_ =	shalt  }
0x7c: {  	_ =	shalt  }
0x7d: {  	_ =	shalt  }
0x7e: {  	_ =	shalt  }
0x7f: {  	_ =	shalt  }
0x80: {  	_ =	shalt  }
0x81: {  	_ =	shalt  }
0x82: {  	_ =	shalt  }
0x83: {  	_ =	shalt  }
0x84: {  	_ =	shalt  }
0x85: {  	_ =	shalt  }
0x86: {  	_ =	shalt  }
0x87: {  	_ =	shalt  }
.Lfunc_end0:
.L_simem_size_0:
called_computation.1_lowered:
.L_overlay_start_0:
0x88: {  	s2 =	sld [smem:$0x3FD9]  }
0x89: {  	s3 =	sld [smem:$0x3FFE];
	_ =	sdelay $0x1  }
0x8a: {  	s1 =	srdreg.scid  }
0x8b: {  	s0 =	sand.u32 $0x1, s1  }
0x8c: {  	s16 =	sshll.u32 s0, $0xA;
	s2 =	sadd.s32 s3, s2  }
0x8d: {  	s2 =	sadd.s32 s2, s16  }
0x8e: {  	[smem:$0x3FBA] =	sst s2  }
0x8f: {  	_ = 	snop  }
0x90: {  	(tm) =	ssettm $0x1  }
0x91: {  	s17 =	sld [smem:$0x3FFB];
	_ =	sdelay $0x3  }
0x92: {  	_ =	strace s17  }
0x93: {  	s2 =	sld [smem:$0x3FFC];
	_ =	sdelay $0x3  }
0x94: {  	_ =	strace s2  }
0x95: {  	s2 =	sld [smem:$0x3FFD];
	_ =	sdelay $0x3  }
0x96: {  	_ =	strace s2  }
0x97: {  	_ =	strace $0x8FFFFFFF  }
0x98: {  	s18 =	sld [smem:$0x3FDB];
	_ =	sdelay $0x1  }
0x99: {  	s19 =	simm.s32 $_scs_section_size  }
0x9a: {  	s4 =	simm.s32 $_size__tile_overlayer_lowered;
	s5 =	simm.s32 $_tile_overlayer_lowered  }
0x9b: {  	s22 =	simm.s32 $0x1BFF;
	s21 =	sshll.u32 s5, $0x1;
	s2 =	sadd.s32 s19, s18  }
0x9c: {  	s6 =	simm.s32 $0x0;
	s20 =	sshll.u32 s4, $0x1;
	s4 =	sadd.s32 s21, s2  }
0x9d: {  	[timem:s6], [sflag:s22] =	dma.local [hbm:s4], s20  }
0x9e: {  	_ =	swait.ge [sflag:s22], s20  }
0x9f: {  	s3 =	ssub.s32 $0x0, s20;
	[sflag:s22] =	ssyncset.done $0x0  }
0xa0: {  	[sflag:s22] =	ssyncadd.s32 s3;
	_ =	sdelay $0x1  }
0xa1: {  	s23 =	simm.s32 $0x1B8B  }
0xa2: {  	_ =	swait.ge [sflag:s23], $0x1  }
0xa3: {  	[sflag:s23] =	ssyncset.done $0x0  }
0xa4: {  	s25 =	simm.s32 $0x1B8E;
	s24 =	sld [smem:$0x3FFE];
	[sflag:s23] =	ssyncadd.s32 $0xFFFFFFFF  }
0xa5: {  	s26 =	simm.s32 $execute0_lowered;
	[smem:$0x3FD2] =	sst s25  }
0xa6: {  	s4 =	sshll.u32 s26, $0x1;
	_ =	strace $0x80000049;
	[dreg:$0x1] =	wrdreg $0xFFFFFFFF  }
0xa7: {  	s28 =	simm.s32 $_size_execute0_lowered;
	s2 =	sadd.s32 s2, s4;
	[dreg:$0x0] =	wrdreg $0x0  }
0xa8: {  	s4 =	sshll.u32 s28, $0x1;
	[dreg:$0x2] =	wrdreg s2  }
0xa9: {  	[dreg:$0x3] =	wrdreg s4  }
0xaa: {  	[dreg:$0x4] =	wrdreg $0xC0  }
0xab: {  	_ =	task [dreg:s6], $0x5FFFF  }
0xac: {  	[dreg:$0x1] =	wrdreg $0xFFFFFFFF  }
0xad: {  	[dreg:$0x0] =	wrdreg $0x60  }
0xae: {  	[dreg:$0x2] =	wrdreg s24  }
0xaf: {  	[dreg:$0x3] =	wrdreg $0x29000  }
0xb0: {  	[dreg:$0x4] =	wrdreg $0x9  }
0xb1: {  	_ =	task.clear_ibuf [dreg:s6], $0x5FFFF;
	_ =	strace $0x90000049  }
0xb2: {  	s29 =	simm.s32 $0x9;
	_ =	strace $0x8000004B  }
0xb3: {  	_ =	swait.ge [sflag:s29], $0x1  }
0xb4: {  	[sflag:s29] =	ssyncadd.s32 $0xFFFFFFFF  }
0xb5: {  	_ =	strace $0x9000004B  }
0xb6: {  	_ =	sfence  }
0xb7: {  	s30 =	sld [smem:$0x0];
	_ =	sdelay $0x2  }
0xb8: {  	s31 =	sshll.u32 s1, $0xD;
	s1 =	sshrl.u32 s1, $0x2  }
0xb9: {  	s3 =	sand.u32 $0x4000, s31;
	s1 =	sadd.s32 s1, s30  }
0xba: {  	s0 =	sor.u32 s3, s0;
	s1 =	sshll.u32 s1, $0x11  }
0xbb: {  	s0 =	sor.u32 s1, s0  }
0xbc: {  	s0 =	sadd.s32 $0x8F2B, s0  }
0xbd: {  	[sflag:s0] =	ssyncadd.remote.s32 $0x1  }
0xbe: {  	_ =	sfence.sel $0xFFFF  }
0xbf: {  	[dreg:$0x0] =	wrdreg $0xFFFFFFFF;
	(pc) =	sbr.abs _section_cstart, $3  }
0xc0: {  	[dreg:$0x1] =	wrdreg $0xFFFFFFFF  }
0xc1: {  	_ =	task.clear_ibuf [dreg:s6], $0x2FFFF;
	_ =	strace $0x9FFFFFFF  }
0xc2: {  	(tm) =	ssettm $0x7FFFFFFF  }
0xc3: {  	_ =	shalt  }
tec
execute0_lowered:
.L_overlay_start_1:
0x0: {  	(tag) =	ssettag $0x1  }
0x1: {  	s6 =	rddreg [dreg:$0x0]  }
0x2: {  	s2 =	rddreg [dreg:$0x1]  }
0x3: {  	s0 =	srdreg.scid;
	s1 =	rddreg [dreg:$0x2]  }
0x4: {  	s3 =	simm.s32 $0x0;
	s13 =	simm.s32 $0x80;
	s7 =	sand.u32 $0x1, s0  }
0x5: {  	s14 =	simm.s32 $0x50;
	s0 =	stileid.u32;
	s4 =	smul.u32 $0x27100, s7  }
0x6: {  	s15 =	simm.s32 $0x100;
	s16 =	simm.s32 $0x1;
	s5 =	smul.u32 $0x2710, s0  }
0x7: {  	s17 =	simm.s32 $0x0;
	[smem:$0x7FF] =	sst s3;
	s8 =	smul.u32 $0x138800, s7  }
0x8: {  	s9 =	smul.u32 $0x13800, s0;
	_ =	strace $0x8000004A;
	s7 =	ssub.s32 $0x2, s7  }
0x9: {  	s29 =	smul.u32 $0x4E000, s0;
	s31 =	sshll.u32 s0, $0x6;
	s30 =	sshrl.u32 s7, $0x1  }
0xa: {  	s5 =	sadd.s32 s5, s4;
	s4 =	sadd.s32 $0x689C00, s6;
	s8 =	sadd.s32 s9, s8  }
0xb: {  	s9 =	sshrl.u32 s29, $0x2;
	s11 =	ssub.s32 s7, s30;
	s5 =	sshrl.u32 s5, $0x3  }
0xc: {  	s8 =	sshrl.u32 s8, $0x3;
	s12 =	sadd.s32 s9, s2;
	s10 =	sadd.s32 s5, s6  }
0xd: {  	s5 =	sadd.s32 $0x687400, s6;
	s8 =	sadd.s32 s8, s6;
	s6 =	sor.u32 $0x1C02, s31  }
0xe: {  	s7 =	sadd.s32 $0x3EFE00, s8;
	s8 =	smax.u32 s11, $0x1;
	s9 =	sadd.s32 $0xAE00, s10  }
0xf: {  	s10 =	sadd.s32 $0x67D600, s10;
	s11 =	sshrl.u32 s12, $0x3;
	s12 =	simm.s32 $0x2  }
.LBB2_1:
0x10: {  	[spmem:s11], [sflag:s6] =	dma.local [hbm:s5], $0x2800  }
0x11: {  	_ =	swait.ge [sflag:s12], $0x2800  }
0x12: {  	[sflag:s12] =	ssyncset.done $0x0  }
0x13: {  	[sflag:s12] =	ssyncadd.s32 $0xFFFFD800  }
0x14: {  	s18 =	sadd.s32 $0x0, s10;
	[bflag:$0x0] =	sbarrier.arrive $0xFFFF  }
0x15: {  	[tilespmem:s3], [sflag:$0x2] =	stream.linear.gather [hbm4b:s18+s3], $0x50, $0x38;
	[tilespmem:$0x16180] =	vst v63  }
0x16: {  	_ =	swait.ge [sflag:s12], $0x50  }
0x17: {  	[sflag:s12] =	ssyncset.done $0x0  }
0x18: {  	s31 =	sadd.s32 $0x0, s9;
	[sflag:s12] =	ssyncadd.s32 $0xFFFFFFB0  }
0x19: {  	[tilespmem:s13], [sflag:$0x2] =	stream.linear.gather [hbm4b:s31+s3], $0x50, $0x38;
	[tilespmem:$0x16180] =	vst v63  }
0x1a: {  	_ =	swait.ge [sflag:s12], $0x50  }
0x1b: {  	[sflag:s12] =	ssyncset.done $0x0  }
0x1c: {  	[sflag:s12] =	ssyncadd.s32 $0xFFFFFFB0  }
0x1d: {  	[tilespmem:s15], [sflag:$0x1] =	stream.indirect.gather [hbm4b:s4+s14], $0x80, s3, s14, $0xb8;
	[tilespmem:$0x16180] =	vst v63  }
0x1e: {  	_ =	swait.ge [sflag:s16], $0x2800  }
0x1f: {  	[sflag:s16] =	ssyncset.done $0x0  }
0x20: {  	[sflag:s16] =	ssyncadd.s32 $0xFFFFD800  }
0x21: {  	[spmem:s2] =	stream.indirect.scatter.add.f32 [tilespmem:s15], [sflag:$0x2], $0x80, s13, s14, $0xb8;
	[tilespmem:$0x16180] =	vst v63  }
0x22: {  	_ =	swait.ge [sflag:s12], $0x2800  }
0x23: {  	s19 =	simm.s32 $0x14;
	s18 =	simm.s32 $0xA;
	[sflag:s12] =	ssyncset.done $0x0  }
.LBB2_2:
0x24: {  	s20 =	sadd.s32 s18, s10  }
0x25: {  	[sflag:s12] =	ssyncadd.s32 $0xFFFFD800;
	s21 =	smov.u32 s19;
	s22 =	sadd.s32 $0xA, s19  }
0x26: {  	[tilespmem:s3], [sflag:$0x2] =	stream.linear.gather [hbm4b:s20+s3], $0x50, $0x38;
	[tilespmem:$0x16180] =	vst v63  }
0x27: {  	p0 =	sne.s32 s19, $0x4D8;
	_ =	swait.ge [sflag:s12], $0x50  }
0x28: {  	[sflag:s12] =	ssyncset.done $0x0  }
0x29: {  	s19 =	sadd.s32 s18, s9;
	s18 =	smov.u32 s21;
	[sflag:s12] =	ssyncadd.s32 $0xFFFFFFB0  }
0x2a: {  	[tilespmem:s13], [sflag:$0x2] =	stream.linear.gather [hbm4b:s19+s3], $0x50, $0x38;
	[tilespmem:$0x16180] =	vst v63  }
0x2b: {  	_ =	swait.ge [sflag:s12], $0x50  }
0x2c: {  	[sflag:s12] =	ssyncset.done $0x0  }
0x2d: {  	[sflag:s12] =	ssyncadd.s32 $0xFFFFFFB0  }
0x2e: {  	[tilespmem:s15], [sflag:$0x1] =	stream.indirect.gather [hbm4b:s4+s14], $0x80, s3, s14, $0xb8;
	[tilespmem:$0x16180] =	vst v63  }
0x2f: {  	_ =	swait.ge [sflag:s16], $0x2800  }
.Ltmp0:
0x30: {  	[sflag:s16] =	ssyncset.done $0x0;
	(pc) =	sbr.rel @p0 .LBB2_2-.Ltmp0, $4  }
0x31: {  	[sflag:s16] =	ssyncadd.s32 $0xFFFFD800  }
0x32: {  	[spmem:s2] =	stream.indirect.scatter.add.f32 [tilespmem:s15], [sflag:$0x2], $0x80, s13, s14, $0xb8;
	[tilespmem:$0x16180] =	vst v63  }
0x33: {  	_ =	swait.ge [sflag:s12], $0x2800  }
0x34: {  	s19 =	smov.u32 s22;
	[sflag:s12] =	ssyncset.done $0x0  }
0x35: {  	s19 =	sadd.s32 s18, s10;
	[sflag:s12] =	ssyncadd.s32 $0xFFFFD800  }
0x36: {  	[tilespmem:s3], [sflag:$0x2] =	stream.linear.gather [hbm4b:s19+s3], $0x50, $0x38;
	[tilespmem:$0x16180] =	vst v63  }
0x37: {  	_ =	swait.ge [sflag:s12], $0x50  }
0x38: {  	[sflag:s12] =	ssyncset.done $0x0  }
0x39: {  	s31 =	sadd.s32 s18, s9;
	[sflag:s12] =	ssyncadd.s32 $0xFFFFFFB0  }
0x3a: {  	[tilespmem:s13], [sflag:$0x2] =	stream.linear.gather [hbm4b:s31+s3], $0x50, $0x38;
	[tilespmem:$0x16180] =	vst v63  }
0x3b: {  	_ =	swait.ge [sflag:s12], $0x50  }
0x3c: {  	[sflag:s12] =	ssyncset.done $0x0  }
0x3d: {  	[sflag:s12] =	ssyncadd.s32 $0xFFFFFFB0  }
0x3e: {  	[tilespmem:s15], [sflag:$0x1] =	stream.indirect.gather [hbm4b:s4+s14], $0x80, s3, s14, $0xb8;
	[tilespmem:$0x16180] =	vst v63  }
0x3f: {  	_ =	swait.ge [sflag:s16], $0x2800  }
0x40: {  	[sflag:s16] =	ssyncset.done $0x0  }
0x41: {  	[sflag:s16] =	ssyncadd.s32 $0xFFFFD800  }
0x42: {  	[spmem:s2] =	stream.indirect.scatter.add.f32 [tilespmem:s15], [sflag:$0x2], $0x80, s13, s14, $0xb8;
	[tilespmem:$0x16180] =	vst v63  }
0x43: {  	_ =	swait.ge [sflag:s12], $0x2800  }
0x44: {  	s17 =	sadd.s32 $0x1, s17;
	[sflag:s12] =	ssyncset.done $0x0  }
0x45: {  	p0 =	sne.s32 s17, s8;
	[sflag:s12] =	ssyncadd.s32 $0xFFFFD800  }
.Ltmp1:
0x46: {  	[bflag:$0x0] =	sbarrier.arrive $0xFFFF;
	(pc) =	sbr.rel @p0 .LBB2_1-.Ltmp1, $4  }
0x47: {  	[hbm:s7], [sflag:s6] =	dma.local [spmem:s11], $0x2800  }
0x48: {  	_ =	swait.ge [sflag:s12], $0x2800  }
0x49: {  	[sflag:s12] =	ssyncset.done $0x0  }
0x4a: {  	[sflag:s12] =	ssyncadd.s32 $0xFFFFD800  }
0x4b: {  	_ =	sfence.sel $0x180000  }
0x4c: {  	[bflag:$0x0] =	sbarrier.arrive $0xFFFF  }
0x4d: {  	p0 =	sne.s32 s0, $0x0;
	_ =	strace $0x9000004A  }
0x4e: {  	s0 =	sadd.s32 @!p0 $0x100000, s1;
	[bflag:$0x2] =	sbarrier.arrive $0xFFFF  }
0x4f: {  	[sflag:s0] =	ssyncadd.tile.s32 @!p0 $0x1;
	_ =	shalt  }
.Lfunc_end2:
_tile_overlayer_lowered:
.L_overlay_start_2:
0x50: {  	(tag) =	ssettag $0x2  }
0x51: {  	s0 =	rddreg [dreg:$0x0];
	s2 =	stileid.u32  }
0x52: {  	s1 =	rddreg [dreg:$0x1];
	p0 =	sne.s32 s2, $0x0  }
0x53: {  	s3 =	rddreg [dreg:$0x2];
	[bflag:$0x3] =	sbarrier.arrive $0xFFFF;
	s2 =	simm.s32 @!p0 $0x1C02  }
0x54: {  	[timem:s3], [sflag:s2] =	dma.local @!p0 [hbm:s0], s1  }
0x55: {  	s0 =	simm.s32 @!p0 $0x2  }
0x56: {  	_ =	swait.ge @!p0 [sflag:s0], s1  }
0x57: {  	s1 =	ssub.s32 @!p0 $0x0, s1;
	[sflag:s0] =	ssyncset.done @!p0 $0x0  }
0x58: {  	[sflag:s0] =	ssyncadd.s32 @!p0 s1  }
0x59: {  	[bflag:$0x3] =	sbarrier.arrive $0xFFFF  }
0x5a: {  	_ =	shalt  }

// kernel: kernel.19.cloned.1.call-start
scs
__scs_entry_jumppad:
0x0: {  	(pc) =	sbr.rel $0x88, $3  }
0x1: {  	(tag) =	ssettag $0x0;
	lr =	simm.s32 $0x1  }
0x2: {  	[smem:$0x3F93] =	sst lr;
	_ =	strace $0xD0000000  }
0x3: {  	_ = 	snop  }
0x4: {  	_ = 	snop  }
0x5: {  	_ = 	snop  }
0x6: {  	_ = 	snop  }
0x7: {  	_ = 	snop  }
__scs_overlays_trampoline_lowered:
0x8: {  	[smem:$0x3FA2] =	sst s0  }
0x9: {  	[smem:$0x3FA3] =	sst s1  }
0xa: {  	[smem:$0x3FA4] =	sst s2  }
0xb: {  	[smem:$0x3FA5] =	sst s3  }
0xc: {  	[smem:$0x3FA6] =	sst s4  }
0xd: {  	[smem:$0x3FA7] =	sst s5  }
0xe: {  	[smem:$0x3FA8] =	sst s6  }
0xf: {  	[smem:$0x3FA9] =	sst s7  }
0x10: {  	[smem:$0x3FAA] =	sst s8  }
0x11: {  	[smem:$0x3FAB] =	sst s9;
	s0 =	simm.s32 @!p0 $0x0  }
0x12: {  	s1 =	sld [smem:$0x3F91];
	s0 =	simm.s32 @p0 $0x1  }
0x13: {  	[smem:$0x3FAC] =	sst s0;
	s0 =	simm.s32 @!p1 $0x0  }
0x14: {  	s2 =	sld [smem:$0x3F90];
	s0 =	simm.s32 @p1 $0x1  }
0x15: {  	[smem:$0x3FAD] =	sst s0;
	s0 =	simm.s32 @!p2 $0x0  }
0x16: {  	s3 =	sld [smem:$0x3FDB];
	s0 =	simm.s32 @p2 $0x1  }
0x17: {  	s4 =	simm.s32 $0x1BF5;
	[smem:$0x3FAF] =	sst s0  }
0x18: {  	s0 =	sld [smem:$0x3F92];
	_ =	swait.ge [sflag:s4], $0x0  }
0x19: {  	s7 =	sld [smem:$0x3F93]  }
0x1a: {  	s8 =	sadd.s32 $0xFFFFE003, lr  }
0x1b: {  	s9 =	sadd.s32 $0xFFFFFEF7, lr;
	s5 =	simm.s32 $0xFFFFFFFF;
	p2 =	slt.u32 s8, $0xFFFFF086  }
0x1c: {  	p1 =	slt.u32 s9, $0xF7A;
	s5 =	simm.s32 @!p2 $0x0  }
0x1d: {  	s5 =	simm.s32 @p1 $0x1;
	p0 =	seq.s32 s7, s2  }
0x1e: {  	s7 =	smul.u32 @!p0 $0xF7A, s2;
	p2 =	seq.s32 @!p0 s5, $0x0  }
0x1f: {  	s9 =	smul.u32 $0xF7A, s1;
	s8 =	simm.s32 @!p0 $0x1BF5;
	p2 =	por !p2, p0  }
0x20: {  	[sflag:s8] =	ssyncset.s32 @!p0 $0xFFFFF086;
	s6 =	sadd.s32 @!p0 s3, s7;
	s7 =	simm.s32 @!p0 $0x108  }
0x21: {  	s3 =	sadd.s32 s3, s9;
	s6 =	sadd.s32 @!p0 $0x88, s6;
	s7 =	simm.s32 @p2 $0x1082  }
0x22: {  	[simem:s7], [sflag:s8] =	dma.local @!p0 [hbm:s6], $0xF7A  }
0x23: {  	s9 =	sor.u32 $0xD0000000, s2;
	s6 =	simm.s32 $0x108;
	_ =	swait.ge @!p0 [sflag:s8], $0x0  }
0x24: {  	s3 =	sadd.s32 $0x88, s3;
	s6 =	simm.s32 @!p1 $0x1082;
	[sflag:s4] =	ssyncset.s32 $0xFFFFF086  }
0x25: {  	[simem:s6], [sflag:s4] =	dma.local [hbm:s3], $0xF7A  }
0x26: {  	[smem:$0x3F93] =	sst s1;
	(tag) =	ssettag s2;
	_ =	strace s9  }
0x27: {  	s1 =	sld [smem:$0x3FA3]  }
0x28: {  	s2 =	sld [smem:$0x3FA4]  }
0x29: {  	s4 =	sld [smem:$0x3FA6]  }
0x2a: {  	p0 =	seq.s32 s5, $0x0;
	s5 =	sld [smem:$0x3FA7]  }
0x2b: {  	s6 =	sld [smem:$0x3FA8]  }
0x2c: {  	s7 =	sld [smem:$0x3FA9]  }
0x2d: {  	s3 =	simm.s32 $0x108;
	s8 =	sld [smem:$0x3FAA]  }
0x2e: {  	s3 =	simm.s32 @!p0 $0x1082;
	s9 =	sld [smem:$0x3FAB]  }
0x2f: {  	lr =	sadd.s32 s0, s3;
	s0 =	sld [smem:$0x3FA2]  }
0x30: {  	s3 =	sld [smem:$0x3FA5]  }
0x31: {  	[smem:$0x3FAE] =	sst s10  }
0x32: {  	s10 =	sld [smem:$0x3FAC];
	_ =	sdelay $0x3  }
0x33: {  	p0 =	seq.s32 s10, $0x1;
	s10 =	sld [smem:$0x3FAE];
	_ =	sdelay $0x3  }
0x34: {  	[smem:$0x3FAE] =	sst s10  }
0x35: {  	s10 =	sld [smem:$0x3FAD];
	_ =	sdelay $0x3  }
0x36: {  	p1 =	seq.s32 s10, $0x1;
	s10 =	sld [smem:$0x3FAE];
	_ =	sdelay $0x3  }
0x37: {  	[smem:$0x3FAE] =	sst s10  }
0x38: {  	s10 =	sld [smem:$0x3FAF]  }
0x39: {  	_ = 	snop;
	(pc) =	sbr.ind lr, $3  }
0x3a: {  	_ = 	snop  }
0x3b: {  	_ = 	snop  }
0x3c: {  	p2 =	seq.s32 s10, $0x1;
	s10 =	sld [smem:$0x3FAE]  }
0x3d: {  	_ =	shalt  }
0x3e: {  	_ =	shalt  }
0x3f: {  	_ =	shalt  }
0x40: {  	_ =	shalt  }
0x41: {  	_ =	shalt  }
0x42: {  	_ =	shalt  }
0x43: {  	_ =	shalt  }
0x44: {  	_ =	shalt  }
0x45: {  	_ =	shalt  }
0x46: {  	_ =	shalt  }
0x47: {  	_ =	shalt  }
0x48: {  	_ =	shalt  }
0x49: {  	_ =	shalt  }
0x4a: {  	_ =	shalt  }
0x4b: {  	_ =	shalt  }
0x4c: {  	_ =	shalt  }
0x4d: {  	_ =	shalt  }
0x4e: {  	_ =	shalt  }
0x4f: {  	_ =	shalt  }
0x50: {  	_ =	shalt  }
0x51: {  	_ =	shalt  }
0x52: {  	_ =	shalt  }
0x53: {  	_ =	shalt  }
0x54: {  	_ =	shalt  }
0x55: {  	_ =	shalt  }
0x56: {  	_ =	shalt  }
0x57: {  	_ =	shalt  }
0x58: {  	_ =	shalt  }
0x59: {  	_ =	shalt  }
0x5a: {  	_ =	shalt  }
0x5b: {  	_ =	shalt  }
0x5c: {  	_ =	shalt  }
0x5d: {  	_ =	shalt  }
0x5e: {  	_ =	shalt  }
0x5f: {  	_ =	shalt  }
0x60: {  	_ =	shalt  }
0x61: {  	_ =	shalt  }
0x62: {  	_ =	shalt  }
0x63: {  	_ =	shalt  }
0x64: {  	_ =	shalt  }
0x65: {  	_ =	shalt  }
0x66: {  	_ =	shalt  }
0x67: {  	_ =	shalt  }
0x68: {  	_ =	shalt  }
0x69: {  	_ =	shalt  }
0x6a: {  	_ =	shalt  }
0x6b: {  	_ =	shalt  }
0x6c: {  	_ =	shalt  }
0x6d: {  	_ =	shalt  }
0x6e: {  	_ =	shalt  }
0x6f: {  	_ =	shalt  }
0x70: {  	_ =	shalt  }
0x71: {  	_ =	shalt  }
0x72: {  	_ =	shalt  }
0x73: {  	_ =	shalt  }
0x74: {  	_ =	shalt  }
0x75: {  	_ =	shalt  }
0x76: {  	_ =	shalt  }
0x77: {  	_ =	shalt  }
0x78: {  	_ =	shalt  }
0x79: {  	_ =	shalt  }
0x7a: {  	_ =	shalt  }
0x7b: {  	_ =	shalt  }
0x7c: {  	_ =	shalt  }
0x7d: {  	_ =	shalt  }
0x7e: {  	_ =	shalt  }
0x7f: {  	_ =	shalt  }
0x80: {  	_ =	shalt  }
0x81: {  	_ =	shalt  }
0x82: {  	_ =	shalt  }
0x83: {  	_ =	shalt  }
0x84: {  	_ =	shalt  }
0x85: {  	_ =	shalt  }
0x86: {  	_ =	shalt  }
0x87: {  	_ =	shalt  }
.Lfunc_end0:
.L_simem_size_0:
called_computation.2_lowered:
.L_overlay_start_0:
0x88: {  	s2 =	sld [smem:$0x3FD9]  }
0x89: {  	s3 =	sld [smem:$0x3FFE];
	_ =	sdelay $0x1  }
0x8a: {  	s1 =	srdreg.scid  }
0x8b: {  	s0 =	sand.u32 $0x1, s1  }
0x8c: {  	s16 =	sshll.u32 s0, $0xA;
	s2 =	sadd.s32 s3, s2  }
0x8d: {  	s2 =	sadd.s32 s2, s16  }
0x8e: {  	[smem:$0x3FBA] =	sst s2  }
0x8f: {  	_ = 	snop  }
0x90: {  	(tm) =	ssettm $0x1  }
0x91: {  	s17 =	sld [smem:$0x3FFB];
	_ =	sdelay $0x3  }
0x92: {  	_ =	strace s17  }
0x93: {  	s2 =	sld [smem:$0x3FFC];
	_ =	sdelay $0x3  }
0x94: {  	_ =	strace s2  }
0x95: {  	s2 =	sld [smem:$0x3FFD];
	_ =	sdelay $0x3  }
0x96: {  	_ =	strace s2  }
0x97: {  	_ =	strace $0x8FFFFFFF  }
0x98: {  	s18 =	sld [smem:$0x3FDB];
	_ =	sdelay $0x1  }
0x99: {  	s19 =	simm.s32 $_scs_section_size  }
0x9a: {  	s4 =	simm.s32 $_size__tile_overlayer_lowered;
	s5 =	simm.s32 $_tile_overlayer_lowered  }
0x9b: {  	s22 =	simm.s32 $0x1BFF;
	s21 =	sshll.u32 s5, $0x1;
	s2 =	sadd.s32 s19, s18  }
0x9c: {  	s6 =	simm.s32 $0x0;
	s20 =	sshll.u32 s4, $0x1;
	s4 =	sadd.s32 s21, s2  }
0x9d: {  	[timem:s6], [sflag:s22] =	dma.local [hbm:s4], s20  }
0x9e: {  	_ =	swait.ge [sflag:s22], s20  }
0x9f: {  	s3 =	ssub.s32 $0x0, s20;
	[sflag:s22] =	ssyncset.done $0x0  }
0xa0: {  	[sflag:s22] =	ssyncadd.s32 s3;
	_ =	sdelay $0x1  }
0xa1: {  	s23 =	simm.s32 $0x1B8B  }
0xa2: {  	_ =	swait.ge [sflag:s23], $0x1  }
0xa3: {  	[sflag:s23] =	ssyncset.done $0x0  }
0xa4: {  	s25 =	simm.s32 $0x1B8E;
	s24 =	sld [smem:$0x3FFE];
	[sflag:s23] =	ssyncadd.s32 $0xFFFFFFFF  }
0xa5: {  	s26 =	simm.s32 $execute0_lowered;
	[smem:$0x3FD2] =	sst s25  }
0xa6: {  	s4 =	sshll.u32 s26, $0x1;
	_ =	strace $0x8000004C;
	[dreg:$0x1] =	wrdreg $0xFFFFFFFF  }
0xa7: {  	s28 =	simm.s32 $_size_execute0_lowered;
	s2 =	sadd.s32 s2, s4;
	[dreg:$0x0] =	wrdreg $0x0  }
0xa8: {  	s4 =	sshll.u32 s28, $0x1;
	[dreg:$0x2] =	wrdreg s2  }
0xa9: {  	[dreg:$0x3] =	wrdreg s4  }
0xaa: {  	[dreg:$0x4] =	wrdreg $0xC0  }
0xab: {  	_ =	task [dreg:s6], $0x5FFFF  }
0xac: {  	[dreg:$0x1] =	wrdreg $0xFFFFFFFF  }
0xad: {  	[dreg:$0x0] =	wrdreg $0x60  }
0xae: {  	[dreg:$0x2] =	wrdreg s24  }
0xaf: {  	[dreg:$0x3] =	wrdreg $0x29000  }
0xb0: {  	[dreg:$0x4] =	wrdreg $0x9  }
0xb1: {  	_ =	task.clear_ibuf [dreg:s6], $0x5FFFF;
	_ =	strace $0x9000004C  }
0xb2: {  	s29 =	simm.s32 $0x9;
	_ =	strace $0x8000004E  }
0xb3: {  	_ =	swait.ge [sflag:s29], $0x1  }
0xb4: {  	[sflag:s29] =	ssyncadd.s32 $0xFFFFFFFF  }
0xb5: {  	_ =	strace $0x9000004E  }
0xb6: {  	_ =	sfence  }
0xb7: {  	s30 =	sld [smem:$0x0];
	_ =	sdelay $0x2  }
0xb8: {  	s31 =	sshll.u32 s1, $0xD;
	s1 =	sshrl.u32 s1, $0x2  }
0xb9: {  	s3 =	sand.u32 $0x4000, s31;
	s1 =	sadd.s32 s1, s30  }
0xba: {  	s0 =	sor.u32 s3, s0;
	s1 =	sshll.u32 s1, $0x11  }
0xbb: {  	s0 =	sor.u32 s1, s0  }
0xbc: {  	s0 =	sadd.s32 $0x8F2B, s0  }
0xbd: {  	[sflag:s0] =	ssyncadd.remote.s32 $0x1  }
0xbe: {  	_ =	sfence.sel $0xFFFF  }
0xbf: {  	[dreg:$0x0] =	wrdreg $0xFFFFFFFF;
	(pc) =	sbr.abs _section_cstart, $3  }
0xc0: {  	[dreg:$0x1] =	wrdreg $0xFFFFFFFF  }
0xc1: {  	_ =	task.clear_ibuf [dreg:s6], $0x2FFFF;
	_ =	strace $0x9FFFFFFF  }
0xc2: {  	(tm) =	ssettm $0x7FFFFFFF  }
0xc3: {  	_ =	shalt  }
tec
execute0_lowered:
.L_overlay_start_1:
0x0: {  	(tag) =	ssettag $0x1  }
0x1: {  	s6 =	rddreg [dreg:$0x0]  }
0x2: {  	s2 =	rddreg [dreg:$0x1]  }
0x3: {  	s0 =	srdreg.scid;
	s1 =	rddreg [dreg:$0x2]  }
0x4: {  	s3 =	simm.s32 $0x0;
	s13 =	simm.s32 $0x80;
	s7 =	sand.u32 $0x1, s0  }
0x5: {  	s14 =	simm.s32 $0x50;
	s0 =	stileid.u32;
	s4 =	smul.u32 $0x27100, s7  }
0x6: {  	s15 =	simm.s32 $0x100;
	s16 =	simm.s32 $0x1;
	s5 =	smul.u32 $0x2710, s0  }
0x7: {  	s17 =	simm.s32 $0x0;
	[smem:$0x7FF] =	sst s3;
	s8 =	smul.u32 $0x138800, s7  }
0x8: {  	s9 =	smul.u32 $0x13800, s0;
	_ =	strace $0x8000004D;
	s7 =	ssub.s32 $0x2, s7  }
0x9: {  	s29 =	smul.u32 $0x4E000, s0;
	s31 =	sshll.u32 s0, $0x6;
	s30 =	sshrl.u32 s7, $0x1  }
0xa: {  	s5 =	sadd.s32 s5, s4;
	s4 =	sadd.s32 $0x689C00, s6;
	s8 =	sadd.s32 s9, s8  }
0xb: {  	s9 =	sshrl.u32 s29, $0x2;
	s11 =	ssub.s32 s7, s30;
	s5 =	sshrl.u32 s5, $0x3  }
0xc: {  	s8 =	sshrl.u32 s8, $0x3;
	s12 =	sadd.s32 s9, s2;
	s10 =	sadd.s32 s5, s6  }
0xd: {  	s5 =	sadd.s32 $0x687400, s6;
	s8 =	sadd.s32 s8, s6;
	s6 =	sor.u32 $0x1C02, s31  }
0xe: {  	s7 =	sadd.s32 $0x3C8C00, s8;
	s8 =	smax.u32 s11, $0x1;
	s9 =	sadd.s32 $0xAE00, s10  }
0xf: {  	s10 =	sadd.s32 $0x67D600, s10;
	s11 =	sshrl.u32 s12, $0x3;
	s12 =	simm.s32 $0x2  }
.LBB2_1:
0x10: {  	[spmem:s11], [sflag:s6] =	dma.local [hbm:s5], $0x2800  }
0x11: {  	_ =	swait.ge [sflag:s12], $0x2800  }
0x12: {  	[sflag:s12] =	ssyncset.done $0x0  }
0x13: {  	[sflag:s12] =	ssyncadd.s32 $0xFFFFD800  }
0x14: {  	s18 =	sadd.s32 $0x0, s10;
	[bflag:$0x0] =	sbarrier.arrive $0xFFFF  }
0x15: {  	[tilespmem:s3], [sflag:$0x2] =	stream.linear.gather [hbm4b:s18+s3], $0x50, $0x38;
	[tilespmem:$0x16180] =	vst v63  }
0x16: {  	_ =	swait.ge [sflag:s12], $0x50  }
0x17: {  	[sflag:s12] =	ssyncset.done $0x0  }
0x18: {  	s31 =	sadd.s32 $0x0, s9;
	[sflag:s12] =	ssyncadd.s32 $0xFFFFFFB0  }
0x19: {  	[tilespmem:s13], [sflag:$0x2] =	stream.linear.gather [hbm4b:s31+s3], $0x50, $0x38;
	[tilespmem:$0x16180] =	vst v63  }
0x1a: {  	_ =	swait.ge [sflag:s12], $0x50  }
0x1b: {  	[sflag:s12] =	ssyncset.done $0x0  }
0x1c: {  	[sflag:s12] =	ssyncadd.s32 $0xFFFFFFB0  }
0x1d: {  	[tilespmem:s15], [sflag:$0x1] =	stream.indirect.gather [hbm4b:s4+s14], $0x80, s3, s14, $0xb8;
	[tilespmem:$0x16180] =	vst v63  }
0x1e: {  	_ =	swait.ge [sflag:s16], $0x2800  }
0x1f: {  	[sflag:s16] =	ssyncset.done $0x0  }
0x20: {  	[sflag:s16] =	ssyncadd.s32 $0xFFFFD800  }
0x21: {  	[spmem:s2] =	stream.indirect.scatter.add.f32 [tilespmem:s15], [sflag:$0x2], $0x80, s13, s14, $0xb8;
	[tilespmem:$0x16180] =	vst v63  }
0x22: {  	_ =	swait.ge [sflag:s12], $0x2800  }
0x23: {  	s19 =	simm.s32 $0x14;
	s18 =	simm.s32 $0xA;
	[sflag:s12] =	ssyncset.done $0x0  }
.LBB2_2:
0x24: {  	s20 =	sadd.s32 s18, s10  }
0x25: {  	[sflag:s12] =	ssyncadd.s32 $0xFFFFD800;
	s21 =	smov.u32 s19;
	s22 =	sadd.s32 $0xA, s19  }
0x26: {  	[tilespmem:s3], [sflag:$0x2] =	stream.linear.gather [hbm4b:s20+s3], $0x50, $0x38;
	[tilespmem:$0x16180] =	vst v63  }
0x27: {  	p0 =	sne.s32 s19, $0x4D8;
	_ =	swait.ge [sflag:s12], $0x50  }
0x28: {  	[sflag:s12] =	ssyncset.done $0x0  }
0x29: {  	s19 =	sadd.s32 s18, s9;
	s18 =	smov.u32 s21;
	[sflag:s12] =	ssyncadd.s32 $0xFFFFFFB0  }
0x2a: {  	[tilespmem:s13], [sflag:$0x2] =	stream.linear.gather [hbm4b:s19+s3], $0x50, $0x38;
	[tilespmem:$0x16180] =	vst v63  }
0x2b: {  	_ =	swait.ge [sflag:s12], $0x50  }
0x2c: {  	[sflag:s12] =	ssyncset.done $0x0  }
0x2d: {  	[sflag:s12] =	ssyncadd.s32 $0xFFFFFFB0  }
0x2e: {  	[tilespmem:s15], [sflag:$0x1] =	stream.indirect.gather [hbm4b:s4+s14], $0x80, s3, s14, $0xb8;
	[tilespmem:$0x16180] =	vst v63  }
0x2f: {  	_ =	swait.ge [sflag:s16], $0x2800  }
.Ltmp0:
0x30: {  	[sflag:s16] =	ssyncset.done $0x0;
	(pc) =	sbr.rel @p0 .LBB2_2-.Ltmp0, $4  }
0x31: {  	[sflag:s16] =	ssyncadd.s32 $0xFFFFD800  }
0x32: {  	[spmem:s2] =	stream.indirect.scatter.add.f32 [tilespmem:s15], [sflag:$0x2], $0x80, s13, s14, $0xb8;
	[tilespmem:$0x16180] =	vst v63  }
0x33: {  	_ =	swait.ge [sflag:s12], $0x2800  }
0x34: {  	s19 =	smov.u32 s22;
	[sflag:s12] =	ssyncset.done $0x0  }
0x35: {  	s19 =	sadd.s32 s18, s10;
	[sflag:s12] =	ssyncadd.s32 $0xFFFFD800  }
0x36: {  	[tilespmem:s3], [sflag:$0x2] =	stream.linear.gather [hbm4b:s19+s3], $0x50, $0x38;
	[tilespmem:$0x16180] =	vst v63  }
0x37: {  	_ =	swait.ge [sflag:s12], $0x50  }
0x38: {  	[sflag:s12] =	ssyncset.done $0x0  }
0x39: {  	s31 =	sadd.s32 s18, s9;
	[sflag:s12] =	ssyncadd.s32 $0xFFFFFFB0  }
0x3a: {  	[tilespmem:s13], [sflag:$0x2] =	stream.linear.gather [hbm4b:s31+s3], $0x50, $0x38;
	[tilespmem:$0x16180] =	vst v63  }
0x3b: {  	_ =	swait.ge [sflag:s12], $0x50  }
0x3c: {  	[sflag:s12] =	ssyncset.done $0x0  }
0x3d: {  	[sflag:s12] =	ssyncadd.s32 $0xFFFFFFB0  }
0x3e: {  	[tilespmem:s15], [sflag:$0x1] =	stream.indirect.gather [hbm4b:s4+s14], $0x80, s3, s14, $0xb8;
	[tilespmem:$0x16180] =	vst v63  }
0x3f: {  	_ =	swait.ge [sflag:s16], $0x2800  }
0x40: {  	[sflag:s16] =	ssyncset.done $0x0  }
0x41: {  	[sflag:s16] =	ssyncadd.s32 $0xFFFFD800  }
0x42: {  	[spmem:s2] =	stream.indirect.scatter.add.f32 [tilespmem:s15], [sflag:$0x2], $0x80, s13, s14, $0xb8;
	[tilespmem:$0x16180] =	vst v63  }
0x43: {  	_ =	swait.ge [sflag:s12], $0x2800  }
0x44: {  	s17 =	sadd.s32 $0x1, s17;
	[sflag:s12] =	ssyncset.done $0x0  }
0x45: {  	p0 =	sne.s32 s17, s8;
	[sflag:s12] =	ssyncadd.s32 $0xFFFFD800  }
.Ltmp1:
0x46: {  	[bflag:$0x0] =	sbarrier.arrive $0xFFFF;
	(pc) =	sbr.rel @p0 .LBB2_1-.Ltmp1, $4  }
0x47: {  	[hbm:s7], [sflag:s6] =	dma.local [spmem:s11], $0x2800  }
0x48: {  	_ =	swait.ge [sflag:s12], $0x2800  }
0x49: {  	[sflag:s12] =	ssyncset.done $0x0  }
0x4a: {  	[sflag:s12] =	ssyncadd.s32 $0xFFFFD800  }
0x4b: {  	_ =	sfence.sel $0x180000  }
0x4c: {  	[bflag:$0x0] =	sbarrier.arrive $0xFFFF  }
0x4d: {  	p0 =	sne.s32 s0, $0x0;
	_ =	strace $0x9000004D  }
0x4e: {  	s0 =	sadd.s32 @!p0 $0x100000, s1;
	[bflag:$0x2] =	sbarrier.arrive $0xFFFF  }
0x4f: {  	[sflag:s0] =	ssyncadd.tile.s32 @!p0 $0x1;
	_ =	shalt  }
.Lfunc_end2:
_tile_overlayer_lowered:
.L_overlay_start_2:
0x50: {  	(tag) =	ssettag $0x2  }
0x51: {  	s0 =	rddreg [dreg:$0x0];
	s2 =	stileid.u32  }
0x52: {  	s1 =	rddreg [dreg:$0x1];
	p0 =	sne.s32 s2, $0x0  }
0x53: {  	s3 =	rddreg [dreg:$0x2];
	[bflag:$0x3] =	sbarrier.arrive $0xFFFF;
	s2 =	simm.s32 @!p0 $0x1C02  }
0x54: {  	[timem:s3], [sflag:s2] =	dma.local @!p0 [hbm:s0], s1  }
0x55: {  	s0 =	simm.s32 @!p0 $0x2  }
0x56: {  	_ =	swait.ge @!p0 [sflag:s0], s1  }
0x57: {  	s1 =	ssub.s32 @!p0 $0x0, s1;
	[sflag:s0] =	ssyncset.done @!p0 $0x0  }
0x58: {  	[sflag:s0] =	ssyncadd.s32 @!p0 s1  }
0x59: {  	[bflag:$0x3] =	sbarrier.arrive $0xFFFF  }
0x5a: {  	_ =	shalt  }

// kernel: kernel.22.cloned.1.call-start
scs
__scs_entry_jumppad:
0x0: {  	(pc) =	sbr.rel $0x88, $3  }
0x1: {  	(tag) =	ssettag $0x0;
	lr =	simm.s32 $0x1  }
0x2: {  	[smem:$0x3F93] =	sst lr;
	_ =	strace $0xD0000000  }
0x3: {  	_ = 	snop  }
0x4: {  	_ = 	snop  }
0x5: {  	_ = 	snop  }
0x6: {  	_ = 	snop  }
0x7: {  	_ = 	snop  }
__scs_overlays_trampoline_lowered:
0x8: {  	[smem:$0x3FA2] =	sst s0  }
0x9: {  	[smem:$0x3FA3] =	sst s1  }
0xa: {  	[smem:$0x3FA4] =	sst s2  }
0xb: {  	[smem:$0x3FA5] =	sst s3  }
0xc: {  	[smem:$0x3FA6] =	sst s4  }
0xd: {  	[smem:$0x3FA7] =	sst s5  }
0xe: {  	[smem:$0x3FA8] =	sst s6  }
0xf: {  	[smem:$0x3FA9] =	sst s7  }
0x10: {  	[smem:$0x3FAA] =	sst s8  }
0x11: {  	[smem:$0x3FAB] =	sst s9;
	s0 =	simm.s32 @!p0 $0x0  }
0x12: {  	s1 =	sld [smem:$0x3F91];
	s0 =	simm.s32 @p0 $0x1  }
0x13: {  	[smem:$0x3FAC] =	sst s0;
	s0 =	simm.s32 @!p1 $0x0  }
0x14: {  	s2 =	sld [smem:$0x3F90];
	s0 =	simm.s32 @p1 $0x1  }
0x15: {  	[smem:$0x3FAD] =	sst s0;
	s0 =	simm.s32 @!p2 $0x0  }
0x16: {  	s3 =	sld [smem:$0x3FDB];
	s0 =	simm.s32 @p2 $0x1  }
0x17: {  	s4 =	simm.s32 $0x1BF5;
	[smem:$0x3FAF] =	sst s0  }
0x18: {  	s0 =	sld [smem:$0x3F92];
	_ =	swait.ge [sflag:s4], $0x0  }
0x19: {  	s7 =	sld [smem:$0x3F93]  }
0x1a: {  	s8 =	sadd.s32 $0xFFFFE003, lr  }
0x1b: {  	s9 =	sadd.s32 $0xFFFFFEF7, lr;
	s5 =	simm.s32 $0xFFFFFFFF;
	p2 =	slt.u32 s8, $0xFFFFF086  }
0x1c: {  	p1 =	slt.u32 s9, $0xF7A;
	s5 =	simm.s32 @!p2 $0x0  }
0x1d: {  	s5 =	simm.s32 @p1 $0x1;
	p0 =	seq.s32 s7, s2  }
0x1e: {  	s7 =	smul.u32 @!p0 $0xF7A, s2;
	p2 =	seq.s32 @!p0 s5, $0x0  }
0x1f: {  	s9 =	smul.u32 $0xF7A, s1;
	s8 =	simm.s32 @!p0 $0x1BF5;
	p2 =	por !p2, p0  }
0x20: {  	[sflag:s8] =	ssyncset.s32 @!p0 $0xFFFFF086;
	s6 =	sadd.s32 @!p0 s3, s7;
	s7 =	simm.s32 @!p0 $0x108  }
0x21: {  	s3 =	sadd.s32 s3, s9;
	s6 =	sadd.s32 @!p0 $0x88, s6;
	s7 =	simm.s32 @p2 $0x1082  }
0x22: {  	[simem:s7], [sflag:s8] =	dma.local @!p0 [hbm:s6], $0xF7A  }
0x23: {  	s9 =	sor.u32 $0xD0000000, s2;
	s6 =	simm.s32 $0x108;
	_ =	swait.ge @!p0 [sflag:s8], $0x0  }
0x24: {  	s3 =	sadd.s32 $0x88, s3;
	s6 =	simm.s32 @!p1 $0x1082;
	[sflag:s4] =	ssyncset.s32 $0xFFFFF086  }
0x25: {  	[simem:s6], [sflag:s4] =	dma.local [hbm:s3], $0xF7A  }
0x26: {  	[smem:$0x3F93] =	sst s1;
	(tag) =	ssettag s2;
	_ =	strace s9  }
0x27: {  	s1 =	sld [smem:$0x3FA3]  }
0x28: {  	s2 =	sld [smem:$0x3FA4]  }
0x29: {  	s4 =	sld [smem:$0x3FA6]  }
0x2a: {  	p0 =	seq.s32 s5, $0x0;
	s5 =	sld [smem:$0x3FA7]  }
0x2b: {  	s6 =	sld [smem:$0x3FA8]  }
0x2c: {  	s7 =	sld [smem:$0x3FA9]  }
0x2d: {  	s3 =	simm.s32 $0x108;
	s8 =	sld [smem:$0x3FAA]  }
0x2e: {  	s3 =	simm.s32 @!p0 $0x1082;
	s9 =	sld [smem:$0x3FAB]  }
0x2f: {  	lr =	sadd.s32 s0, s3;
	s0 =	sld [smem:$0x3FA2]  }
0x30: {  	s3 =	sld [smem:$0x3FA5]  }
0x31: {  	[smem:$0x3FAE] =	sst s10  }
0x32: {  	s10 =	sld [smem:$0x3FAC];
	_ =	sdelay $0x3  }
0x33: {  	p0 =	seq.s32 s10, $0x1;
	s10 =	sld [smem:$0x3FAE];
	_ =	sdelay $0x3  }
0x34: {  	[smem:$0x3FAE] =	sst s10  }
0x35: {  	s10 =	sld [smem:$0x3FAD];
	_ =	sdelay $0x3  }
0x36: {  	p1 =	seq.s32 s10, $0x1;
	s10 =	sld [smem:$0x3FAE];
	_ =	sdelay $0x3  }
0x37: {  	[smem:$0x3FAE] =	sst s10  }
0x38: {  	s10 =	sld [smem:$0x3FAF]  }
0x39: {  	_ = 	snop;
	(pc) =	sbr.ind lr, $3  }
0x3a: {  	_ = 	snop  }
0x3b: {  	_ = 	snop  }
0x3c: {  	p2 =	seq.s32 s10, $0x1;
	s10 =	sld [smem:$0x3FAE]  }
0x3d: {  	_ =	shalt  }
0x3e: {  	_ =	shalt  }
0x3f: {  	_ =	shalt  }
0x40: {  	_ =	shalt  }
0x41: {  	_ =	shalt  }
0x42: {  	_ =	shalt  }
0x43: {  	_ =	shalt  }
0x44: {  	_ =	shalt  }
0x45: {  	_ =	shalt  }
0x46: {  	_ =	shalt  }
0x47: {  	_ =	shalt  }
0x48: {  	_ =	shalt  }
0x49: {  	_ =	shalt  }
0x4a: {  	_ =	shalt  }
0x4b: {  	_ =	shalt  }
0x4c: {  	_ =	shalt  }
0x4d: {  	_ =	shalt  }
0x4e: {  	_ =	shalt  }
0x4f: {  	_ =	shalt  }
0x50: {  	_ =	shalt  }
0x51: {  	_ =	shalt  }
0x52: {  	_ =	shalt  }
0x53: {  	_ =	shalt  }
0x54: {  	_ =	shalt  }
0x55: {  	_ =	shalt  }
0x56: {  	_ =	shalt  }
0x57: {  	_ =	shalt  }
0x58: {  	_ =	shalt  }
0x59: {  	_ =	shalt  }
0x5a: {  	_ =	shalt  }
0x5b: {  	_ =	shalt  }
0x5c: {  	_ =	shalt  }
0x5d: {  	_ =	shalt  }
0x5e: {  	_ =	shalt  }
0x5f: {  	_ =	shalt  }
0x60: {  	_ =	shalt  }
0x61: {  	_ =	shalt  }
0x62: {  	_ =	shalt  }
0x63: {  	_ =	shalt  }
0x64: {  	_ =	shalt  }
0x65: {  	_ =	shalt  }
0x66: {  	_ =	shalt  }
0x67: {  	_ =	shalt  }
0x68: {  	_ =	shalt  }
0x69: {  	_ =	shalt  }
0x6a: {  	_ =	shalt  }
0x6b: {  	_ =	shalt  }
0x6c: {  	_ =	shalt  }
0x6d: {  	_ =	shalt  }
0x6e: {  	_ =	shalt  }
0x6f: {  	_ =	shalt  }
0x70: {  	_ =	shalt  }
0x71: {  	_ =	shalt  }
0x72: {  	_ =	shalt  }
0x73: {  	_ =	shalt  }
0x74: {  	_ =	shalt  }
0x75: {  	_ =	shalt  }
0x76: {  	_ =	shalt  }
0x77: {  	_ =	shalt  }
0x78: {  	_ =	shalt  }
0x79: {  	_ =	shalt  }
0x7a: {  	_ =	shalt  }
0x7b: {  	_ =	shalt  }
0x7c: {  	_ =	shalt  }
0x7d: {  	_ =	shalt  }
0x7e: {  	_ =	shalt  }
0x7f: {  	_ =	shalt  }
0x80: {  	_ =	shalt  }
0x81: {  	_ =	shalt  }
0x82: {  	_ =	shalt  }
0x83: {  	_ =	shalt  }
0x84: {  	_ =	shalt  }
0x85: {  	_ =	shalt  }
0x86: {  	_ =	shalt  }
0x87: {  	_ =	shalt  }
.Lfunc_end0:
.L_simem_size_0:
called_computation.3_lowered:
.L_overlay_start_0:
0x88: {  	s2 =	sld [smem:$0x3FD9]  }
0x89: {  	s3 =	sld [smem:$0x3FFE];
	_ =	sdelay $0x1  }
0x8a: {  	s1 =	srdreg.scid  }
0x8b: {  	s0 =	sand.u32 $0x1, s1  }
0x8c: {  	s16 =	sshll.u32 s0, $0xA;
	s2 =	sadd.s32 s3, s2  }
0x8d: {  	s2 =	sadd.s32 s2, s16  }
0x8e: {  	[smem:$0x3FBA] =	sst s2  }
0x8f: {  	_ = 	snop  }
0x90: {  	(tm) =	ssettm $0x1  }
0x91: {  	s17 =	sld [smem:$0x3FFB];
	_ =	sdelay $0x3  }
0x92: {  	_ =	strace s17  }
0x93: {  	s2 =	sld [smem:$0x3FFC];
	_ =	sdelay $0x3  }
0x94: {  	_ =	strace s2  }
0x95: {  	s2 =	sld [smem:$0x3FFD];
	_ =	sdelay $0x3  }
0x96: {  	_ =	strace s2  }
0x97: {  	_ =	strace $0x8FFFFFFF  }
0x98: {  	s18 =	sld [smem:$0x3FDB];
	_ =	sdelay $0x1  }
0x99: {  	s19 =	simm.s32 $_scs_section_size  }
0x9a: {  	s4 =	simm.s32 $_size__tile_overlayer_lowered;
	s5 =	simm.s32 $_tile_overlayer_lowered  }
0x9b: {  	s22 =	simm.s32 $0x1BFF;
	s21 =	sshll.u32 s5, $0x1;
	s2 =	sadd.s32 s19, s18  }
0x9c: {  	s6 =	simm.s32 $0x0;
	s20 =	sshll.u32 s4, $0x1;
	s4 =	sadd.s32 s21, s2  }
0x9d: {  	[timem:s6], [sflag:s22] =	dma.local [hbm:s4], s20  }
0x9e: {  	_ =	swait.ge [sflag:s22], s20  }
0x9f: {  	s3 =	ssub.s32 $0x0, s20;
	[sflag:s22] =	ssyncset.done $0x0  }
0xa0: {  	[sflag:s22] =	ssyncadd.s32 s3;
	_ =	sdelay $0x1  }
0xa1: {  	s23 =	simm.s32 $0x1B8B  }
0xa2: {  	_ =	swait.ge [sflag:s23], $0x1  }
0xa3: {  	[sflag:s23] =	ssyncset.done $0x0  }
0xa4: {  	s25 =	simm.s32 $0x1B8E;
	s24 =	sld [smem:$0x3FFE];
	[sflag:s23] =	ssyncadd.s32 $0xFFFFFFFF  }
0xa5: {  	s26 =	simm.s32 $execute0_lowered;
	[smem:$0x3FD2] =	sst s25  }
0xa6: {  	s4 =	sshll.u32 s26, $0x1;
	_ =	strace $0x8000004F;
	[dreg:$0x1] =	wrdreg $0xFFFFFFFF  }
0xa7: {  	s28 =	simm.s32 $_size_execute0_lowered;
	s2 =	sadd.s32 s2, s4;
	[dreg:$0x0] =	wrdreg $0x0  }
0xa8: {  	s4 =	sshll.u32 s28, $0x1;
	[dreg:$0x2] =	wrdreg s2  }
0xa9: {  	[dreg:$0x3] =	wrdreg s4  }
0xaa: {  	[dreg:$0x4] =	wrdreg $0xC0  }
0xab: {  	_ =	task [dreg:s6], $0x5FFFF  }
0xac: {  	[dreg:$0x1] =	wrdreg $0xFFFFFFFF  }
0xad: {  	[dreg:$0x0] =	wrdreg $0x60  }
0xae: {  	[dreg:$0x2] =	wrdreg s24  }
0xaf: {  	[dreg:$0x3] =	wrdreg $0x29000  }
0xb0: {  	[dreg:$0x4] =	wrdreg $0x9  }
0xb1: {  	_ =	task.clear_ibuf [dreg:s6], $0x5FFFF;
	_ =	strace $0x9000004F  }
0xb2: {  	s29 =	simm.s32 $0x9;
	_ =	strace $0x80000051  }
0xb3: {  	_ =	swait.ge [sflag:s29], $0x1  }
0xb4: {  	[sflag:s29] =	ssyncadd.s32 $0xFFFFFFFF  }
0xb5: {  	_ =	strace $0x90000051  }
0xb6: {  	_ =	sfence  }
0xb7: {  	s30 =	sld [smem:$0x0];
	_ =	sdelay $0x2  }
0xb8: {  	s31 =	sshll.u32 s1, $0xD;
	s1 =	sshrl.u32 s1, $0x2  }
0xb9: {  	s3 =	sand.u32 $0x4000, s31;
	s1 =	sadd.s32 s1, s30  }
0xba: {  	s0 =	sor.u32 s3, s0;
	s1 =	sshll.u32 s1, $0x11  }
0xbb: {  	s0 =	sor.u32 s1, s0  }
0xbc: {  	s0 =	sadd.s32 $0x8F2B, s0  }
0xbd: {  	[sflag:s0] =	ssyncadd.remote.s32 $0x1  }
0xbe: {  	_ =	sfence.sel $0xFFFF  }
0xbf: {  	[dreg:$0x0] =	wrdreg $0xFFFFFFFF;
	(pc) =	sbr.abs _section_cstart, $3  }
0xc0: {  	[dreg:$0x1] =	wrdreg $0xFFFFFFFF  }
0xc1: {  	_ =	task.clear_ibuf [dreg:s6], $0x2FFFF;
	_ =	strace $0x9FFFFFFF  }
0xc2: {  	(tm) =	ssettm $0x7FFFFFFF  }
0xc3: {  	_ =	shalt  }
tec
execute0_lowered:
.L_overlay_start_1:
0x0: {  	(tag) =	ssettag $0x1  }
0x1: {  	s6 =	rddreg [dreg:$0x0]  }
0x2: {  	s2 =	rddreg [dreg:$0x1]  }
0x3: {  	s0 =	srdreg.scid;
	s1 =	rddreg [dreg:$0x2]  }
0x4: {  	s3 =	simm.s32 $0x0;
	s13 =	simm.s32 $0x80;
	s7 =	sand.u32 $0x1, s0  }
0x5: {  	s14 =	simm.s32 $0x50;
	s0 =	stileid.u32;
	s4 =	smul.u32 $0x27100, s7  }
0x6: {  	s15 =	simm.s32 $0x100;
	s16 =	simm.s32 $0x1;
	s5 =	smul.u32 $0x2710, s0  }
0x7: {  	s17 =	simm.s32 $0x0;
	[smem:$0x7FF] =	sst s3;
	s8 =	smul.u32 $0x138800, s7  }
0x8: {  	s9 =	smul.u32 $0x13800, s0;
	_ =	strace $0x80000050;
	s7 =	ssub.s32 $0x2, s7  }
0x9: {  	s29 =	smul.u32 $0x4E000, s0;
	s31 =	sshll.u32 s0, $0x6;
	s30 =	sshrl.u32 s7, $0x1  }
0xa: {  	s5 =	sadd.s32 s5, s4;
	s4 =	sadd.s32 $0x689C00, s6;
	s8 =	sadd.s32 s9, s8  }
0xb: {  	s9 =	sshrl.u32 s29, $0x2;
	s11 =	ssub.s32 s7, s30;
	s5 =	sshrl.u32 s5, $0x3  }
0xc: {  	s8 =	sshrl.u32 s8, $0x3;
	s12 =	sadd.s32 s9, s2;
	s10 =	sadd.s32 s5, s6  }
0xd: {  	s5 =	sadd.s32 $0x687400, s6;
	s8 =	sadd.s32 s8, s6;
	s6 =	sor.u32 $0x1C02, s31  }
0xe: {  	s7 =	sadd.s32 $0x3C8C00, s8;
	s8 =	smax.u32 s11, $0x1;
	s9 =	sadd.s32 $0xAE00, s10  }
0xf: {  	s10 =	sadd.s32 $0x67D600, s10;
	s11 =	sshrl.u32 s12, $0x3;
	s12 =	simm.s32 $0x2  }
.LBB2_1:
0x10: {  	[spmem:s11], [sflag:s6] =	dma.local [hbm:s5], $0x2800  }
0x11: {  	_ =	swait.ge [sflag:s12], $0x2800  }
0x12: {  	[sflag:s12] =	ssyncset.done $0x0  }
0x13: {  	[sflag:s12] =	ssyncadd.s32 $0xFFFFD800  }
0x14: {  	s18 =	sadd.s32 $0x0, s10;
	[bflag:$0x0] =	sbarrier.arrive $0xFFFF  }
0x15: {  	[tilespmem:s3], [sflag:$0x2] =	stream.linear.gather [hbm4b:s18+s3], $0x50, $0x38;
	[tilespmem:$0x16180] =	vst v63  }
0x16: {  	_ =	swait.ge [sflag:s12], $0x50  }
0x17: {  	[sflag:s12] =	ssyncset.done $0x0  }
0x18: {  	s31 =	sadd.s32 $0x0, s9;
	[sflag:s12] =	ssyncadd.s32 $0xFFFFFFB0  }
0x19: {  	[tilespmem:s13], [sflag:$0x2] =	stream.linear.gather [hbm4b:s31+s3], $0x50, $0x38;
	[tilespmem:$0x16180] =	vst v63  }
0x1a: {  	_ =	swait.ge [sflag:s12], $0x50  }
0x1b: {  	[sflag:s12] =	ssyncset.done $0x0  }
0x1c: {  	[sflag:s12] =	ssyncadd.s32 $0xFFFFFFB0  }
0x1d: {  	[tilespmem:s15], [sflag:$0x1] =	stream.indirect.gather [hbm4b:s4+s14], $0x80, s3, s14, $0xb8;
	[tilespmem:$0x16180] =	vst v63  }
0x1e: {  	_ =	swait.ge [sflag:s16], $0x2800  }
0x1f: {  	[sflag:s16] =	ssyncset.done $0x0  }
0x20: {  	[sflag:s16] =	ssyncadd.s32 $0xFFFFD800  }
0x21: {  	[spmem:s2] =	stream.indirect.scatter.add.f32 [tilespmem:s15], [sflag:$0x2], $0x80, s13, s14, $0xb8;
	[tilespmem:$0x16180] =	vst v63  }
0x22: {  	_ =	swait.ge [sflag:s12], $0x2800  }
0x23: {  	s19 =	simm.s32 $0x14;
	s18 =	simm.s32 $0xA;
	[sflag:s12] =	ssyncset.done $0x0  }
.LBB2_2:
0x24: {  	s20 =	sadd.s32 s18, s10  }
0x25: {  	[sflag:s12] =	ssyncadd.s32 $0xFFFFD800;
	s21 =	smov.u32 s19;
	s22 =	sadd.s32 $0xA, s19  }
0x26: {  	[tilespmem:s3], [sflag:$0x2] =	stream.linear.gather [hbm4b:s20+s3], $0x50, $0x38;
	[tilespmem:$0x16180] =	vst v63  }
0x27: {  	p0 =	sne.s32 s19, $0x4D8;
	_ =	swait.ge [sflag:s12], $0x50  }
0x28: {  	[sflag:s12] =	ssyncset.done $0x0  }
0x29: {  	s19 =	sadd.s32 s18, s9;
	s18 =	smov.u32 s21;
	[sflag:s12] =	ssyncadd.s32 $0xFFFFFFB0  }
0x2a: {  	[tilespmem:s13], [sflag:$0x2] =	stream.linear.gather [hbm4b:s19+s3], $0x50, $0x38;
	[tilespmem:$0x16180] =	vst v63  }
0x2b: {  	_ =	swait.ge [sflag:s12], $0x50  }
0x2c: {  	[sflag:s12] =	ssyncset.done $0x0  }
0x2d: {  	[sflag:s12] =	ssyncadd.s32 $0xFFFFFFB0  }
0x2e: {  	[tilespmem:s15], [sflag:$0x1] =	stream.indirect.gather [hbm4b:s4+s14], $0x80, s3, s14, $0xb8;
	[tilespmem:$0x16180] =	vst v63  }
0x2f: {  	_ =	swait.ge [sflag:s16], $0x2800  }
.Ltmp0:
0x30: {  	[sflag:s16] =	ssyncset.done $0x0;
	(pc) =	sbr.rel @p0 .LBB2_2-.Ltmp0, $4  }
0x31: {  	[sflag:s16] =	ssyncadd.s32 $0xFFFFD800  }
0x32: {  	[spmem:s2] =	stream.indirect.scatter.add.f32 [tilespmem:s15], [sflag:$0x2], $0x80, s13, s14, $0xb8;
	[tilespmem:$0x16180] =	vst v63  }
0x33: {  	_ =	swait.ge [sflag:s12], $0x2800  }
0x34: {  	s19 =	smov.u32 s22;
	[sflag:s12] =	ssyncset.done $0x0  }
0x35: {  	s19 =	sadd.s32 s18, s10;
	[sflag:s12] =	ssyncadd.s32 $0xFFFFD800  }
0x36: {  	[tilespmem:s3], [sflag:$0x2] =	stream.linear.gather [hbm4b:s19+s3], $0x50, $0x38;
	[tilespmem:$0x16180] =	vst v63  }
0x37: {  	_ =	swait.ge [sflag:s12], $0x50  }
0x38: {  	[sflag:s12] =	ssyncset.done $0x0  }
0x39: {  	s31 =	sadd.s32 s18, s9;
	[sflag:s12] =	ssyncadd.s32 $0xFFFFFFB0  }
0x3a: {  	[tilespmem:s13], [sflag:$0x2] =	stream.linear.gather [hbm4b:s31+s3], $0x50, $0x38;
	[tilespmem:$0x16180] =	vst v63  }
0x3b: {  	_ =	swait.ge [sflag:s12], $0x50  }
0x3c: {  	[sflag:s12] =	ssyncset.done $0x0  }
0x3d: {  	[sflag:s12] =	ssyncadd.s32 $0xFFFFFFB0  }
0x3e: {  	[tilespmem:s15], [sflag:$0x1] =	stream.indirect.gather [hbm4b:s4+s14], $0x80, s3, s14, $0xb8;
	[tilespmem:$0x16180] =	vst v63  }
0x3f: {  	_ =	swait.ge [sflag:s16], $0x2800  }
0x40: {  	[sflag:s16] =	ssyncset.done $0x0  }
0x41: {  	[sflag:s16] =	ssyncadd.s32 $0xFFFFD800  }
0x42: {  	[spmem:s2] =	stream.indirect.scatter.add.f32 [tilespmem:s15], [sflag:$0x2], $0x80, s13, s14, $0xb8;
	[tilespmem:$0x16180] =	vst v63  }
0x43: {  	_ =	swait.ge [sflag:s12], $0x2800  }
0x44: {  	s17 =	sadd.s32 $0x1, s17;
	[sflag:s12] =	ssyncset.done $0x0  }
0x45: {  	p0 =	sne.s32 s17, s8;
	[sflag:s12] =	ssyncadd.s32 $0xFFFFD800  }
.Ltmp1:
0x46: {  	[bflag:$0x0] =	sbarrier.arrive $0xFFFF;
	(pc) =	sbr.rel @p0 .LBB2_1-.Ltmp1, $4  }
0x47: {  	[hbm:s7], [sflag:s6] =	dma.local [spmem:s11], $0x2800  }
0x48: {  	_ =	swait.ge [sflag:s12], $0x2800  }
0x49: {  	[sflag:s12] =	ssyncset.done $0x0  }
0x4a: {  	[sflag:s12] =	ssyncadd.s32 $0xFFFFD800  }
0x4b: {  	_ =	sfence.sel $0x180000  }
0x4c: {  	[bflag:$0x0] =	sbarrier.arrive $0xFFFF  }
0x4d: {  	p0 =	sne.s32 s0, $0x0;
	_ =	strace $0x90000050  }
0x4e: {  	s0 =	sadd.s32 @!p0 $0x100000, s1;
	[bflag:$0x2] =	sbarrier.arrive $0xFFFF  }
0x4f: {  	[sflag:s0] =	ssyncadd.tile.s32 @!p0 $0x1;
	_ =	shalt  }
.Lfunc_end2:
_tile_overlayer_lowered:
.L_overlay_start_2:
0x50: {  	(tag) =	ssettag $0x2  }
0x51: {  	s0 =	rddreg [dreg:$0x0];
	s2 =	stileid.u32  }
0x52: {  	s1 =	rddreg [dreg:$0x1];
	p0 =	sne.s32 s2, $0x0  }
0x53: {  	s3 =	rddreg [dreg:$0x2];
	[bflag:$0x3] =	sbarrier.arrive $0xFFFF;
	s2 =	simm.s32 @!p0 $0x1C02  }
0x54: {  	[timem:s3], [sflag:s2] =	dma.local @!p0 [hbm:s0], s1  }
0x55: {  	s0 =	simm.s32 @!p0 $0x2  }
0x56: {  	_ =	swait.ge @!p0 [sflag:s0], s1  }
0x57: {  	s1 =	ssub.s32 @!p0 $0x0, s1;
	[sflag:s0] =	ssyncset.done @!p0 $0x0  }
0x58: {  	[sflag:s0] =	ssyncadd.s32 @!p0 s1  }
0x59: {  	[bflag:$0x3] =	sbarrier.arrive $0xFFFF  }
0x5a: {  	_ =	shalt  }

// kernel: kernel.25.cloned.1.call-start
scs
__scs_entry_jumppad:
0x0: {  	(pc) =	sbr.rel $0x88, $3  }
0x1: {  	(tag) =	ssettag $0x0;
	lr =	simm.s32 $0x1  }
0x2: {  	[smem:$0x3F93] =	sst lr;
	_ =	strace $0xD0000000  }
0x3: {  	_ = 	snop  }
0x4: {  	_ = 	snop  }
0x5: {  	_ = 	snop  }
0x6: {  	_ = 	snop  }
0x7: {  	_ = 	snop  }
__scs_overlays_trampoline_lowered:
0x8: {  	[smem:$0x3FA2] =	sst s0  }
0x9: {  	[smem:$0x3FA3] =	sst s1  }
0xa: {  	[smem:$0x3FA4] =	sst s2  }
0xb: {  	[smem:$0x3FA5] =	sst s3  }
0xc: {  	[smem:$0x3FA6] =	sst s4  }
0xd: {  	[smem:$0x3FA7] =	sst s5  }
0xe: {  	[smem:$0x3FA8] =	sst s6  }
0xf: {  	[smem:$0x3FA9] =	sst s7  }
0x10: {  	[smem:$0x3FAA] =	sst s8  }
0x11: {  	[smem:$0x3FAB] =	sst s9;
	s0 =	simm.s32 @!p0 $0x0  }
0x12: {  	s1 =	sld [smem:$0x3F91];
	s0 =	simm.s32 @p0 $0x1  }
0x13: {  	[smem:$0x3FAC] =	sst s0;
	s0 =	simm.s32 @!p1 $0x0  }
0x14: {  	s2 =	sld [smem:$0x3F90];
	s0 =	simm.s32 @p1 $0x1  }
0x15: {  	[smem:$0x3FAD] =	sst s0;
	s0 =	simm.s32 @!p2 $0x0  }
0x16: {  	s3 =	sld [smem:$0x3FDB];
	s0 =	simm.s32 @p2 $0x1  }
0x17: {  	s4 =	simm.s32 $0x1BF5;
	[smem:$0x3FAF] =	sst s0  }
0x18: {  	s0 =	sld [smem:$0x3F92];
	_ =	swait.ge [sflag:s4], $0x0  }
0x19: {  	s7 =	sld [smem:$0x3F93]  }
0x1a: {  	s8 =	sadd.s32 $0xFFFFE003, lr  }
0x1b: {  	s9 =	sadd.s32 $0xFFFFFEF7, lr;
	s5 =	simm.s32 $0xFFFFFFFF;
	p2 =	slt.u32 s8, $0xFFFFF086  }
0x1c: {  	p1 =	slt.u32 s9, $0xF7A;
	s5 =	simm.s32 @!p2 $0x0  }
0x1d: {  	s5 =	simm.s32 @p1 $0x1;
	p0 =	seq.s32 s7, s2  }
0x1e: {  	s7 =	smul.u32 @!p0 $0xF7A, s2;
	p2 =	seq.s32 @!p0 s5, $0x0  }
0x1f: {  	s9 =	smul.u32 $0xF7A, s1;
	s8 =	simm.s32 @!p0 $0x1BF5;
	p2 =	por !p2, p0  }
0x20: {  	[sflag:s8] =	ssyncset.s32 @!p0 $0xFFFFF086;
	s6 =	sadd.s32 @!p0 s3, s7;
	s7 =	simm.s32 @!p0 $0x108  }
0x21: {  	s3 =	sadd.s32 s3, s9;
	s6 =	sadd.s32 @!p0 $0x88, s6;
	s7 =	simm.s32 @p2 $0x1082  }
0x22: {  	[simem:s7], [sflag:s8] =	dma.local @!p0 [hbm:s6], $0xF7A  }
0x23: {  	s9 =	sor.u32 $0xD0000000, s2;
	s6 =	simm.s32 $0x108;
	_ =	swait.ge @!p0 [sflag:s8], $0x0  }
0x24: {  	s3 =	sadd.s32 $0x88, s3;
	s6 =	simm.s32 @!p1 $0x1082;
	[sflag:s4] =	ssyncset.s32 $0xFFFFF086  }
0x25: {  	[simem:s6], [sflag:s4] =	dma.local [hbm:s3], $0xF7A  }
0x26: {  	[smem:$0x3F93] =	sst s1;
	(tag) =	ssettag s2;
	_ =	strace s9  }
0x27: {  	s1 =	sld [smem:$0x3FA3]  }
0x28: {  	s2 =	sld [smem:$0x3FA4]  }
0x29: {  	s4 =	sld [smem:$0x3FA6]  }
0x2a: {  	p0 =	seq.s32 s5, $0x0;
	s5 =	sld [smem:$0x3FA7]  }
0x2b: {  	s6 =	sld [smem:$0x3FA8]  }
0x2c: {  	s7 =	sld [smem:$0x3FA9]  }
0x2d: {  	s3 =	simm.s32 $0x108;
	s8 =	sld [smem:$0x3FAA]  }
0x2e: {  	s3 =	simm.s32 @!p0 $0x1082;
	s9 =	sld [smem:$0x3FAB]  }
0x2f: {  	lr =	sadd.s32 s0, s3;
	s0 =	sld [smem:$0x3FA2]  }
0x30: {  	s3 =	sld [smem:$0x3FA5]  }
0x31: {  	[smem:$0x3FAE] =	sst s10  }
0x32: {  	s10 =	sld [smem:$0x3FAC];
	_ =	sdelay $0x3  }
0x33: {  	p0 =	seq.s32 s10, $0x1;
	s10 =	sld [smem:$0x3FAE];
	_ =	sdelay $0x3  }
0x34: {  	[smem:$0x3FAE] =	sst s10  }
0x35: {  	s10 =	sld [smem:$0x3FAD];
	_ =	sdelay $0x3  }
0x36: {  	p1 =	seq.s32 s10, $0x1;
	s10 =	sld [smem:$0x3FAE];
	_ =	sdelay $0x3  }
0x37: {  	[smem:$0x3FAE] =	sst s10  }
0x38: {  	s10 =	sld [smem:$0x3FAF]  }
0x39: {  	_ = 	snop;
	(pc) =	sbr.ind lr, $3  }
0x3a: {  	_ = 	snop  }
0x3b: {  	_ = 	snop  }
0x3c: {  	p2 =	seq.s32 s10, $0x1;
	s10 =	sld [smem:$0x3FAE]  }
0x3d: {  	_ =	shalt  }
0x3e: {  	_ =	shalt  }
0x3f: {  	_ =	shalt  }
0x40: {  	_ =	shalt  }
0x41: {  	_ =	shalt  }
0x42: {  	_ =	shalt  }
0x43: {  	_ =	shalt  }
0x44: {  	_ =	shalt  }
0x45: {  	_ =	shalt  }
0x46: {  	_ =	shalt  }
0x47: {  	_ =	shalt  }
0x48: {  	_ =	shalt  }
0x49: {  	_ =	shalt  }
0x4a: {  	_ =	shalt  }
0x4b: {  	_ =	shalt  }
0x4c: {  	_ =	shalt  }
0x4d: {  	_ =	shalt  }
0x4e: {  	_ =	shalt  }
0x4f: {  	_ =	shalt  }
0x50: {  	_ =	shalt  }
0x51: {  	_ =	shalt  }
0x52: {  	_ =	shalt  }
0x53: {  	_ =	shalt  }
0x54: {  	_ =	shalt  }
0x55: {  	_ =	shalt  }
0x56: {  	_ =	shalt  }
0x57: {  	_ =	shalt  }
0x58: {  	_ =	shalt  }
0x59: {  	_ =	shalt  }
0x5a: {  	_ =	shalt  }
0x5b: {  	_ =	shalt  }
0x5c: {  	_ =	shalt  }
0x5d: {  	_ =	shalt  }
0x5e: {  	_ =	shalt  }
0x5f: {  	_ =	shalt  }
0x60: {  	_ =	shalt  }
0x61: {  	_ =	shalt  }
0x62: {  	_ =	shalt  }
0x63: {  	_ =	shalt  }
0x64: {  	_ =	shalt  }
0x65: {  	_ =	shalt  }
0x66: {  	_ =	shalt  }
0x67: {  	_ =	shalt  }
0x68: {  	_ =	shalt  }
0x69: {  	_ =	shalt  }
0x6a: {  	_ =	shalt  }
0x6b: {  	_ =	shalt  }
0x6c: {  	_ =	shalt  }
0x6d: {  	_ =	shalt  }
0x6e: {  	_ =	shalt  }
0x6f: {  	_ =	shalt  }
0x70: {  	_ =	shalt  }
0x71: {  	_ =	shalt  }
0x72: {  	_ =	shalt  }
0x73: {  	_ =	shalt  }
0x74: {  	_ =	shalt  }
0x75: {  	_ =	shalt  }
0x76: {  	_ =	shalt  }
0x77: {  	_ =	shalt  }
0x78: {  	_ =	shalt  }
0x79: {  	_ =	shalt  }
0x7a: {  	_ =	shalt  }
0x7b: {  	_ =	shalt  }
0x7c: {  	_ =	shalt  }
0x7d: {  	_ =	shalt  }
0x7e: {  	_ =	shalt  }
0x7f: {  	_ =	shalt  }
0x80: {  	_ =	shalt  }
0x81: {  	_ =	shalt  }
0x82: {  	_ =	shalt  }
0x83: {  	_ =	shalt  }
0x84: {  	_ =	shalt  }
0x85: {  	_ =	shalt  }
0x86: {  	_ =	shalt  }
0x87: {  	_ =	shalt  }
.Lfunc_end0:
.L_simem_size_0:
called_computation.4_lowered:
.L_overlay_start_0:
0x88: {  	s2 =	sld [smem:$0x3FD9]  }
0x89: {  	s3 =	sld [smem:$0x3FFE];
	_ =	sdelay $0x1  }
0x8a: {  	s1 =	srdreg.scid  }
0x8b: {  	s0 =	sand.u32 $0x1, s1  }
0x8c: {  	s16 =	sshll.u32 s0, $0xA;
	s2 =	sadd.s32 s3, s2  }
0x8d: {  	s2 =	sadd.s32 s2, s16  }
0x8e: {  	[smem:$0x3FBA] =	sst s2  }
0x8f: {  	_ = 	snop  }
0x90: {  	(tm) =	ssettm $0x1  }
0x91: {  	s17 =	sld [smem:$0x3FFB];
	_ =	sdelay $0x3  }
0x92: {  	_ =	strace s17  }
0x93: {  	s2 =	sld [smem:$0x3FFC];
	_ =	sdelay $0x3  }
0x94: {  	_ =	strace s2  }
0x95: {  	s2 =	sld [smem:$0x3FFD];
	_ =	sdelay $0x3  }
0x96: {  	_ =	strace s2  }
0x97: {  	_ =	strace $0x8FFFFFFF  }
0x98: {  	s18 =	sld [smem:$0x3FDB];
	_ =	sdelay $0x1  }
0x99: {  	s19 =	simm.s32 $_scs_section_size  }
0x9a: {  	s4 =	simm.s32 $_size__tile_overlayer_lowered;
	s5 =	simm.s32 $_tile_overlayer_lowered  }
0x9b: {  	s22 =	simm.s32 $0x1BFF;
	s21 =	sshll.u32 s5, $0x1;
	s2 =	sadd.s32 s19, s18  }
0x9c: {  	s6 =	simm.s32 $0x0;
	s20 =	sshll.u32 s4, $0x1;
	s4 =	sadd.s32 s21, s2  }
0x9d: {  	[timem:s6], [sflag:s22] =	dma.local [hbm:s4], s20  }
0x9e: {  	_ =	swait.ge [sflag:s22], s20  }
0x9f: {  	s3 =	ssub.s32 $0x0, s20;
	[sflag:s22] =	ssyncset.done $0x0  }
0xa0: {  	[sflag:s22] =	ssyncadd.s32 s3;
	_ =	sdelay $0x1  }
0xa1: {  	s23 =	simm.s32 $0x1B8B  }
0xa2: {  	_ =	swait.ge [sflag:s23], $0x1  }
0xa3: {  	[sflag:s23] =	ssyncset.done $0x0  }
0xa4: {  	s25 =	simm.s32 $0x1B8E;
	s24 =	sld [smem:$0x3FFE];
	[sflag:s23] =	ssyncadd.s32 $0xFFFFFFFF  }
0xa5: {  	s26 =	simm.s32 $execute0_lowered;
	[smem:$0x3FD2] =	sst s25  }
0xa6: {  	s4 =	sshll.u32 s26, $0x1;
	_ =	strace $0x80000052;
	[dreg:$0x1] =	wrdreg $0xFFFFFFFF  }
0xa7: {  	s28 =	simm.s32 $_size_execute0_lowered;
	s2 =	sadd.s32 s2, s4;
	[dreg:$0x0] =	wrdreg $0x0  }
0xa8: {  	s4 =	sshll.u32 s28, $0x1;
	[dreg:$0x2] =	wrdreg s2  }
0xa9: {  	[dreg:$0x3] =	wrdreg s4  }
0xaa: {  	[dreg:$0x4] =	wrdreg $0xC0  }
0xab: {  	_ =	task [dreg:s6], $0x5FFFF  }
0xac: {  	[dreg:$0x1] =	wrdreg $0xFFFFFFFF  }
0xad: {  	[dreg:$0x0] =	wrdreg $0x60  }
0xae: {  	[dreg:$0x2] =	wrdreg s24  }
0xaf: {  	[dreg:$0x3] =	wrdreg $0x29000  }
0xb0: {  	[dreg:$0x4] =	wrdreg $0x9  }
0xb1: {  	_ =	task.clear_ibuf [dreg:s6], $0x5FFFF;
	_ =	strace $0x90000052  }
0xb2: {  	s29 =	simm.s32 $0x9;
	_ =	strace $0x80000054  }
0xb3: {  	_ =	swait.ge [sflag:s29], $0x1  }
0xb4: {  	[sflag:s29] =	ssyncadd.s32 $0xFFFFFFFF  }
0xb5: {  	_ =	strace $0x90000054  }
0xb6: {  	_ =	sfence  }
0xb7: {  	s30 =	sld [smem:$0x0];
	_ =	sdelay $0x2  }
0xb8: {  	s31 =	sshll.u32 s1, $0xD;
	s1 =	sshrl.u32 s1, $0x2  }
0xb9: {  	s3 =	sand.u32 $0x4000, s31;
	s1 =	sadd.s32 s1, s30  }
0xba: {  	s0 =	sor.u32 s3, s0;
	s1 =	sshll.u32 s1, $0x11  }
0xbb: {  	s0 =	sor.u32 s1, s0  }
0xbc: {  	s0 =	sadd.s32 $0x8F2B, s0  }
0xbd: {  	[sflag:s0] =	ssyncadd.remote.s32 $0x1  }
0xbe: {  	_ =	sfence.sel $0xFFFF  }
0xbf: {  	[dreg:$0x0] =	wrdreg $0xFFFFFFFF;
	(pc) =	sbr.abs _section_cstart, $3  }
0xc0: {  	[dreg:$0x1] =	wrdreg $0xFFFFFFFF  }
0xc1: {  	_ =	task.clear_ibuf [dreg:s6], $0x2FFFF;
	_ =	strace $0x9FFFFFFF  }
0xc2: {  	(tm) =	ssettm $0x7FFFFFFF  }
0xc3: {  	_ =	shalt  }
tec
execute0_lowered:
.L_overlay_start_1:
0x0: {  	(tag) =	ssettag $0x1  }
0x1: {  	s6 =	rddreg [dreg:$0x0]  }
0x2: {  	s2 =	rddreg [dreg:$0x1]  }
0x3: {  	s0 =	srdreg.scid;
	s1 =	rddreg [dreg:$0x2]  }
0x4: {  	s3 =	simm.s32 $0x0;
	s13 =	simm.s32 $0x80;
	s7 =	sand.u32 $0x1, s0  }
0x5: {  	s14 =	simm.s32 $0x50;
	s0 =	stileid.u32;
	s4 =	smul.u32 $0x27100, s7  }
0x6: {  	s15 =	simm.s32 $0x100;
	s16 =	simm.s32 $0x1;
	s5 =	smul.u32 $0x2710, s0  }
0x7: {  	s17 =	simm.s32 $0x0;
	[smem:$0x7FF] =	sst s3;
	s8 =	smul.u32 $0x138800, s7  }
0x8: {  	s9 =	smul.u32 $0x13800, s0;
	_ =	strace $0x80000053;
	s7 =	ssub.s32 $0x2, s7  }
0x9: {  	s29 =	smul.u32 $0x4E000, s0;
	s31 =	sshll.u32 s0, $0x6;
	s30 =	sshrl.u32 s7, $0x1  }
0xa: {  	s5 =	sadd.s32 s5, s4;
	s4 =	sadd.s32 $0x689C00, s6;
	s8 =	sadd.s32 s9, s8  }
0xb: {  	s9 =	sshrl.u32 s29, $0x2;
	s11 =	ssub.s32 s7, s30;
	s5 =	sshrl.u32 s5, $0x3  }
0xc: {  	s8 =	sshrl.u32 s8, $0x3;
	s12 =	sadd.s32 s9, s2;
	s10 =	sadd.s32 s5, s6  }
0xd: {  	s5 =	sadd.s32 $0x687400, s6;
	s8 =	sadd.s32 s8, s6;
	s6 =	sor.u32 $0x1C02, s31  }
0xe: {  	s7 =	sadd.s32 $0x3C8C00, s8;
	s8 =	smax.u32 s11, $0x1;
	s9 =	sadd.s32 $0xAE00, s10  }
0xf: {  	s10 =	sadd.s32 $0x67D600, s10;
	s11 =	sshrl.u32 s12, $0x3;
	s12 =	simm.s32 $0x2  }
.LBB2_1:
0x10: {  	[spmem:s11], [sflag:s6] =	dma.local [hbm:s5], $0x2800  }
0x11: {  	_ =	swait.ge [sflag:s12], $0x2800  }
0x12: {  	[sflag:s12] =	ssyncset.done $0x0  }
0x13: {  	[sflag:s12] =	ssyncadd.s32 $0xFFFFD800  }
0x14: {  	s18 =	sadd.s32 $0x0, s10;
	[bflag:$0x0] =	sbarrier.arrive $0xFFFF  }
0x15: {  	[tilespmem:s3], [sflag:$0x2] =	stream.linear.gather [hbm4b:s18+s3], $0x50, $0x38;
	[tilespmem:$0x16180] =	vst v63  }
0x16: {  	_ =	swait.ge [sflag:s12], $0x50  }
0x17: {  	[sflag:s12] =	ssyncset.done $0x0  }
0x18: {  	s31 =	sadd.s32 $0x0, s9;
	[sflag:s12] =	ssyncadd.s32 $0xFFFFFFB0  }
0x19: {  	[tilespmem:s13], [sflag:$0x2] =	stream.linear.gather [hbm4b:s31+s3], $0x50, $0x38;
	[tilespmem:$0x16180] =	vst v63  }
0x1a: {  	_ =	swait.ge [sflag:s12], $0x50  }
0x1b: {  	[sflag:s12] =	ssyncset.done $0x0  }
0x1c: {  	[sflag:s12] =	ssyncadd.s32 $0xFFFFFFB0  }
0x1d: {  	[tilespmem:s15], [sflag:$0x1] =	stream.indirect.gather [hbm4b:s4+s14], $0x80, s3, s14, $0xb8;
	[tilespmem:$0x16180] =	vst v63  }
0x1e: {  	_ =	swait.ge [sflag:s16], $0x2800  }
0x1f: {  	[sflag:s16] =	ssyncset.done $0x0  }
0x20: {  	[sflag:s16] =	ssyncadd.s32 $0xFFFFD800  }
0x21: {  	[spmem:s2] =	stream.indirect.scatter.add.f32 [tilespmem:s15], [sflag:$0x2], $0x80, s13, s14, $0xb8;
	[tilespmem:$0x16180] =	vst v63  }
0x22: {  	_ =	swait.ge [sflag:s12], $0x2800  }
0x23: {  	s19 =	simm.s32 $0x14;
	s18 =	simm.s32 $0xA;
	[sflag:s12] =	ssyncset.done $0x0  }
.LBB2_2:
0x24: {  	s20 =	sadd.s32 s18, s10  }
0x25: {  	[sflag:s12] =	ssyncadd.s32 $0xFFFFD800;
	s21 =	smov.u32 s19;
	s22 =	sadd.s32 $0xA, s19  }
0x26: {  	[tilespmem:s3], [sflag:$0x2] =	stream.linear.gather [hbm4b:s20+s3], $0x50, $0x38;
	[tilespmem:$0x16180] =	vst v63  }
0x27: {  	p0 =	sne.s32 s19, $0x4D8;
	_ =	swait.ge [sflag:s12], $0x50  }
0x28: {  	[sflag:s12] =	ssyncset.done $0x0  }
0x29: {  	s19 =	sadd.s32 s18, s9;
	s18 =	smov.u32 s21;
	[sflag:s12] =	ssyncadd.s32 $0xFFFFFFB0  }
0x2a: {  	[tilespmem:s13], [sflag:$0x2] =	stream.linear.gather [hbm4b:s19+s3], $0x50, $0x38;
	[tilespmem:$0x16180] =	vst v63  }
0x2b: {  	_ =	swait.ge [sflag:s12], $0x50  }
0x2c: {  	[sflag:s12] =	ssyncset.done $0x0  }
0x2d: {  	[sflag:s12] =	ssyncadd.s32 $0xFFFFFFB0  }
0x2e: {  	[tilespmem:s15], [sflag:$0x1] =	stream.indirect.gather [hbm4b:s4+s14], $0x80, s3, s14, $0xb8;
	[tilespmem:$0x16180] =	vst v63  }
0x2f: {  	_ =	swait.ge [sflag:s16], $0x2800  }
.Ltmp0:
0x30: {  	[sflag:s16] =	ssyncset.done $0x0;
	(pc) =	sbr.rel @p0 .LBB2_2-.Ltmp0, $4  }
0x31: {  	[sflag:s16] =	ssyncadd.s32 $0xFFFFD800  }
0x32: {  	[spmem:s2] =	stream.indirect.scatter.add.f32 [tilespmem:s15], [sflag:$0x2], $0x80, s13, s14, $0xb8;
	[tilespmem:$0x16180] =	vst v63  }
0x33: {  	_ =	swait.ge [sflag:s12], $0x2800  }
0x34: {  	s19 =	smov.u32 s22;
	[sflag:s12] =	ssyncset.done $0x0  }
0x35: {  	s19 =	sadd.s32 s18, s10;
	[sflag:s12] =	ssyncadd.s32 $0xFFFFD800  }
0x36: {  	[tilespmem:s3], [sflag:$0x2] =	stream.linear.gather [hbm4b:s19+s3], $0x50, $0x38;
	[tilespmem:$0x16180] =	vst v63  }
0x37: {  	_ =	swait.ge [sflag:s12], $0x50  }
0x38: {  	[sflag:s12] =	ssyncset.done $0x0  }
0x39: {  	s31 =	sadd.s32 s18, s9;
	[sflag:s12] =	ssyncadd.s32 $0xFFFFFFB0  }
0x3a: {  	[tilespmem:s13], [sflag:$0x2] =	stream.linear.gather [hbm4b:s31+s3], $0x50, $0x38;
	[tilespmem:$0x16180] =	vst v63  }
0x3b: {  	_ =	swait.ge [sflag:s12], $0x50  }
0x3c: {  	[sflag:s12] =	ssyncset.done $0x0  }
0x3d: {  	[sflag:s12] =	ssyncadd.s32 $0xFFFFFFB0  }
0x3e: {  	[tilespmem:s15], [sflag:$0x1] =	stream.indirect.gather [hbm4b:s4+s14], $0x80, s3, s14, $0xb8;
	[tilespmem:$0x16180] =	vst v63  }
0x3f: {  	_ =	swait.ge [sflag:s16], $0x2800  }
0x40: {  	[sflag:s16] =	ssyncset.done $0x0  }
0x41: {  	[sflag:s16] =	ssyncadd.s32 $0xFFFFD800  }
0x42: {  	[spmem:s2] =	stream.indirect.scatter.add.f32 [tilespmem:s15], [sflag:$0x2], $0x80, s13, s14, $0xb8;
	[tilespmem:$0x16180] =	vst v63  }
0x43: {  	_ =	swait.ge [sflag:s12], $0x2800  }
0x44: {  	s17 =	sadd.s32 $0x1, s17;
	[sflag:s12] =	ssyncset.done $0x0  }
0x45: {  	p0 =	sne.s32 s17, s8;
	[sflag:s12] =	ssyncadd.s32 $0xFFFFD800  }
.Ltmp1:
0x46: {  	[bflag:$0x0] =	sbarrier.arrive $0xFFFF;
	(pc) =	sbr.rel @p0 .LBB2_1-.Ltmp1, $4  }
0x47: {  	[hbm:s7], [sflag:s6] =	dma.local [spmem:s11], $0x2800  }
0x48: {  	_ =	swait.ge [sflag:s12], $0x2800  }
0x49: {  	[sflag:s12] =	ssyncset.done $0x0  }
0x4a: {  	[sflag:s12] =	ssyncadd.s32 $0xFFFFD800  }
0x4b: {  	_ =	sfence.sel $0x180000  }
0x4c: {  	[bflag:$0x0] =	sbarrier.arrive $0xFFFF  }
0x4d: {  	p0 =	sne.s32 s0, $0x0;
	_ =	strace $0x90000053  }
0x4e: {  	s0 =	sadd.s32 @!p0 $0x100000, s1;
	[bflag:$0x2] =	sbarrier.arrive $0xFFFF  }
0x4f: {  	[sflag:s0] =	ssyncadd.tile.s32 @!p0 $0x1;
	_ =	shalt  }
.Lfunc_end2:
_tile_overlayer_lowered:
.L_overlay_start_2:
0x50: {  	(tag) =	ssettag $0x2  }
0x51: {  	s0 =	rddreg [dreg:$0x0];
	s2 =	stileid.u32  }
0x52: {  	s1 =	rddreg [dreg:$0x1];
	p0 =	sne.s32 s2, $0x0  }
0x53: {  	s3 =	rddreg [dreg:$0x2];
	[bflag:$0x3] =	sbarrier.arrive $0xFFFF;
	s2 =	simm.s32 @!p0 $0x1C02  }
0x54: {  	[timem:s3], [sflag:s2] =	dma.local @!p0 [hbm:s0], s1  }
0x55: {  	s0 =	simm.s32 @!p0 $0x2  }
0x56: {  	_ =	swait.ge @!p0 [sflag:s0], s1  }
0x57: {  	s1 =	ssub.s32 @!p0 $0x0, s1;
	[sflag:s0] =	ssyncset.done @!p0 $0x0  }
0x58: {  	[sflag:s0] =	ssyncadd.s32 @!p0 s1  }
0x59: {  	[bflag:$0x3] =	sbarrier.arrive $0xFFFF  }
0x5a: {  	_ =	shalt  }

</sc_bundles>
